<compile_context>
chip_gen: v7x
topology: tpu7x:2x2x1
jax: 0.10.2.dev20260603
libtpu: 0.0.44.dev20260713+nightly
codegen_flags: <defaults>
</compile_context>

<pallas_src>
import functools
import math

import jax
import jax.numpy as jnp
import numpy as np
from jax import lax
from jax.experimental import pallas as pl
from jax.experimental.pallas import tpu as pltpu
from jax.experimental.pallas import tpu_sc as plsc

EPS_ = 1e-7
TAU_ = 0.01
K_ = 5
B_ = 2
N_ = 4096
D_ = 4096
NTILES_ = 32
CH_ = D_ // NTILES_
NL_ = 16

def _uniform_key42() -> np.ndarray:
    def rotl(x, r):
        return (x << np.uint32(r)) | (x >> np.uint32(32 - r))

    size = B_ * N_
    x = [np.zeros(size, np.uint32), np.arange(size, dtype=np.uint32)]
    ks = [np.uint32(0), np.uint32(42),
          np.uint32(0) ^ np.uint32(42) ^ np.uint32(0x1BD11BDA)]
    rot = [[13, 15, 26, 6], [17, 29, 16, 24]]
    x[0] = x[0] + ks[0]
    x[1] = x[1] + ks[1]

    def rounds(x, rots):
        for r in rots:
            x[0] = x[0] + x[1]
            x[1] = rotl(x[1], r)
            x[1] = x[0] ^ x[1]

    rounds(x, rot[0]); x[0] = x[0] + ks[1]; x[1] = x[1] + ks[2] + np.uint32(1)
    rounds(x, rot[1]); x[0] = x[0] + ks[2]; x[1] = x[1] + ks[0] + np.uint32(2)
    rounds(x, rot[0]); x[0] = x[0] + ks[0]; x[1] = x[1] + ks[1] + np.uint32(3)
    rounds(x, rot[1]); x[0] = x[0] + ks[1]; x[1] = x[1] + ks[2] + np.uint32(4)
    rounds(x, rot[0]); x[0] = x[0] + ks[2]; x[1] = x[1] + ks[0] + np.uint32(5)
    bits = x[0] ^ x[1]
    fbits = (bits >> np.uint32(9)) | np.uint32(0x3F800000)
    f = fbits.view(np.float32) - np.float32(1.0)
    lo = np.float32(1e-6)
    rng = np.float32(np.float32(1.0 - 1e-6) - lo)
    u = np.array([np.float32(math.fma(float(a), float(rng), float(lo)))
                  for a in f], dtype=np.float32)
    return np.maximum(lo, u).reshape(B_, N_)


_U2D = _uniform_key42()


def _topk_body(logit_ref, bg_ref, u_ref, ml_ref, meta_ref, pidx_ref):
    logit = logit_ref[...]
    bg = bg_ref[...]
    u = u_ref[...]
    ml = logit + jnp.log(jnp.maximum(1.0 - bg, EPS_))
    ml_ref[...] = ml
    g = -jnp.log(-jnp.log(u))
    cur = ml + g
    col = lax.broadcasted_iota(jnp.int32, (B_, N_), 1)
    srow = lax.broadcasted_iota(jnp.int32, (16, 1), 0)
    sel = jnp.zeros((16, 1), jnp.int32)
    wsel = jnp.zeros((16, 1), jnp.float32)
    for kk in range(K_):
        x = cur / TAU_
        xmax = jnp.max(x, axis=-1, keepdims=True)
        denom = jnp.sum(jnp.exp(x - xmax), axis=-1, keepdims=True)
        m = jnp.max(cur, axis=-1, keepdims=True)
        idxv = jnp.min(jnp.where(cur == m, col, N_), axis=-1, keepdims=True)
        i0 = idxv[0, 0]
        i1 = idxv[1, 0]
        sel = jnp.where(srow == 2 * kk, i0, sel)
        sel = jnp.where(srow == 2 * kk + 1, i1 + N_, sel)
        wsel = jnp.where(srow == 2 * kk, 1.0 / denom[0, 0], wsel)
        wsel = jnp.where(srow == 2 * kk + 1, 1.0 / denom[1, 0], wsel)
        pidx_ref[kk] = i0
        cur = jnp.where(col == idxv, cur - 1e9, cur)
    for t in range(K_, 8):
        pidx_ref[t] = 0
    cj = lax.broadcasted_iota(jnp.int32, (16, CH_), 1)
    base = ((cj // 16) * 1024 + ((cj % 16) // 8) * 512
            + (sel // 128) * 8 + (cj % 8))
    lane = jnp.broadcast_to(sel % 128, (16, CH_))
    wbits = lax.bitcast_convert_type(
        jnp.broadcast_to(wsel, (16, CH_)), jnp.int32)
    meta_ref[...] = jnp.concatenate([base, lane, wbits], axis=0)


def _topk(logit2d, bg2d, u2d):
    return pl.pallas_call(
        _topk_body,
        out_shape=(
            jax.ShapeDtypeStruct((B_, N_), jnp.float32),
            jax.ShapeDtypeStruct((48, CH_), jnp.int32),
            jax.ShapeDtypeStruct((8,), jnp.int32),
        ),
        out_specs=(
            pl.BlockSpec(memory_space=pltpu.VMEM),
            pl.BlockSpec(memory_space=pltpu.VMEM),
            pl.BlockSpec(memory_space=pltpu.SMEM),
        ),
    )(logit2d, bg2d, u2d)


def _sc_gather_body(table, meta_hbm, out_hbm,
                    meta_v, idx_v, buf0, buf1, buf2, outrow_v,
                    sem0, sem1, sem2):
    wid = lax.axis_index("s") * 2 + lax.axis_index("c")
    pltpu.sync_copy(meta_hbm, meta_v)
    off = wid * 8192
    for s in range(2 * K_):
        for gq in range(CH_ // NL_):
            sl = pl.ds(gq * NL_, NL_)
            idx_v[s, sl] = meta_v[s, sl] + off
    bufs = (buf0, buf1, buf2)
    sems = (sem0, sem1, sem2)
    iota = lax.iota(jnp.int32, NL_)

    def fire(kk):
        b = bufs[kk % 3]
        sem = sems[kk % 3]
        c0 = pltpu.async_copy(table.at[idx_v.at[2 * kk]],
                              b.at[pl.ds(0, CH_)], sem)
        c1 = pltpu.async_copy(table.at[idx_v.at[2 * kk + 1]],
                              b.at[pl.ds(CH_, CH_)], sem)
        return (c0, c1)

    pending = {kk: fire(kk) for kk in range(3)}
    for kk in range(K_):
        for c in pending.pop(kk):
            c.wait()
        b = bufs[kk % 3]
        la = meta_v[16 + 2 * kk, pl.ds(0, NL_)]
        lb = meta_v[16 + 2 * kk + 1, pl.ds(0, NL_)]
        wa = plsc.bitcast(meta_v[32 + 2 * kk, pl.ds(0, NL_)], jnp.float32)
        wb = plsc.bitcast(meta_v[32 + 2 * kk + 1, pl.ds(0, NL_)], jnp.float32)
        for gq in range(CH_ // NL_):
            rows = iota + (gq * NL_)
            va = plsc.load_gather(b, [rows, la])
            vb = plsc.load_gather(b, [rows + CH_, lb])
            outrow_v[pl.ds(gq * NL_, NL_)] = wa * va + wb * vb
        if kk + 3 < K_:
            pending[kk + 3] = fire(kk + 3)
        pltpu.sync_copy(outrow_v, out_hbm.at[kk, wid])


@functools.lru_cache(maxsize=None)
def _sc_gather_call():
    mesh = plsc.VectorSubcoreMesh(core_axis_name="c", subcore_axis_name="s")
    return pl.kernel(
        _sc_gather_body,
        mesh=mesh,
        out_type=jax.ShapeDtypeStruct((K_, NTILES_, CH_), jnp.float32),
        scratch_types=[
            pltpu.VMEM((48, CH_), jnp.int32),
            pltpu.VMEM((16, CH_), jnp.int32),
            pltpu.VMEM((2 * CH_, CH_), jnp.float32),
            pltpu.VMEM((2 * CH_, CH_), jnp.float32),
            pltpu.VMEM((2 * CH_, CH_), jnp.float32),
            pltpu.VMEM((CH_,), jnp.float32),
            pltpu.SemaphoreType.DMA,
            pltpu.SemaphoreType.DMA,
            pltpu.SemaphoreType.DMA,
        ],
        compiler_params=pltpu.CompilerParams(needs_layout_passes=False),
    )


def kernel(local_patches, logit, background_mask, k):
    logit2d = logit.reshape(B_, N_)
    bg2d = background_mask.reshape(B_, N_)
    u2d = jnp.asarray(_U2D)
    ml, meta, pidx = _topk(logit2d, bg2d, u2d)
    v = local_patches.reshape(64, 128, 16, 16, 2, 8)
    table = v.transpose(2, 3, 4, 0, 5, 1).reshape(64 * 4096, 128)
    patches = _sc_gather_call()(table, meta)
    return (patches.reshape(K_, 1, 16, 16, 16),
            ml.reshape(B_, 1, 16, 16, 16),
            pidx[:K_])

# --- scband reference (transcript-rebuilt; emitter-appended) ---
"""Pipeline reference for scband-sample-top-kpatch-31920196944415 (READ-ONLY COPY).

The authoritative reference and input builder live on the scoring server;
editing this copy changes nothing except your own understanding.
"""

import jax, jax.numpy as jnp
import numpy as np

EPS = 1e-7
TAU = 0.01


def setup_inputs(seed: int = 0) -> dict:
    key = jax.random.key(seed)
    k1, k2, k3 = jax.random.split(key, 3)
    local_patches = jax.random.normal(k1, (8192, 1, 16, 16, 16), dtype=jnp.float32)
    logit = jax.random.normal(k2, (2, 1, 16, 16, 16), dtype=jnp.float32)
    background_mask = jax.random.uniform(k3, (2, 1, 16, 16, 16), dtype=jnp.float32)
    return {"local_patches": local_patches, "logit": logit, "background_mask": background_mask, "k": 5}


def _gumbel_topk(flat, k, tau, key):
    # flat: [B, N] masked logits. Perturb with Gumbel noise, then take k
    # successive (hard one-hot, soft softmax) samples without replacement.
    u = jax.random.uniform(key, flat.shape, dtype=flat.dtype, minval=1e-6, maxval=1.0 - 1e-6)
    g = -jnp.log(-jnp.log(u))
    cur = flat + g
    N = flat.shape[-1]
    hards, softs = [], []
    for _ in range(k):
        soft = jax.nn.softmax(cur / tau, axis=-1)
        idx = jnp.argmax(cur, axis=-1)
        hard = jax.nn.one_hot(idx, N, dtype=flat.dtype)
        hards.append(hard)
        softs.append(soft)
        # mask out the selected entry for the next draw
        cur = cur - jax.lax.stop_gradient(hard) * 1e9
    return jnp.stack(hards, axis=0), jnp.stack(softs, axis=0)  # [k, B, N]


def reference(local_patches, logit, background_mask, k):
    K = 5
    B = logit.shape[0]
    log_mask = jnp.log(jnp.maximum(1.0 - background_mask, EPS))
    masked_logit = logit + log_mask + jnp.zeros_like(logit) * k  # [B,1,Hn,Wn,Dn]
    flat = masked_logit.reshape(B, -1)                   # [B, Hn*Wn*Dn]
    one_hots, soft_hots = _gumbel_topk(flat, K, TAU, jax.random.key(42))
    one_hots_f = one_hots.reshape(K, -1)                 # [K, B*Hn*Wn*Dn]
    soft_hots_f = soft_hots.reshape(K, -1)               # [K, B*Hn*Wn*Dn]
    # TRAIN mode, VOL key: weight = hard * soft (straight-through style gather)
    patches = jnp.einsum('nchwd,kn->kchwd', local_patches, one_hots_f * soft_hots_f)
    patch_indexes = jnp.argmax(one_hots_f, axis=-1)      # [K] selected patch ids (slice meta)
    return patches, masked_logit, patch_indexes

if __name__ == "__main__":
    import jax
    _d = setup_inputs()
    print(jax.jit(kernel)(*tuple(_d.values())))

</pallas_src>

<mosaic_0001>
#map = affine_map<(d0, d1) -> (0, 0)>
#map1 = affine_map<(d0, d1) -> (0, 0, 0)>
module attributes {stable_mosaic.version = 14 : i64} {
  func.func @_sc_gather_body(%arg0: i32, %arg1: i32, %arg2: memref<262144x128xf32, #tpu.memory_space<hbm>>, %arg3: memref<48x128xi32, #tpu.memory_space<hbm>>, %arg4: memref<5x32x128xf32, #tpu.memory_space<hbm>>, %arg5: memref<48x128xi32, #tpu.memory_space<vmem>>, %arg6: memref<16x128xi32, #tpu.memory_space<vmem>>, %arg7: memref<256x128xf32, #tpu.memory_space<vmem>>, %arg8: memref<256x128xf32, #tpu.memory_space<vmem>>, %arg9: memref<256x128xf32, #tpu.memory_space<vmem>>, %arg10: memref<128xf32, #tpu.memory_space<vmem>>, %arg11: memref<!tpu.dma_semaphore, #tpu.memory_space<semaphore_mem>>, %arg12: memref<!tpu.dma_semaphore, #tpu.memory_space<semaphore_mem>>, %arg13: memref<!tpu.dma_semaphore, #tpu.memory_space<semaphore_mem>>) attributes {dimension_semantics = [#tpu.dimension_semantics<core_parallel>, #tpu.dimension_semantics<subcore_parallel>], iteration_bounds = array<i64: 2, 16>, scalar_prefetch = 0 : i64, scratch_operands = 9 : i64, tpu.core_type = #tpu.core_type<sc_vector_subcore>, window_params = [{transform_indices = #map}, {transform_indices = #map}, {transform_indices = #map1}]} {
    %mul3A = arith.constant 2 : i32
    %mul3A_0 = arith.muli %arg1, %mul3A : i32
    %add3A = arith.addi %mul3A_0, %arg0 : i32
    "tpu.region"() ({
      %run_scoped3A_1611 = tpu.sem_alloc : memref<!tpu.dma_semaphore, #tpu.memory_space<semaphore_mem>>
      tpu.enqueue_dma source(%arg3 : memref<48x128xi32, #tpu.memory_space<hbm>>) target(%arg5 : memref<48x128xi32, #tpu.memory_space<vmem>>) target_semaphore(%run_scoped3A_1611 : memref<!tpu.dma_semaphore, #tpu.memory_space<semaphore_mem>>)
      tpu.wait_dma2 semaphore(%run_scoped3A_1611 : memref<!tpu.dma_semaphore, #tpu.memory_space<semaphore_mem>>) src(%arg3 : memref<48x128xi32, #tpu.memory_space<hbm>>) dst(%arg5 : memref<48x128xi32, #tpu.memory_space<vmem>>)
      tpu.yield
    }) : () -> ()
    %mul3A_1 = arith.constant 8192 : i32
    %mul3A_2 = arith.muli %add3A, %mul3A_1 : i32
    %get3A = arith.constant 0 : i32
    %get3A_3 = arith.index_cast %get3A : i32 to index
    %get3A_4 = arith.constant 0 : index
    %get3A_5 = tpu.vector_load %arg5[%get3A_3, %get3A_4] {strides = array<i32>} : memref<48x128xi32, #tpu.memory_space<vmem>>, vector<16xi32>,
    %add3A_6 = vector.broadcast %mul3A_2 : i32 to vector<16xi32>
    %add3A_7 = arith.addi %get3A_5, %add3A_6 : vector<16xi32>
    %swap3A = arith.constant 0 : i32
    %swap3A_8 = arith.index_cast %swap3A : i32 to index
    %swap3A_9 = arith.constant 0 : index
    %swap3A_10 = tpu.vector_load %arg6[%swap3A_8, %swap3A_9] {strides = array<i32>} : memref<16x128xi32, #tpu.memory_space<vmem>>, vector<16xi32>,
    tpu.vector_store %arg6[%swap3A_8, %swap3A_9], %add3A_7 {strides = array<i32>} : memref<16x128xi32, #tpu.memory_space<vmem>>, vector<16xi32>,
    %get3A_11 = arith.constant 0 : i32
    %get3A_12 = arith.index_cast %get3A_11 : i32 to index
    %get3A_13 = arith.constant 16 : index
    %get3A_14 = tpu.vector_load %arg5[%get3A_12, %get3A_13] {strides = array<i32>} : memref<48x128xi32, #tpu.memory_space<vmem>>, vector<16xi32>,
    %add3A_15 = vector.broadcast %mul3A_2 : i32 to vector<16xi32>
    %add3A_16 = arith.addi %get3A_14, %add3A_15 : vector<16xi32>
    %swap3A_17 = arith.constant 0 : i32
    %swap3A_18 = arith.index_cast %swap3A_17 : i32 to index
    %swap3A_19 = arith.constant 16 : index
    %swap3A_20 = tpu.vector_load %arg6[%swap3A_18, %swap3A_19] {strides = array<i32>} : memref<16x128xi32, #tpu.memory_space<vmem>>, vector<16xi32>,
    tpu.vector_store %arg6[%swap3A_18, %swap3A_19], %add3A_16 {strides = array<i32>} : memref<16x128xi32, #tpu.memory_space<vmem>>, vector<16xi32>,
    %get3A_21 = arith.constant 0 : i32
    %get3A_22 = arith.index_cast %get3A_21 : i32 to index
    %get3A_23 = arith.constant 32 : index
    %get3A_24 = tpu.vector_load %arg5[%get3A_22, %get3A_23] {strides = array<i32>} : memref<48x128xi32, #tpu.memory_space<vmem>>, vector<16xi32>,
    %add3A_25 = vector.broadcast %mul3A_2 : i32 to vector<16xi32>
    %add3A_26 = arith.addi %get3A_24, %add3A_25 : vector<16xi32>
    %swap3A_27 = arith.constant 0 : i32
    %swap3A_28 = arith.index_cast %swap3A_27 : i32 to index
    %swap3A_29 = arith.constant 32 : index
    %swap3A_30 = tpu.vector_load %arg6[%swap3A_28, %swap3A_29] {strides = array<i32>} : memref<16x128xi32, #tpu.memory_space<vmem>>, vector<16xi32>,
    tpu.vector_store %arg6[%swap3A_28, %swap3A_29], %add3A_26 {strides = array<i32>} : memref<16x128xi32, #tpu.memory_space<vmem>>, vector<16xi32>,
    %get3A_31 = arith.constant 0 : i32
    %get3A_32 = arith.index_cast %get3A_31 : i32 to index
    %get3A_33 = arith.constant 48 : index
    %get3A_34 = tpu.vector_load %arg5[%get3A_32, %get3A_33] {strides = array<i32>} : memref<48x128xi32, #tpu.memory_space<vmem>>, vector<16xi32>,
    %add3A_35 = vector.broadcast %mul3A_2 : i32 to vector<16xi32>
    %add3A_36 = arith.addi %get3A_34, %add3A_35 : vector<16xi32>
    %swap3A_37 = arith.constant 0 : i32
    %swap3A_38 = arith.index_cast %swap3A_37 : i32 to index
    %swap3A_39 = arith.constant 48 : index
    %swap3A_40 = tpu.vector_load %arg6[%swap3A_38, %swap3A_39] {strides = array<i32>} : memref<16x128xi32, #tpu.memory_space<vmem>>, vector<16xi32>,
    tpu.vector_store %arg6[%swap3A_38, %swap3A_39], %add3A_36 {strides = array<i32>} : memref<16x128xi32, #tpu.memory_space<vmem>>, vector<16xi32>,
    %get3A_41 = arith.constant 0 : i32
    %get3A_42 = arith.index_cast %get3A_41 : i32 to index
    %get3A_43 = arith.constant 64 : index
    %get3A_44 = tpu.vector_load %arg5[%get3A_42, %get3A_43] {strides = array<i32>} : memref<48x128xi32, #tpu.memory_space<vmem>>, vector<16xi32>,
    %add3A_45 = vector.broadcast %mul3A_2 : i32 to vector<16xi32>
    %add3A_46 = arith.addi %get3A_44, %add3A_45 : vector<16xi32>
    %swap3A_47 = arith.constant 0 : i32
    %swap3A_48 = arith.index_cast %swap3A_47 : i32 to index
    %swap3A_49 = arith.constant 64 : index
    %swap3A_50 = tpu.vector_load %arg6[%swap3A_48, %swap3A_49] {strides = array<i32>} : memref<16x128xi32, #tpu.memory_space<vmem>>, vector<16xi32>,
    tpu.vector_store %arg6[%swap3A_48, %swap3A_49], %add3A_46 {strides = array<i32>} : memref<16x128xi32, #tpu.memory_space<vmem>>, vector<16xi32>,
    %get3A_51 = arith.constant 0 : i32
    %get3A_52 = arith.index_cast %get3A_51 : i32 to index
    %get3A_53 = arith.constant 80 : index
    %get3A_54 = tpu.vector_load %arg5[%get3A_52, %get3A_53] {strides = array<i32>} : memref<48x128xi32, #tpu.memory_space<vmem>>, vector<16xi32>,
    %add3A_55 = vector.broadcast %mul3A_2 : i32 to vector<16xi32>
    %add3A_56 = arith.addi %get3A_54, %add3A_55 : vector<16xi32>
    %swap3A_57 = arith.constant 0 : i32
    %swap3A_58 = arith.index_cast %swap3A_57 : i32 to index
    %swap3A_59 = arith.constant 80 : index
    %swap3A_60 = tpu.vector_load %arg6[%swap3A_58, %swap3A_59] {strides = array<i32>} : memref<16x128xi32, #tpu.memory_space<vmem>>, vector<16xi32>,
    tpu.vector_store %arg6[%swap3A_58, %swap3A_59], %add3A_56 {strides = array<i32>} : memref<16x128xi32, #tpu.memory_space<vmem>>, vector<16xi32>,
    %get3A_61 = arith.constant 0 : i32
    %get3A_62 = arith.index_cast %get3A_61 : i32 to index
    %get3A_63 = arith.constant 96 : index
    %get3A_64 = tpu.vector_load %arg5[%get3A_62, %get3A_63] {strides = array<i32>} : memref<48x128xi32, #tpu.memory_space<vmem>>, vector<16xi32>,
    %add3A_65 = vector.broadcast %mul3A_2 : i32 to vector<16xi32>
    %add3A_66 = arith.addi %get3A_64, %add3A_65 : vector<16xi32>
    %swap3A_67 = arith.constant 0 : i32
    %swap3A_68 = arith.index_cast %swap3A_67 : i32 to index
    %swap3A_69 = arith.constant 96 : index
    %swap3A_70 = tpu.vector_load %arg6[%swap3A_68, %swap3A_69] {strides = array<i32>} : memref<16x128xi32, #tpu.memory_space<vmem>>, vector<16xi32>,
    tpu.vector_store %arg6[%swap3A_68, %swap3A_69], %add3A_66 {strides = array<i32>} : memref<16x128xi32, #tpu.memory_space<vmem>>, vector<16xi32>,
    %get3A_71 = arith.constant 0 : i32
    %get3A_72 = arith.index_cast %get3A_71 : i32 to index
    %get3A_73 = arith.constant 112 : index
    %get3A_74 = tpu.vector_load %arg5[%get3A_72, %get3A_73] {strides = array<i32>} : memref<48x128xi32, #tpu.memory_space<vmem>>, vector<16xi32>,
    %add3A_75 = vector.broadcast %mul3A_2 : i32 to vector<16xi32>
    %add3A_76 = arith.addi %get3A_74, %add3A_75 : vector<16xi32>
    %swap3A_77 = arith.constant 0 : i32
    %swap3A_78 = arith.index_cast %swap3A_77 : i32 to index
    %swap3A_79 = arith.constant 112 : index
    %swap3A_80 = tpu.vector_load %arg6[%swap3A_78, %swap3A_79] {strides = array<i32>} : memref<16x128xi32, #tpu.memory_space<vmem>>, vector<16xi32>,
    tpu.vector_store %arg6[%swap3A_78, %swap3A_79], %add3A_76 {strides = array<i32>} : memref<16x128xi32, #tpu.memory_space<vmem>>, vector<16xi32>,
    %get3A_81 = arith.constant 1 : i32
    %get3A_82 = arith.index_cast %get3A_81 : i32 to index
    %get3A_83 = arith.constant 0 : index
    %get3A_84 = tpu.vector_load %arg5[%get3A_82, %get3A_83] {strides = array<i32>} : memref<48x128xi32, #tpu.memory_space<vmem>>, vector<16xi32>,
    %add3A_85 = vector.broadcast %mul3A_2 : i32 to vector<16xi32>
    %add3A_86 = arith.addi %get3A_84, %add3A_85 : vector<16xi32>
    %swap3A_87 = arith.constant 1 : i32
    %swap3A_88 = arith.index_cast %swap3A_87 : i32 to index
    %swap3A_89 = arith.constant 0 : index
    %swap3A_90 = tpu.vector_load %arg6[%swap3A_88, %swap3A_89] {strides = array<i32>} : memref<16x128xi32, #tpu.memory_space<vmem>>, vector<16xi32>,
    tpu.vector_store %arg6[%swap3A_88, %swap3A_89], %add3A_86 {strides = array<i32>} : memref<16x128xi32, #tpu.memory_space<vmem>>, vector<16xi32>,
    %get3A_91 = arith.constant 1 : i32
    %get3A_92 = arith.index_cast %get3A_91 : i32 to index
    %get3A_93 = arith.constant 16 : index
    %get3A_94 = tpu.vector_load %arg5[%get3A_92, %get3A_93] {strides = array<i32>} : memref<48x128xi32, #tpu.memory_space<vmem>>, vector<16xi32>,
    %add3A_95 = vector.broadcast %mul3A_2 : i32 to vector<16xi32>
    %add3A_96 = arith.addi %get3A_94, %add3A_95 : vector<16xi32>
    %swap3A_97 = arith.constant 1 : i32
    %swap3A_98 = arith.index_cast %swap3A_97 : i32 to index
    %swap3A_99 = arith.constant 16 : index
    %swap3A_100 = tpu.vector_load %arg6[%swap3A_98, %swap3A_99] {strides = array<i32>} : memref<16x128xi32, #tpu.memory_space<vmem>>, vector<16xi32>,
    tpu.vector_store %arg6[%swap3A_98, %swap3A_99], %add3A_96 {strides = array<i32>} : memref<16x128xi32, #tpu.memory_space<vmem>>, vector<16xi32>,
    %get3A_101 = arith.constant 1 : i32
    %get3A_102 = arith.index_cast %get3A_101 : i32 to index
    %get3A_103 = arith.constant 32 : index
    %get3A_104 = tpu.vector_load %arg5[%get3A_102, %get3A_103] {strides = array<i32>} : memref<48x128xi32, #tpu.memory_space<vmem>>, vector<16xi32>,
    %add3A_105 = vector.broadcast %mul3A_2 : i32 to vector<16xi32>
    %add3A_106 = arith.addi %get3A_104, %add3A_105 : vector<16xi32>
    %swap3A_107 = arith.constant 1 : i32
    %swap3A_108 = arith.index_cast %swap3A_107 : i32 to index
    %swap3A_109 = arith.constant 32 : index
    %swap3A_110 = tpu.vector_load %arg6[%swap3A_108, %swap3A_109] {strides = array<i32>} : memref<16x128xi32, #tpu.memory_space<vmem>>, vector<16xi32>,
    tpu.vector_store %arg6[%swap3A_108, %swap3A_109], %add3A_106 {strides = array<i32>} : memref<16x128xi32, #tpu.memory_space<vmem>>, vector<16xi32>,
    %get3A_111 = arith.constant 1 : i32
    %get3A_112 = arith.index_cast %get3A_111 : i32 to index
    %get3A_113 = arith.constant 48 : index
    %get3A_114 = tpu.vector_load %arg5[%get3A_112, %get3A_113] {strides = array<i32>} : memref<48x128xi32, #tpu.memory_space<vmem>>, vector<16xi32>,
    %add3A_115 = vector.broadcast %mul3A_2 : i32 to vector<16xi32>
    %add3A_116 = arith.addi %get3A_114, %add3A_115 : vector<16xi32>
    %swap3A_117 = arith.constant 1 : i32
    %swap3A_118 = arith.index_cast %swap3A_117 : i32 to index
    %swap3A_119 = arith.constant 48 : index
    %swap3A_120 = tpu.vector_load %arg6[%swap3A_118, %swap3A_119] {strides = array<i32>} : memref<16x128xi32, #tpu.memory_space<vmem>>, vector<16xi32>,
    tpu.vector_store %arg6[%swap3A_118, %swap3A_119], %add3A_116 {strides = array<i32>} : memref<16x128xi32, #tpu.memory_space<vmem>>, vector<16xi32>,
    %get3A_121 = arith.constant 1 : i32
    %get3A_122 = arith.index_cast %get3A_121 : i32 to index
    %get3A_123 = arith.constant 64 : index
    %get3A_124 = tpu.vector_load %arg5[%get3A_122, %get3A_123] {strides = array<i32>} : memref<48x128xi32, #tpu.memory_space<vmem>>, vector<16xi32>,
    %add3A_125 = vector.broadcast %mul3A_2 : i32 to vector<16xi32>
    %add3A_126 = arith.addi %get3A_124, %add3A_125 : vector<16xi32>
    %swap3A_127 = arith.constant 1 : i32
    %swap3A_128 = arith.index_cast %swap3A_127 : i32 to index
    %swap3A_129 = arith.constant 64 : index
    %swap3A_130 = tpu.vector_load %arg6[%swap3A_128, %swap3A_129] {strides = array<i32>} : memref<16x128xi32, #tpu.memory_space<vmem>>, vector<16xi32>,
    tpu.vector_store %arg6[%swap3A_128, %swap3A_129], %add3A_126 {strides = array<i32>} : memref<16x128xi32, #tpu.memory_space<vmem>>, vector<16xi32>,
    %get3A_131 = arith.constant 1 : i32
    %get3A_132 = arith.index_cast %get3A_131 : i32 to index
    %get3A_133 = arith.constant 80 : index
    %get3A_134 = tpu.vector_load %arg5[%get3A_132, %get3A_133] {strides = array<i32>} : memref<48x128xi32, #tpu.memory_space<vmem>>, vector<16xi32>,
    %add3A_135 = vector.broadcast %mul3A_2 : i32 to vector<16xi32>
    %add3A_136 = arith.addi %get3A_134, %add3A_135 : vector<16xi32>
    %swap3A_137 = arith.constant 1 : i32
    %swap3A_138 = arith.index_cast %swap3A_137 : i32 to index
    %swap3A_139 = arith.constant 80 : index
    %swap3A_140 = tpu.vector_load %arg6[%swap3A_138, %swap3A_139] {strides = array<i32>} : memref<16x128xi32, #tpu.memory_space<vmem>>, vector<16xi32>,
    tpu.vector_store %arg6[%swap3A_138, %swap3A_139], %add3A_136 {strides = array<i32>} : memref<16x128xi32, #tpu.memory_space<vmem>>, vector<16xi32>,
    %get3A_141 = arith.constant 1 : i32
    %get3A_142 = arith.index_cast %get3A_141 : i32 to index
    %get3A_143 = arith.constant 96 : index
    %get3A_144 = tpu.vector_load %arg5[%get3A_142, %get3A_143] {strides = array<i32>} : memref<48x128xi32, #tpu.memory_space<vmem>>, vector<16xi32>,
    %add3A_145 = vector.broadcast %mul3A_2 : i32 to vector<16xi32>
    %add3A_146 = arith.addi %get3A_144, %add3A_145 : vector<16xi32>
    %swap3A_147 = arith.constant 1 : i32
    %swap3A_148 = arith.index_cast %swap3A_147 : i32 to index
    %swap3A_149 = arith.constant 96 : index
    %swap3A_150 = tpu.vector_load %arg6[%swap3A_148, %swap3A_149] {strides = array<i32>} : memref<16x128xi32, #tpu.memory_space<vmem>>, vector<16xi32>,
    tpu.vector_store %arg6[%swap3A_148, %swap3A_149], %add3A_146 {strides = array<i32>} : memref<16x128xi32, #tpu.memory_space<vmem>>, vector<16xi32>,
    %get3A_151 = arith.constant 1 : i32
    %get3A_152 = arith.index_cast %get3A_151 : i32 to index
    %get3A_153 = arith.constant 112 : index
    %get3A_154 = tpu.vector_load %arg5[%get3A_152, %get3A_153] {strides = array<i32>} : memref<48x128xi32, #tpu.memory_space<vmem>>, vector<16xi32>,
    %add3A_155 = vector.broadcast %mul3A_2 : i32 to vector<16xi32>
    %add3A_156 = arith.addi %get3A_154, %add3A_155 : vector<16xi32>
    %swap3A_157 = arith.constant 1 : i32
    %swap3A_158 = arith.index_cast %swap3A_157 : i32 to index
    %swap3A_159 = arith.constant 112 : index
    %swap3A_160 = tpu.vector_load %arg6[%swap3A_158, %swap3A_159] {strides = array<i32>} : memref<16x128xi32, #tpu.memory_space<vmem>>, vector<16xi32>,
    tpu.vector_store %arg6[%swap3A_158, %swap3A_159], %add3A_156 {strides = array<i32>} : memref<16x128xi32, #tpu.memory_space<vmem>>, vector<16xi32>,
    %get3A_161 = arith.constant 2 : i32
    %get3A_162 = arith.index_cast %get3A_161 : i32 to index
    %get3A_163 = arith.constant 0 : index
    %get3A_164 = tpu.vector_load %arg5[%get3A_162, %get3A_163] {strides = array<i32>} : memref<48x128xi32, #tpu.memory_space<vmem>>, vector<16xi32>,
    %add3A_165 = vector.broadcast %mul3A_2 : i32 to vector<16xi32>
    %add3A_166 = arith.addi %get3A_164, %add3A_165 : vector<16xi32>
    %swap3A_167 = arith.constant 2 : i32
    %swap3A_168 = arith.index_cast %swap3A_167 : i32 to index
    %swap3A_169 = arith.constant 0 : index
    %swap3A_170 = tpu.vector_load %arg6[%swap3A_168, %swap3A_169] {strides = array<i32>} : memref<16x128xi32, #tpu.memory_space<vmem>>, vector<16xi32>,
    tpu.vector_store %arg6[%swap3A_168, %swap3A_169], %add3A_166 {strides = array<i32>} : memref<16x128xi32, #tpu.memory_space<vmem>>, vector<16xi32>,
    %get3A_171 = arith.constant 2 : i32
    %get3A_172 = arith.index_cast %get3A_171 : i32 to index
    %get3A_173 = arith.constant 16 : index
    %get3A_174 = tpu.vector_load %arg5[%get3A_172, %get3A_173] {strides = array<i32>} : memref<48x128xi32, #tpu.memory_space<vmem>>, vector<16xi32>,
    %add3A_175 = vector.broadcast %mul3A_2 : i32 to vector<16xi32>
    %add3A_176 = arith.addi %get3A_174, %add3A_175 : vector<16xi32>
    %swap3A_177 = arith.constant 2 : i32
    %swap3A_178 = arith.index_cast %swap3A_177 : i32 to index
    %swap3A_179 = arith.constant 16 : index
    %swap3A_180 = tpu.vector_load %arg6[%swap3A_178, %swap3A_179] {strides = array<i32>} : memref<16x128xi32, #tpu.memory_space<vmem>>, vector<16xi32>,
    tpu.vector_store %arg6[%swap3A_178, %swap3A_179], %add3A_176 {strides = array<i32>} : memref<16x128xi32, #tpu.memory_space<vmem>>, vector<16xi32>,
    %get3A_181 = arith.constant 2 : i32
    %get3A_182 = arith.index_cast %get3A_181 : i32 to index
    %get3A_183 = arith.constant 32 : index
    %get3A_184 = tpu.vector_load %arg5[%get3A_182, %get3A_183] {strides = array<i32>} : memref<48x128xi32, #tpu.memory_space<vmem>>, vector<16xi32>,
    %add3A_185 = vector.broadcast %mul3A_2 : i32 to vector<16xi32>
    %add3A_186 = arith.addi %get3A_184, %add3A_185 : vector<16xi32>
    %swap3A_187 = arith.constant 2 : i32
    %swap3A_188 = arith.index_cast %swap3A_187 : i32 to index
    %swap3A_189 = arith.constant 32 : index
    %swap3A_190 = tpu.vector_load %arg6[%swap3A_188, %swap3A_189] {strides = array<i32>} : memref<16x128xi32, #tpu.memory_space<vmem>>, vector<16xi32>,
    tpu.vector_store %arg6[%swap3A_188, %swap3A_189], %add3A_186 {strides = array<i32>} : memref<16x128xi32, #tpu.memory_space<vmem>>, vector<16xi32>,
    %get3A_191 = arith.constant 2 : i32
    %get3A_192 = arith.index_cast %get3A_191 : i32 to index
    %get3A_193 = arith.constant 48 : index
    %get3A_194 = tpu.vector_load %arg5[%get3A_192, %get3A_193] {strides = array<i32>} : memref<48x128xi32, #tpu.memory_space<vmem>>, vector<16xi32>,
    %add3A_195 = vector.broadcast %mul3A_2 : i32 to vector<16xi32>
    %add3A_196 = arith.addi %get3A_194, %add3A_195 : vector<16xi32>
    %swap3A_197 = arith.constant 2 : i32
    %swap3A_198 = arith.index_cast %swap3A_197 : i32 to index
    %swap3A_199 = arith.constant 48 : index
    %swap3A_200 = tpu.vector_load %arg6[%swap3A_198, %swap3A_199] {strides = array<i32>} : memref<16x128xi32, #tpu.memory_space<vmem>>, vector<16xi32>,
    tpu.vector_store %arg6[%swap3A_198, %swap3A_199], %add3A_196 {strides = array<i32>} : memref<16x128xi32, #tpu.memory_space<vmem>>, vector<16xi32>,
    %get3A_201 = arith.constant 2 : i32
    %get3A_202 = arith.index_cast %get3A_201 : i32 to index
    %get3A_203 = arith.constant 64 : index
    %get3A_204 = tpu.vector_load %arg5[%get3A_202, %get3A_203] {strides = array<i32>} : memref<48x128xi32, #tpu.memory_space<vmem>>, vector<16xi32>,
    %add3A_205 = vector.broadcast %mul3A_2 : i32 to vector<16xi32>
    %add3A_206 = arith.addi %get3A_204, %add3A_205 : vector<16xi32>
    %swap3A_207 = arith.constant 2 : i32
    %swap3A_208 = arith.index_cast %swap3A_207 : i32 to index
    %swap3A_209 = arith.constant 64 : index
    %swap3A_210 = tpu.vector_load %arg6[%swap3A_208, %swap3A_209] {strides = array<i32>} : memref<16x128xi32, #tpu.memory_space<vmem>>, vector<16xi32>,
    tpu.vector_store %arg6[%swap3A_208, %swap3A_209], %add3A_206 {strides = array<i32>} : memref<16x128xi32, #tpu.memory_space<vmem>>, vector<16xi32>,
    %get3A_211 = arith.constant 2 : i32
    %get3A_212 = arith.index_cast %get3A_211 : i32 to index
    %get3A_213 = arith.constant 80 : index
    %get3A_214 = tpu.vector_load %arg5[%get3A_212, %get3A_213] {strides = array<i32>} : memref<48x128xi32, #tpu.memory_space<vmem>>, vector<16xi32>,
    %add3A_215 = vector.broadcast %mul3A_2 : i32 to vector<16xi32>
    %add3A_216 = arith.addi %get3A_214, %add3A_215 : vector<16xi32>
    %swap3A_217 = arith.constant 2 : i32
    %swap3A_218 = arith.index_cast %swap3A_217 : i32 to index
    %swap3A_219 = arith.constant 80 : index
    %swap3A_220 = tpu.vector_load %arg6[%swap3A_218, %swap3A_219] {strides = array<i32>} : memref<16x128xi32, #tpu.memory_space<vmem>>, vector<16xi32>,
    tpu.vector_store %arg6[%swap3A_218, %swap3A_219], %add3A_216 {strides = array<i32>} : memref<16x128xi32, #tpu.memory_space<vmem>>, vector<16xi32>,
    %get3A_221 = arith.constant 2 : i32
    %get3A_222 = arith.index_cast %get3A_221 : i32 to index
    %get3A_223 = arith.constant 96 : index
    %get3A_224 = tpu.vector_load %arg5[%get3A_222, %get3A_223] {strides = array<i32>} : memref<48x128xi32, #tpu.memory_space<vmem>>, vector<16xi32>,
    %add3A_225 = vector.broadcast %mul3A_2 : i32 to vector<16xi32>
    %add3A_226 = arith.addi %get3A_224, %add3A_225 : vector<16xi32>
    %swap3A_227 = arith.constant 2 : i32
    %swap3A_228 = arith.index_cast %swap3A_227 : i32 to index
    %swap3A_229 = arith.constant 96 : index
    %swap3A_230 = tpu.vector_load %arg6[%swap3A_228, %swap3A_229] {strides = array<i32>} : memref<16x128xi32, #tpu.memory_space<vmem>>, vector<16xi32>,
    tpu.vector_store %arg6[%swap3A_228, %swap3A_229], %add3A_226 {strides = array<i32>} : memref<16x128xi32, #tpu.memory_space<vmem>>, vector<16xi32>,
    %get3A_231 = arith.constant 2 : i32
    %get3A_232 = arith.index_cast %get3A_231 : i32 to index
    %get3A_233 = arith.constant 112 : index
    %get3A_234 = tpu.vector_load %arg5[%get3A_232, %get3A_233] {strides = array<i32>} : memref<48x128xi32, #tpu.memory_space<vmem>>, vector<16xi32>,
    %add3A_235 = vector.broadcast %mul3A_2 : i32 to vector<16xi32>
    %add3A_236 = arith.addi %get3A_234, %add3A_235 : vector<16xi32>
    %swap3A_237 = arith.constant 2 : i32
    %swap3A_238 = arith.index_cast %swap3A_237 : i32 to index
    %swap3A_239 = arith.constant 112 : index
    %swap3A_240 = tpu.vector_load %arg6[%swap3A_238, %swap3A_239] {strides = array<i32>} : memref<16x128xi32, #tpu.memory_space<vmem>>, vector<16xi32>,
    tpu.vector_store %arg6[%swap3A_238, %swap3A_239], %add3A_236 {strides = array<i32>} : memref<16x128xi32, #tpu.memory_space<vmem>>, vector<16xi32>,
    %get3A_241 = arith.constant 3 : i32
    %get3A_242 = arith.index_cast %get3A_241 : i32 to index
    %get3A_243 = arith.constant 0 : index
    %get3A_244 = tpu.vector_load %arg5[%get3A_242, %get3A_243] {strides = array<i32>} : memref<48x128xi32, #tpu.memory_space<vmem>>, vector<16xi32>,
    %add3A_245 = vector.broadcast %mul3A_2 : i32 to vector<16xi32>
    %add3A_246 = arith.addi %get3A_244, %add3A_245 : vector<16xi32>
    %swap3A_247 = arith.constant 3 : i32
    %swap3A_248 = arith.index_cast %swap3A_247 : i32 to index
    %swap3A_249 = arith.constant 0 : index
    %swap3A_250 = tpu.vector_load %arg6[%swap3A_248, %swap3A_249] {strides = array<i32>} : memref<16x128xi32, #tpu.memory_space<vmem>>, vector<16xi32>,
    tpu.vector_store %arg6[%swap3A_248, %swap3A_249], %add3A_246 {strides = array<i32>} : memref<16x128xi32, #tpu.memory_space<vmem>>, vector<16xi32>,
    %get3A_251 = arith.constant 3 : i32
    %get3A_252 = arith.index_cast %get3A_251 : i32 to index
    %get3A_253 = arith.constant 16 : index
    %get3A_254 = tpu.vector_load %arg5[%get3A_252, %get3A_253] {strides = array<i32>} : memref<48x128xi32, #tpu.memory_space<vmem>>, vector<16xi32>,
    %add3A_255 = vector.broadcast %mul3A_2 : i32 to vector<16xi32>
    %add3A_256 = arith.addi %get3A_254, %add3A_255 : vector<16xi32>
    %swap3A_257 = arith.constant 3 : i32
    %swap3A_258 = arith.index_cast %swap3A_257 : i32 to index
    %swap3A_259 = arith.constant 16 : index
    %swap3A_260 = tpu.vector_load %arg6[%swap3A_258, %swap3A_259] {strides = array<i32>} : memref<16x128xi32, #tpu.memory_space<vmem>>, vector<16xi32>,
    tpu.vector_store %arg6[%swap3A_258, %swap3A_259], %add3A_256 {strides = array<i32>} : memref<16x128xi32, #tpu.memory_space<vmem>>, vector<16xi32>,
    %get3A_261 = arith.constant 3 : i32
    %get3A_262 = arith.index_cast %get3A_261 : i32 to index
    %get3A_263 = arith.constant 32 : index
    %get3A_264 = tpu.vector_load %arg5[%get3A_262, %get3A_263] {strides = array<i32>} : memref<48x128xi32, #tpu.memory_space<vmem>>, vector<16xi32>,
    %add3A_265 = vector.broadcast %mul3A_2 : i32 to vector<16xi32>
    %add3A_266 = arith.addi %get3A_264, %add3A_265 : vector<16xi32>
    %swap3A_267 = arith.constant 3 : i32
    %swap3A_268 = arith.index_cast %swap3A_267 : i32 to index
    %swap3A_269 = arith.constant 32 : index
    %swap3A_270 = tpu.vector_load %arg6[%swap3A_268, %swap3A_269] {strides = array<i32>} : memref<16x128xi32, #tpu.memory_space<vmem>>, vector<16xi32>,
    tpu.vector_store %arg6[%swap3A_268, %swap3A_269], %add3A_266 {strides = array<i32>} : memref<16x128xi32, #tpu.memory_space<vmem>>, vector<16xi32>,
    %get3A_271 = arith.constant 3 : i32
    %get3A_272 = arith.index_cast %get3A_271 : i32 to index
    %get3A_273 = arith.constant 48 : index
    %get3A_274 = tpu.vector_load %arg5[%get3A_272, %get3A_273] {strides = array<i32>} : memref<48x128xi32, #tpu.memory_space<vmem>>, vector<16xi32>,
    %add3A_275 = vector.broadcast %mul3A_2 : i32 to vector<16xi32>
    %add3A_276 = arith.addi %get3A_274, %add3A_275 : vector<16xi32>
    %swap3A_277 = arith.constant 3 : i32
    %swap3A_278 = arith.index_cast %swap3A_277 : i32 to index
    %swap3A_279 = arith.constant 48 : index
    %swap3A_280 = tpu.vector_load %arg6[%swap3A_278, %swap3A_279] {strides = array<i32>} : memref<16x128xi32, #tpu.memory_space<vmem>>, vector<16xi32>,
    tpu.vector_store %arg6[%swap3A_278, %swap3A_279], %add3A_276 {strides = array<i32>} : memref<16x128xi32, #tpu.memory_space<vmem>>, vector<16xi32>,
    %get3A_281 = arith.constant 3 : i32
    %get3A_282 = arith.index_cast %get3A_281 : i32 to index
    %get3A_283 = arith.constant 64 : index
    %get3A_284 = tpu.vector_load %arg5[%get3A_282, %get3A_283] {strides = array<i32>} : memref<48x128xi32, #tpu.memory_space<vmem>>, vector<16xi32>,
    %add3A_285 = vector.broadcast %mul3A_2 : i32 to vector<16xi32>
    %add3A_286 = arith.addi %get3A_284, %add3A_285 : vector<16xi32>
    %swap3A_287 = arith.constant 3 : i32
    %swap3A_288 = arith.index_cast %swap3A_287 : i32 to index
    %swap3A_289 = arith.constant 64 : index
    %swap3A_290 = tpu.vector_load %arg6[%swap3A_288, %swap3A_289] {strides = array<i32>} : memref<16x128xi32, #tpu.memory_space<vmem>>, vector<16xi32>,
    tpu.vector_store %arg6[%swap3A_288, %swap3A_289], %add3A_286 {strides = array<i32>} : memref<16x128xi32, #tpu.memory_space<vmem>>, vector<16xi32>,
    %get3A_291 = arith.constant 3 : i32
    %get3A_292 = arith.index_cast %get3A_291 : i32 to index
    %get3A_293 = arith.constant 80 : index
    %get3A_294 = tpu.vector_load %arg5[%get3A_292, %get3A_293] {strides = array<i32>} : memref<48x128xi32, #tpu.memory_space<vmem>>, vector<16xi32>,
    %add3A_295 = vector.broadcast %mul3A_2 : i32 to vector<16xi32>
    %add3A_296 = arith.addi %get3A_294, %add3A_295 : vector<16xi32>
    %swap3A_297 = arith.constant 3 : i32
    %swap3A_298 = arith.index_cast %swap3A_297 : i32 to index
    %swap3A_299 = arith.constant 80 : index
    %swap3A_300 = tpu.vector_load %arg6[%swap3A_298, %swap3A_299] {strides = array<i32>} : memref<16x128xi32, #tpu.memory_space<vmem>>, vector<16xi32>,
    tpu.vector_store %arg6[%swap3A_298, %swap3A_299], %add3A_296 {strides = array<i32>} : memref<16x128xi32, #tpu.memory_space<vmem>>, vector<16xi32>,
    %get3A_301 = arith.constant 3 : i32
    %get3A_302 = arith.index_cast %get3A_301 : i32 to index
    %get3A_303 = arith.constant 96 : index
    %get3A_304 = tpu.vector_load %arg5[%get3A_302, %get3A_303] {strides = array<i32>} : memref<48x128xi32, #tpu.memory_space<vmem>>, vector<16xi32>,
    %add3A_305 = vector.broadcast %mul3A_2 : i32 to vector<16xi32>
    %add3A_306 = arith.addi %get3A_304, %add3A_305 : vector<16xi32>
    %swap3A_307 = arith.constant 3 : i32
    %swap3A_308 = arith.index_cast %swap3A_307 : i32 to index
    %swap3A_309 = arith.constant 96 : index
    %swap3A_310 = tpu.vector_load %arg6[%swap3A_308, %swap3A_309] {strides = array<i32>} : memref<16x128xi32, #tpu.memory_space<vmem>>, vector<16xi32>,
    tpu.vector_store %arg6[%swap3A_308, %swap3A_309], %add3A_306 {strides = array<i32>} : memref<16x128xi32, #tpu.memory_space<vmem>>, vector<16xi32>,
    %get3A_311 = arith.constant 3 : i32
    %get3A_312 = arith.index_cast %get3A_311 : i32 to index
    %get3A_313 = arith.constant 112 : index
    %get3A_314 = tpu.vector_load %arg5[%get3A_312, %get3A_313] {strides = array<i32>} : memref<48x128xi32, #tpu.memory_space<vmem>>, vector<16xi32>,
    %add3A_315 = vector.broadcast %mul3A_2 : i32 to vector<16xi32>
    %add3A_316 = arith.addi %get3A_314, %add3A_315 : vector<16xi32>
    %swap3A_317 = arith.constant 3 : i32
    %swap3A_318 = arith.index_cast %swap3A_317 : i32 to index
    %swap3A_319 = arith.constant 112 : index
    %swap3A_320 = tpu.vector_load %arg6[%swap3A_318, %swap3A_319] {strides = array<i32>} : memref<16x128xi32, #tpu.memory_space<vmem>>, vector<16xi32>,
    tpu.vector_store %arg6[%swap3A_318, %swap3A_319], %add3A_316 {strides = array<i32>} : memref<16x128xi32, #tpu.memory_space<vmem>>, vector<16xi32>,
    %get3A_321 = arith.constant 4 : i32
    %get3A_322 = arith.index_cast %get3A_321 : i32 to index
    %get3A_323 = arith.constant 0 : index
    %get3A_324 = tpu.vector_load %arg5[%get3A_322, %get3A_323] {strides = array<i32>} : memref<48x128xi32, #tpu.memory_space<vmem>>, vector<16xi32>,
    %add3A_325 = vector.broadcast %mul3A_2 : i32 to vector<16xi32>
    %add3A_326 = arith.addi %get3A_324, %add3A_325 : vector<16xi32>
    %swap3A_327 = arith.constant 4 : i32
    %swap3A_328 = arith.index_cast %swap3A_327 : i32 to index
    %swap3A_329 = arith.constant 0 : index
    %swap3A_330 = tpu.vector_load %arg6[%swap3A_328, %swap3A_329] {strides = array<i32>} : memref<16x128xi32, #tpu.memory_space<vmem>>, vector<16xi32>,
    tpu.vector_store %arg6[%swap3A_328, %swap3A_329], %add3A_326 {strides = array<i32>} : memref<16x128xi32, #tpu.memory_space<vmem>>, vector<16xi32>,
    %get3A_331 = arith.constant 4 : i32
    %get3A_332 = arith.index_cast %get3A_331 : i32 to index
    %get3A_333 = arith.constant 16 : index
    %get3A_334 = tpu.vector_load %arg5[%get3A_332, %get3A_333] {strides = array<i32>} : memref<48x128xi32, #tpu.memory_space<vmem>>, vector<16xi32>,
    %add3A_335 = vector.broadcast %mul3A_2 : i32 to vector<16xi32>
    %add3A_336 = arith.addi %get3A_334, %add3A_335 : vector<16xi32>
    %swap3A_337 = arith.constant 4 : i32
    %swap3A_338 = arith.index_cast %swap3A_337 : i32 to index
    %swap3A_339 = arith.constant 16 : index
    %swap3A_340 = tpu.vector_load %arg6[%swap3A_338, %swap3A_339] {strides = array<i32>} : memref<16x128xi32, #tpu.memory_space<vmem>>, vector<16xi32>,
    tpu.vector_store %arg6[%swap3A_338, %swap3A_339], %add3A_336 {strides = array<i32>} : memref<16x128xi32, #tpu.memory_space<vmem>>, vector<16xi32>,
    %get3A_341 = arith.constant 4 : i32
    %get3A_342 = arith.index_cast %get3A_341 : i32 to index
    %get3A_343 = arith.constant 32 : index
    %get3A_344 = tpu.vector_load %arg5[%get3A_342, %get3A_343] {strides = array<i32>} : memref<48x128xi32, #tpu.memory_space<vmem>>, vector<16xi32>,
    %add3A_345 = vector.broadcast %mul3A_2 : i32 to vector<16xi32>
    %add3A_346 = arith.addi %get3A_344, %add3A_345 : vector<16xi32>
    %swap3A_347 = arith.constant 4 : i32
    %swap3A_348 = arith.index_cast %swap3A_347 : i32 to index
    %swap3A_349 = arith.constant 32 : index
    %swap3A_350 = tpu.vector_load %arg6[%swap3A_348, %swap3A_349] {strides = array<i32>} : memref<16x128xi32, #tpu.memory_space<vmem>>, vector<16xi32>,
    tpu.vector_store %arg6[%swap3A_348, %swap3A_349], %add3A_346 {strides = array<i32>} : memref<16x128xi32, #tpu.memory_space<vmem>>, vector<16xi32>,
    %get3A_351 = arith.constant 4 : i32
    %get3A_352 = arith.index_cast %get3A_351 : i32 to index
    %get3A_353 = arith.constant 48 : index
    %get3A_354 = tpu.vector_load %arg5[%get3A_352, %get3A_353] {strides = array<i32>} : memref<48x128xi32, #tpu.memory_space<vmem>>, vector<16xi32>,
    %add3A_355 = vector.broadcast %mul3A_2 : i32 to vector<16xi32>
    %add3A_356 = arith.addi %get3A_354, %add3A_355 : vector<16xi32>
    %swap3A_357 = arith.constant 4 : i32
    %swap3A_358 = arith.index_cast %swap3A_357 : i32 to index
    %swap3A_359 = arith.constant 48 : index
    %swap3A_360 = tpu.vector_load %arg6[%swap3A_358, %swap3A_359] {strides = array<i32>} : memref<16x128xi32, #tpu.memory_space<vmem>>, vector<16xi32>,
    tpu.vector_store %arg6[%swap3A_358, %swap3A_359], %add3A_356 {strides = array<i32>} : memref<16x128xi32, #tpu.memory_space<vmem>>, vector<16xi32>,
    %get3A_361 = arith.constant 4 : i32
    %get3A_362 = arith.index_cast %get3A_361 : i32 to index
    %get3A_363 = arith.constant 64 : index
    %get3A_364 = tpu.vector_load %arg5[%get3A_362, %get3A_363] {strides = array<i32>} : memref<48x128xi32, #tpu.memory_space<vmem>>, vector<16xi32>,
    %add3A_365 = vector.broadcast %mul3A_2 : i32 to vector<16xi32>
    %add3A_366 = arith.addi %get3A_364, %add3A_365 : vector<16xi32>
    %swap3A_367 = arith.constant 4 : i32
    %swap3A_368 = arith.index_cast %swap3A_367 : i32 to index
    %swap3A_369 = arith.constant 64 : index
    %swap3A_370 = tpu.vector_load %arg6[%swap3A_368, %swap3A_369] {strides = array<i32>} : memref<16x128xi32, #tpu.memory_space<vmem>>, vector<16xi32>,
    tpu.vector_store %arg6[%swap3A_368, %swap3A_369], %add3A_366 {strides = array<i32>} : memref<16x128xi32, #tpu.memory_space<vmem>>, vector<16xi32>,
    %get3A_371 = arith.constant 4 : i32
    %get3A_372 = arith.index_cast %get3A_371 : i32 to index
    %get3A_373 = arith.constant 80 : index
    %get3A_374 = tpu.vector_load %arg5[%get3A_372, %get3A_373] {strides = array<i32>} : memref<48x128xi32, #tpu.memory_space<vmem>>, vector<16xi32>,
    %add3A_375 = vector.broadcast %mul3A_2 : i32 to vector<16xi32>
    %add3A_376 = arith.addi %get3A_374, %add3A_375 : vector<16xi32>
    %swap3A_377 = arith.constant 4 : i32
    %swap3A_378 = arith.index_cast %swap3A_377 : i32 to index
    %swap3A_379 = arith.constant 80 : index
    %swap3A_380 = tpu.vector_load %arg6[%swap3A_378, %swap3A_379] {strides = array<i32>} : memref<16x128xi32, #tpu.memory_space<vmem>>, vector<16xi32>,
    tpu.vector_store %arg6[%swap3A_378, %swap3A_379], %add3A_376 {strides = array<i32>} : memref<16x128xi32, #tpu.memory_space<vmem>>, vector<16xi32>,
    %get3A_381 = arith.constant 4 : i32
    %get3A_382 = arith.index_cast %get3A_381 : i32 to index
    %get3A_383 = arith.constant 96 : index
    %get3A_384 = tpu.vector_load %arg5[%get3A_382, %get3A_383] {strides = array<i32>} : memref<48x128xi32, #tpu.memory_space<vmem>>, vector<16xi32>,
    %add3A_385 = vector.broadcast %mul3A_2 : i32 to vector<16xi32>
    %add3A_386 = arith.addi %get3A_384, %add3A_385 : vector<16xi32>
    %swap3A_387 = arith.constant 4 : i32
    %swap3A_388 = arith.index_cast %swap3A_387 : i32 to index
    %swap3A_389 = arith.constant 96 : index
    %swap3A_390 = tpu.vector_load %arg6[%swap3A_388, %swap3A_389] {strides = array<i32>} : memref<16x128xi32, #tpu.memory_space<vmem>>, vector<16xi32>,
    tpu.vector_store %arg6[%swap3A_388, %swap3A_389], %add3A_386 {strides = array<i32>} : memref<16x128xi32, #tpu.memory_space<vmem>>, vector<16xi32>,
    %get3A_391 = arith.constant 4 : i32
    %get3A_392 = arith.index_cast %get3A_391 : i32 to index
    %get3A_393 = arith.constant 112 : index
    %get3A_394 = tpu.vector_load %arg5[%get3A_392, %get3A_393] {strides = array<i32>} : memref<48x128xi32, #tpu.memory_space<vmem>>, vector<16xi32>,
    %add3A_395 = vector.broadcast %mul3A_2 : i32 to vector<16xi32>
    %add3A_396 = arith.addi %get3A_394, %add3A_395 : vector<16xi32>
    %swap3A_397 = arith.constant 4 : i32
    %swap3A_398 = arith.index_cast %swap3A_397 : i32 to index
    %swap3A_399 = arith.constant 112 : index
    %swap3A_400 = tpu.vector_load %arg6[%swap3A_398, %swap3A_399] {strides = array<i32>} : memref<16x128xi32, #tpu.memory_space<vmem>>, vector<16xi32>,
    tpu.vector_store %arg6[%swap3A_398, %swap3A_399], %add3A_396 {strides = array<i32>} : memref<16x128xi32, #tpu.memory_space<vmem>>, vector<16xi32>,
    %get3A_401 = arith.constant 5 : i32
    %get3A_402 = arith.index_cast %get3A_401 : i32 to index
    %get3A_403 = arith.constant 0 : index
    %get3A_404 = tpu.vector_load %arg5[%get3A_402, %get3A_403] {strides = array<i32>} : memref<48x128xi32, #tpu.memory_space<vmem>>, vector<16xi32>,
    %add3A_405 = vector.broadcast %mul3A_2 : i32 to vector<16xi32>
    %add3A_406 = arith.addi %get3A_404, %add3A_405 : vector<16xi32>
    %swap3A_407 = arith.constant 5 : i32
    %swap3A_408 = arith.index_cast %swap3A_407 : i32 to index
    %swap3A_409 = arith.constant 0 : index
    %swap3A_410 = tpu.vector_load %arg6[%swap3A_408, %swap3A_409] {strides = array<i32>} : memref<16x128xi32, #tpu.memory_space<vmem>>, vector<16xi32>,
    tpu.vector_store %arg6[%swap3A_408, %swap3A_409], %add3A_406 {strides = array<i32>} : memref<16x128xi32, #tpu.memory_space<vmem>>, vector<16xi32>,
    %get3A_411 = arith.constant 5 : i32
    %get3A_412 = arith.index_cast %get3A_411 : i32 to index
    %get3A_413 = arith.constant 16 : index
    %get3A_414 = tpu.vector_load %arg5[%get3A_412, %get3A_413] {strides = array<i32>} : memref<48x128xi32, #tpu.memory_space<vmem>>, vector<16xi32>,
    %add3A_415 = vector.broadcast %mul3A_2 : i32 to vector<16xi32>
    %add3A_416 = arith.addi %get3A_414, %add3A_415 : vector<16xi32>
    %swap3A_417 = arith.constant 5 : i32
    %swap3A_418 = arith.index_cast %swap3A_417 : i32 to index
    %swap3A_419 = arith.constant 16 : index
    %swap3A_420 = tpu.vector_load %arg6[%swap3A_418, %swap3A_419] {strides = array<i32>} : memref<16x128xi32, #tpu.memory_space<vmem>>, vector<16xi32>,
    tpu.vector_store %arg6[%swap3A_418, %swap3A_419], %add3A_416 {strides = array<i32>} : memref<16x128xi32, #tpu.memory_space<vmem>>, vector<16xi32>,
    %get3A_421 = arith.constant 5 : i32
    %get3A_422 = arith.index_cast %get3A_421 : i32 to index
    %get3A_423 = arith.constant 32 : index
    %get3A_424 = tpu.vector_load %arg5[%get3A_422, %get3A_423] {strides = array<i32>} : memref<48x128xi32, #tpu.memory_space<vmem>>, vector<16xi32>,
    %add3A_425 = vector.broadcast %mul3A_2 : i32 to vector<16xi32>
    %add3A_426 = arith.addi %get3A_424, %add3A_425 : vector<16xi32>
    %swap3A_427 = arith.constant 5 : i32
    %swap3A_428 = arith.index_cast %swap3A_427 : i32 to index
    %swap3A_429 = arith.constant 32 : index
    %swap3A_430 = tpu.vector_load %arg6[%swap3A_428, %swap3A_429] {strides = array<i32>} : memref<16x128xi32, #tpu.memory_space<vmem>>, vector<16xi32>,
    tpu.vector_store %arg6[%swap3A_428, %swap3A_429], %add3A_426 {strides = array<i32>} : memref<16x128xi32, #tpu.memory_space<vmem>>, vector<16xi32>,
    %get3A_431 = arith.constant 5 : i32
    %get3A_432 = arith.index_cast %get3A_431 : i32 to index
    %get3A_433 = arith.constant 48 : index
    %get3A_434 = tpu.vector_load %arg5[%get3A_432, %get3A_433] {strides = array<i32>} : memref<48x128xi32, #tpu.memory_space<vmem>>, vector<16xi32>,
    %add3A_435 = vector.broadcast %mul3A_2 : i32 to vector<16xi32>
    %add3A_436 = arith.addi %get3A_434, %add3A_435 : vector<16xi32>
    %swap3A_437 = arith.constant 5 : i32
    %swap3A_438 = arith.index_cast %swap3A_437 : i32 to index
    %swap3A_439 = arith.constant 48 : index
    %swap3A_440 = tpu.vector_load %arg6[%swap3A_438, %swap3A_439] {strides = array<i32>} : memref<16x128xi32, #tpu.memory_space<vmem>>, vector<16xi32>,
    tpu.vector_store %arg6[%swap3A_438, %swap3A_439], %add3A_436 {strides = array<i32>} : memref<16x128xi32, #tpu.memory_space<vmem>>, vector<16xi32>,
    %get3A_441 = arith.constant 5 : i32
    %get3A_442 = arith.index_cast %get3A_441 : i32 to index
    %get3A_443 = arith.constant 64 : index
    %get3A_444 = tpu.vector_load %arg5[%get3A_442, %get3A_443] {strides = array<i32>} : memref<48x128xi32, #tpu.memory_space<vmem>>, vector<16xi32>,
    %add3A_445 = vector.broadcast %mul3A_2 : i32 to vector<16xi32>
    %add3A_446 = arith.addi %get3A_444, %add3A_445 : vector<16xi32>
    %swap3A_447 = arith.constant 5 : i32
    %swap3A_448 = arith.index_cast %swap3A_447 : i32 to index
    %swap3A_449 = arith.constant 64 : index
    %swap3A_450 = tpu.vector_load %arg6[%swap3A_448, %swap3A_449] {strides = array<i32>} : memref<16x128xi32, #tpu.memory_space<vmem>>, vector<16xi32>,
    tpu.vector_store %arg6[%swap3A_448, %swap3A_449], %add3A_446 {strides = array<i32>} : memref<16x128xi32, #tpu.memory_space<vmem>>, vector<16xi32>,
    %get3A_451 = arith.constant 5 : i32
    %get3A_452 = arith.index_cast %get3A_451 : i32 to index
    %get3A_453 = arith.constant 80 : index
    %get3A_454 = tpu.vector_load %arg5[%get3A_452, %get3A_453] {strides = array<i32>} : memref<48x128xi32, #tpu.memory_space<vmem>>, vector<16xi32>,
    %add3A_455 = vector.broadcast %mul3A_2 : i32 to vector<16xi32>
    %add3A_456 = arith.addi %get3A_454, %add3A_455 : vector<16xi32>
    %swap3A_457 = arith.constant 5 : i32
    %swap3A_458 = arith.index_cast %swap3A_457 : i32 to index
    %swap3A_459 = arith.constant 80 : index
    %swap3A_460 = tpu.vector_load %arg6[%swap3A_458, %swap3A_459] {strides = array<i32>} : memref<16x128xi32, #tpu.memory_space<vmem>>, vector<16xi32>,
    tpu.vector_store %arg6[%swap3A_458, %swap3A_459], %add3A_456 {strides = array<i32>} : memref<16x128xi32, #tpu.memory_space<vmem>>, vector<16xi32>,
    %get3A_461 = arith.constant 5 : i32
    %get3A_462 = arith.index_cast %get3A_461 : i32 to index
    %get3A_463 = arith.constant 96 : index
    %get3A_464 = tpu.vector_load %arg5[%get3A_462, %get3A_463] {strides = array<i32>} : memref<48x128xi32, #tpu.memory_space<vmem>>, vector<16xi32>,
    %add3A_465 = vector.broadcast %mul3A_2 : i32 to vector<16xi32>
    %add3A_466 = arith.addi %get3A_464, %add3A_465 : vector<16xi32>
    %swap3A_467 = arith.constant 5 : i32
    %swap3A_468 = arith.index_cast %swap3A_467 : i32 to index
    %swap3A_469 = arith.constant 96 : index
    %swap3A_470 = tpu.vector_load %arg6[%swap3A_468, %swap3A_469] {strides = array<i32>} : memref<16x128xi32, #tpu.memory_space<vmem>>, vector<16xi32>,
    tpu.vector_store %arg6[%swap3A_468, %swap3A_469], %add3A_466 {strides = array<i32>} : memref<16x128xi32, #tpu.memory_space<vmem>>, vector<16xi32>,
    %get3A_471 = arith.constant 5 : i32
    %get3A_472 = arith.index_cast %get3A_471 : i32 to index
    %get3A_473 = arith.constant 112 : index
    %get3A_474 = tpu.vector_load %arg5[%get3A_472, %get3A_473] {strides = array<i32>} : memref<48x128xi32, #tpu.memory_space<vmem>>, vector<16xi32>,
    %add3A_475 = vector.broadcast %mul3A_2 : i32 to vector<16xi32>
    %add3A_476 = arith.addi %get3A_474, %add3A_475 : vector<16xi32>
    %swap3A_477 = arith.constant 5 : i32
    %swap3A_478 = arith.index_cast %swap3A_477 : i32 to index
    %swap3A_479 = arith.constant 112 : index
    %swap3A_480 = tpu.vector_load %arg6[%swap3A_478, %swap3A_479] {strides = array<i32>} : memref<16x128xi32, #tpu.memory_space<vmem>>, vector<16xi32>,
    tpu.vector_store %arg6[%swap3A_478, %swap3A_479], %add3A_476 {strides = array<i32>} : memref<16x128xi32, #tpu.memory_space<vmem>>, vector<16xi32>,
    %get3A_481 = arith.constant 6 : i32
    %get3A_482 = arith.index_cast %get3A_481 : i32 to index
    %get3A_483 = arith.constant 0 : index
    %get3A_484 = tpu.vector_load %arg5[%get3A_482, %get3A_483] {strides = array<i32>} : memref<48x128xi32, #tpu.memory_space<vmem>>, vector<16xi32>,
    %add3A_485 = vector.broadcast %mul3A_2 : i32 to vector<16xi32>
    %add3A_486 = arith.addi %get3A_484, %add3A_485 : vector<16xi32>
    %swap3A_487 = arith.constant 6 : i32
    %swap3A_488 = arith.index_cast %swap3A_487 : i32 to index
    %swap3A_489 = arith.constant 0 : index
    %swap3A_490 = tpu.vector_load %arg6[%swap3A_488, %swap3A_489] {strides = array<i32>} : memref<16x128xi32, #tpu.memory_space<vmem>>, vector<16xi32>,
    tpu.vector_store %arg6[%swap3A_488, %swap3A_489], %add3A_486 {strides = array<i32>} : memref<16x128xi32, #tpu.memory_space<vmem>>, vector<16xi32>,
    %get3A_491 = arith.constant 6 : i32
    %get3A_492 = arith.index_cast %get3A_491 : i32 to index
    %get3A_493 = arith.constant 16 : index
    %get3A_494 = tpu.vector_load %arg5[%get3A_492, %get3A_493] {strides = array<i32>} : memref<48x128xi32, #tpu.memory_space<vmem>>, vector<16xi32>,
    %add3A_495 = vector.broadcast %mul3A_2 : i32 to vector<16xi32>
    %add3A_496 = arith.addi %get3A_494, %add3A_495 : vector<16xi32>
    %swap3A_497 = arith.constant 6 : i32
    %swap3A_498 = arith.index_cast %swap3A_497 : i32 to index
    %swap3A_499 = arith.constant 16 : index
    %swap3A_500 = tpu.vector_load %arg6[%swap3A_498, %swap3A_499] {strides = array<i32>} : memref<16x128xi32, #tpu.memory_space<vmem>>, vector<16xi32>,
    tpu.vector_store %arg6[%swap3A_498, %swap3A_499], %add3A_496 {strides = array<i32>} : memref<16x128xi32, #tpu.memory_space<vmem>>, vector<16xi32>,
    %get3A_501 = arith.constant 6 : i32
    %get3A_502 = arith.index_cast %get3A_501 : i32 to index
    %get3A_503 = arith.constant 32 : index
    %get3A_504 = tpu.vector_load %arg5[%get3A_502, %get3A_503] {strides = array<i32>} : memref<48x128xi32, #tpu.memory_space<vmem>>, vector<16xi32>,
    %add3A_505 = vector.broadcast %mul3A_2 : i32 to vector<16xi32>
    %add3A_506 = arith.addi %get3A_504, %add3A_505 : vector<16xi32>
    %swap3A_507 = arith.constant 6 : i32
    %swap3A_508 = arith.index_cast %swap3A_507 : i32 to index
    %swap3A_509 = arith.constant 32 : index
    %swap3A_510 = tpu.vector_load %arg6[%swap3A_508, %swap3A_509] {strides = array<i32>} : memref<16x128xi32, #tpu.memory_space<vmem>>, vector<16xi32>,
    tpu.vector_store %arg6[%swap3A_508, %swap3A_509], %add3A_506 {strides = array<i32>} : memref<16x128xi32, #tpu.memory_space<vmem>>, vector<16xi32>,
    %get3A_511 = arith.constant 6 : i32
    %get3A_512 = arith.index_cast %get3A_511 : i32 to index
    %get3A_513 = arith.constant 48 : index
    %get3A_514 = tpu.vector_load %arg5[%get3A_512, %get3A_513] {strides = array<i32>} : memref<48x128xi32, #tpu.memory_space<vmem>>, vector<16xi32>,
    %add3A_515 = vector.broadcast %mul3A_2 : i32 to vector<16xi32>
    %add3A_516 = arith.addi %get3A_514, %add3A_515 : vector<16xi32>
    %swap3A_517 = arith.constant 6 : i32
    %swap3A_518 = arith.index_cast %swap3A_517 : i32 to index
    %swap3A_519 = arith.constant 48 : index
    %swap3A_520 = tpu.vector_load %arg6[%swap3A_518, %swap3A_519] {strides = array<i32>} : memref<16x128xi32, #tpu.memory_space<vmem>>, vector<16xi32>,
    tpu.vector_store %arg6[%swap3A_518, %swap3A_519], %add3A_516 {strides = array<i32>} : memref<16x128xi32, #tpu.memory_space<vmem>>, vector<16xi32>,
    %get3A_521 = arith.constant 6 : i32
    %get3A_522 = arith.index_cast %get3A_521 : i32 to index
    %get3A_523 = arith.constant 64 : index
    %get3A_524 = tpu.vector_load %arg5[%get3A_522, %get3A_523] {strides = array<i32>} : memref<48x128xi32, #tpu.memory_space<vmem>>, vector<16xi32>,
    %add3A_525 = vector.broadcast %mul3A_2 : i32 to vector<16xi32>
    %add3A_526 = arith.addi %get3A_524, %add3A_525 : vector<16xi32>
    %swap3A_527 = arith.constant 6 : i32
    %swap3A_528 = arith.index_cast %swap3A_527 : i32 to index
    %swap3A_529 = arith.constant 64 : index
    %swap3A_530 = tpu.vector_load %arg6[%swap3A_528, %swap3A_529] {strides = array<i32>} : memref<16x128xi32, #tpu.memory_space<vmem>>, vector<16xi32>,
    tpu.vector_store %arg6[%swap3A_528, %swap3A_529], %add3A_526 {strides = array<i32>} : memref<16x128xi32, #tpu.memory_space<vmem>>, vector<16xi32>,
    %get3A_531 = arith.constant 6 : i32
    %get3A_532 = arith.index_cast %get3A_531 : i32 to index
    %get3A_533 = arith.constant 80 : index
    %get3A_534 = tpu.vector_load %arg5[%get3A_532, %get3A_533] {strides = array<i32>} : memref<48x128xi32, #tpu.memory_space<vmem>>, vector<16xi32>,
    %add3A_535 = vector.broadcast %mul3A_2 : i32 to vector<16xi32>
    %add3A_536 = arith.addi %get3A_534, %add3A_535 : vector<16xi32>
    %swap3A_537 = arith.constant 6 : i32
    %swap3A_538 = arith.index_cast %swap3A_537 : i32 to index
    %swap3A_539 = arith.constant 80 : index
    %swap3A_540 = tpu.vector_load %arg6[%swap3A_538, %swap3A_539] {strides = array<i32>} : memref<16x128xi32, #tpu.memory_space<vmem>>, vector<16xi32>,
    tpu.vector_store %arg6[%swap3A_538, %swap3A_539], %add3A_536 {strides = array<i32>} : memref<16x128xi32, #tpu.memory_space<vmem>>, vector<16xi32>,
    %get3A_541 = arith.constant 6 : i32
    %get3A_542 = arith.index_cast %get3A_541 : i32 to index
    %get3A_543 = arith.constant 96 : index
    %get3A_544 = tpu.vector_load %arg5[%get3A_542, %get3A_543] {strides = array<i32>} : memref<48x128xi32, #tpu.memory_space<vmem>>, vector<16xi32>,
    %add3A_545 = vector.broadcast %mul3A_2 : i32 to vector<16xi32>
    %add3A_546 = arith.addi %get3A_544, %add3A_545 : vector<16xi32>
    %swap3A_547 = arith.constant 6 : i32
    %swap3A_548 = arith.index_cast %swap3A_547 : i32 to index
    %swap3A_549 = arith.constant 96 : index
    %swap3A_550 = tpu.vector_load %arg6[%swap3A_548, %swap3A_549] {strides = array<i32>} : memref<16x128xi32, #tpu.memory_space<vmem>>, vector<16xi32>,
    tpu.vector_store %arg6[%swap3A_548, %swap3A_549], %add3A_546 {strides = array<i32>} : memref<16x128xi32, #tpu.memory_space<vmem>>, vector<16xi32>,
    %get3A_551 = arith.constant 6 : i32
    %get3A_552 = arith.index_cast %get3A_551 : i32 to index
    %get3A_553 = arith.constant 112 : index
    %get3A_554 = tpu.vector_load %arg5[%get3A_552, %get3A_553] {strides = array<i32>} : memref<48x128xi32, #tpu.memory_space<vmem>>, vector<16xi32>,
    %add3A_555 = vector.broadcast %mul3A_2 : i32 to vector<16xi32>
    %add3A_556 = arith.addi %get3A_554, %add3A_555 : vector<16xi32>
    %swap3A_557 = arith.constant 6 : i32
    %swap3A_558 = arith.index_cast %swap3A_557 : i32 to index
    %swap3A_559 = arith.constant 112 : index
    %swap3A_560 = tpu.vector_load %arg6[%swap3A_558, %swap3A_559] {strides = array<i32>} : memref<16x128xi32, #tpu.memory_space<vmem>>, vector<16xi32>,
    tpu.vector_store %arg6[%swap3A_558, %swap3A_559], %add3A_556 {strides = array<i32>} : memref<16x128xi32, #tpu.memory_space<vmem>>, vector<16xi32>,
    %get3A_561 = arith.constant 7 : i32
    %get3A_562 = arith.index_cast %get3A_561 : i32 to index
    %get3A_563 = arith.constant 0 : index
    %get3A_564 = tpu.vector_load %arg5[%get3A_562, %get3A_563] {strides = array<i32>} : memref<48x128xi32, #tpu.memory_space<vmem>>, vector<16xi32>,
    %add3A_565 = vector.broadcast %mul3A_2 : i32 to vector<16xi32>
    %add3A_566 = arith.addi %get3A_564, %add3A_565 : vector<16xi32>
    %swap3A_567 = arith.constant 7 : i32
    %swap3A_568 = arith.index_cast %swap3A_567 : i32 to index
    %swap3A_569 = arith.constant 0 : index
    %swap3A_570 = tpu.vector_load %arg6[%swap3A_568, %swap3A_569] {strides = array<i32>} : memref<16x128xi32, #tpu.memory_space<vmem>>, vector<16xi32>,
    tpu.vector_store %arg6[%swap3A_568, %swap3A_569], %add3A_566 {strides = array<i32>} : memref<16x128xi32, #tpu.memory_space<vmem>>, vector<16xi32>,
    %get3A_571 = arith.constant 7 : i32
    %get3A_572 = arith.index_cast %get3A_571 : i32 to index
    %get3A_573 = arith.constant 16 : index
    %get3A_574 = tpu.vector_load %arg5[%get3A_572, %get3A_573] {strides = array<i32>} : memref<48x128xi32, #tpu.memory_space<vmem>>, vector<16xi32>,
    %add3A_575 = vector.broadcast %mul3A_2 : i32 to vector<16xi32>
    %add3A_576 = arith.addi %get3A_574, %add3A_575 : vector<16xi32>
    %swap3A_577 = arith.constant 7 : i32
    %swap3A_578 = arith.index_cast %swap3A_577 : i32 to index
    %swap3A_579 = arith.constant 16 : index
    %swap3A_580 = tpu.vector_load %arg6[%swap3A_578, %swap3A_579] {strides = array<i32>} : memref<16x128xi32, #tpu.memory_space<vmem>>, vector<16xi32>,
    tpu.vector_store %arg6[%swap3A_578, %swap3A_579], %add3A_576 {strides = array<i32>} : memref<16x128xi32, #tpu.memory_space<vmem>>, vector<16xi32>,
    %get3A_581 = arith.constant 7 : i32
    %get3A_582 = arith.index_cast %get3A_581 : i32 to index
    %get3A_583 = arith.constant 32 : index
    %get3A_584 = tpu.vector_load %arg5[%get3A_582, %get3A_583] {strides = array<i32>} : memref<48x128xi32, #tpu.memory_space<vmem>>, vector<16xi32>,
    %add3A_585 = vector.broadcast %mul3A_2 : i32 to vector<16xi32>
    %add3A_586 = arith.addi %get3A_584, %add3A_585 : vector<16xi32>
    %swap3A_587 = arith.constant 7 : i32
    %swap3A_588 = arith.index_cast %swap3A_587 : i32 to index
    %swap3A_589 = arith.constant 32 : index
    %swap3A_590 = tpu.vector_load %arg6[%swap3A_588, %swap3A_589] {strides = array<i32>} : memref<16x128xi32, #tpu.memory_space<vmem>>, vector<16xi32>,
    tpu.vector_store %arg6[%swap3A_588, %swap3A_589], %add3A_586 {strides = array<i32>} : memref<16x128xi32, #tpu.memory_space<vmem>>, vector<16xi32>,
    %get3A_591 = arith.constant 7 : i32
    %get3A_592 = arith.index_cast %get3A_591 : i32 to index
    %get3A_593 = arith.constant 48 : index
    %get3A_594 = tpu.vector_load %arg5[%get3A_592, %get3A_593] {strides = array<i32>} : memref<48x128xi32, #tpu.memory_space<vmem>>, vector<16xi32>,
    %add3A_595 = vector.broadcast %mul3A_2 : i32 to vector<16xi32>
    %add3A_596 = arith.addi %get3A_594, %add3A_595 : vector<16xi32>
    %swap3A_597 = arith.constant 7 : i32
    %swap3A_598 = arith.index_cast %swap3A_597 : i32 to index
    %swap3A_599 = arith.constant 48 : index
    %swap3A_600 = tpu.vector_load %arg6[%swap3A_598, %swap3A_599] {strides = array<i32>} : memref<16x128xi32, #tpu.memory_space<vmem>>, vector<16xi32>,
    tpu.vector_store %arg6[%swap3A_598, %swap3A_599], %add3A_596 {strides = array<i32>} : memref<16x128xi32, #tpu.memory_space<vmem>>, vector<16xi32>,
    %get3A_601 = arith.constant 7 : i32
    %get3A_602 = arith.index_cast %get3A_601 : i32 to index
    %get3A_603 = arith.constant 64 : index
    %get3A_604 = tpu.vector_load %arg5[%get3A_602, %get3A_603] {strides = array<i32>} : memref<48x128xi32, #tpu.memory_space<vmem>>, vector<16xi32>,
    %add3A_605 = vector.broadcast %mul3A_2 : i32 to vector<16xi32>
    %add3A_606 = arith.addi %get3A_604, %add3A_605 : vector<16xi32>
    %swap3A_607 = arith.constant 7 : i32
    %swap3A_608 = arith.index_cast %swap3A_607 : i32 to index
    %swap3A_609 = arith.constant 64 : index
    %swap3A_610 = tpu.vector_load %arg6[%swap3A_608, %swap3A_609] {strides = array<i32>} : memref<16x128xi32, #tpu.memory_space<vmem>>, vector<16xi32>,
    tpu.vector_store %arg6[%swap3A_608, %swap3A_609], %add3A_606 {strides = array<i32>} : memref<16x128xi32, #tpu.memory_space<vmem>>, vector<16xi32>,
    %get3A_611 = arith.constant 7 : i32
    %get3A_612 = arith.index_cast %get3A_611 : i32 to index
    %get3A_613 = arith.constant 80 : index
    %get3A_614 = tpu.vector_load %arg5[%get3A_612, %get3A_613] {strides = array<i32>} : memref<48x128xi32, #tpu.memory_space<vmem>>, vector<16xi32>,
    %add3A_615 = vector.broadcast %mul3A_2 : i32 to vector<16xi32>
    %add3A_616 = arith.addi %get3A_614, %add3A_615 : vector<16xi32>
    %swap3A_617 = arith.constant 7 : i32
    %swap3A_618 = arith.index_cast %swap3A_617 : i32 to index
    %swap3A_619 = arith.constant 80 : index
    %swap3A_620 = tpu.vector_load %arg6[%swap3A_618, %swap3A_619] {strides = array<i32>} : memref<16x128xi32, #tpu.memory_space<vmem>>, vector<16xi32>,
    tpu.vector_store %arg6[%swap3A_618, %swap3A_619], %add3A_616 {strides = array<i32>} : memref<16x128xi32, #tpu.memory_space<vmem>>, vector<16xi32>,
    %get3A_621 = arith.constant 7 : i32
    %get3A_622 = arith.index_cast %get3A_621 : i32 to index
    %get3A_623 = arith.constant 96 : index
    %get3A_624 = tpu.vector_load %arg5[%get3A_622, %get3A_623] {strides = array<i32>} : memref<48x128xi32, #tpu.memory_space<vmem>>, vector<16xi32>,
    %add3A_625 = vector.broadcast %mul3A_2 : i32 to vector<16xi32>
    %add3A_626 = arith.addi %get3A_624, %add3A_625 : vector<16xi32>
    %swap3A_627 = arith.constant 7 : i32
    %swap3A_628 = arith.index_cast %swap3A_627 : i32 to index
    %swap3A_629 = arith.constant 96 : index
    %swap3A_630 = tpu.vector_load %arg6[%swap3A_628, %swap3A_629] {strides = array<i32>} : memref<16x128xi32, #tpu.memory_space<vmem>>, vector<16xi32>,
    tpu.vector_store %arg6[%swap3A_628, %swap3A_629], %add3A_626 {strides = array<i32>} : memref<16x128xi32, #tpu.memory_space<vmem>>, vector<16xi32>,
    %get3A_631 = arith.constant 7 : i32
    %get3A_632 = arith.index_cast %get3A_631 : i32 to index
    %get3A_633 = arith.constant 112 : index
    %get3A_634 = tpu.vector_load %arg5[%get3A_632, %get3A_633] {strides = array<i32>} : memref<48x128xi32, #tpu.memory_space<vmem>>, vector<16xi32>,
    %add3A_635 = vector.broadcast %mul3A_2 : i32 to vector<16xi32>
    %add3A_636 = arith.addi %get3A_634, %add3A_635 : vector<16xi32>
    %swap3A_637 = arith.constant 7 : i32
    %swap3A_638 = arith.index_cast %swap3A_637 : i32 to index
    %swap3A_639 = arith.constant 112 : index
    %swap3A_640 = tpu.vector_load %arg6[%swap3A_638, %swap3A_639] {strides = array<i32>} : memref<16x128xi32, #tpu.memory_space<vmem>>, vector<16xi32>,
    tpu.vector_store %arg6[%swap3A_638, %swap3A_639], %add3A_636 {strides = array<i32>} : memref<16x128xi32, #tpu.memory_space<vmem>>, vector<16xi32>,
    %get3A_641 = arith.constant 8 : i32
    %get3A_642 = arith.index_cast %get3A_641 : i32 to index
    %get3A_643 = arith.constant 0 : index
    %get3A_644 = tpu.vector_load %arg5[%get3A_642, %get3A_643] {strides = array<i32>} : memref<48x128xi32, #tpu.memory_space<vmem>>, vector<16xi32>,
    %add3A_645 = vector.broadcast %mul3A_2 : i32 to vector<16xi32>
    %add3A_646 = arith.addi %get3A_644, %add3A_645 : vector<16xi32>
    %swap3A_647 = arith.constant 8 : i32
    %swap3A_648 = arith.index_cast %swap3A_647 : i32 to index
    %swap3A_649 = arith.constant 0 : index
    %swap3A_650 = tpu.vector_load %arg6[%swap3A_648, %swap3A_649] {strides = array<i32>} : memref<16x128xi32, #tpu.memory_space<vmem>>, vector<16xi32>,
    tpu.vector_store %arg6[%swap3A_648, %swap3A_649], %add3A_646 {strides = array<i32>} : memref<16x128xi32, #tpu.memory_space<vmem>>, vector<16xi32>,
    %get3A_651 = arith.constant 8 : i32
    %get3A_652 = arith.index_cast %get3A_651 : i32 to index
    %get3A_653 = arith.constant 16 : index
    %get3A_654 = tpu.vector_load %arg5[%get3A_652, %get3A_653] {strides = array<i32>} : memref<48x128xi32, #tpu.memory_space<vmem>>, vector<16xi32>,
    %add3A_655 = vector.broadcast %mul3A_2 : i32 to vector<16xi32>
    %add3A_656 = arith.addi %get3A_654, %add3A_655 : vector<16xi32>
    %swap3A_657 = arith.constant 8 : i32
    %swap3A_658 = arith.index_cast %swap3A_657 : i32 to index
    %swap3A_659 = arith.constant 16 : index
    %swap3A_660 = tpu.vector_load %arg6[%swap3A_658, %swap3A_659] {strides = array<i32>} : memref<16x128xi32, #tpu.memory_space<vmem>>, vector<16xi32>,
    tpu.vector_store %arg6[%swap3A_658, %swap3A_659], %add3A_656 {strides = array<i32>} : memref<16x128xi32, #tpu.memory_space<vmem>>, vector<16xi32>,
    %get3A_661 = arith.constant 8 : i32
    %get3A_662 = arith.index_cast %get3A_661 : i32 to index
    %get3A_663 = arith.constant 32 : index
    %get3A_664 = tpu.vector_load %arg5[%get3A_662, %get3A_663] {strides = array<i32>} : memref<48x128xi32, #tpu.memory_space<vmem>>, vector<16xi32>,
    %add3A_665 = vector.broadcast %mul3A_2 : i32 to vector<16xi32>
    %add3A_666 = arith.addi %get3A_664, %add3A_665 : vector<16xi32>
    %swap3A_667 = arith.constant 8 : i32
    %swap3A_668 = arith.index_cast %swap3A_667 : i32 to index
    %swap3A_669 = arith.constant 32 : index
    %swap3A_670 = tpu.vector_load %arg6[%swap3A_668, %swap3A_669] {strides = array<i32>} : memref<16x128xi32, #tpu.memory_space<vmem>>, vector<16xi32>,
    tpu.vector_store %arg6[%swap3A_668, %swap3A_669], %add3A_666 {strides = array<i32>} : memref<16x128xi32, #tpu.memory_space<vmem>>, vector<16xi32>,
    %get3A_671 = arith.constant 8 : i32
    %get3A_672 = arith.index_cast %get3A_671 : i32 to index
    %get3A_673 = arith.constant 48 : index
    %get3A_674 = tpu.vector_load %arg5[%get3A_672, %get3A_673] {strides = array<i32>} : memref<48x128xi32, #tpu.memory_space<vmem>>, vector<16xi32>,
    %add3A_675 = vector.broadcast %mul3A_2 : i32 to vector<16xi32>
    %add3A_676 = arith.addi %get3A_674, %add3A_675 : vector<16xi32>
    %swap3A_677 = arith.constant 8 : i32
    %swap3A_678 = arith.index_cast %swap3A_677 : i32 to index
    %swap3A_679 = arith.constant 48 : index
    %swap3A_680 = tpu.vector_load %arg6[%swap3A_678, %swap3A_679] {strides = array<i32>} : memref<16x128xi32, #tpu.memory_space<vmem>>, vector<16xi32>,
    tpu.vector_store %arg6[%swap3A_678, %swap3A_679], %add3A_676 {strides = array<i32>} : memref<16x128xi32, #tpu.memory_space<vmem>>, vector<16xi32>,
    %get3A_681 = arith.constant 8 : i32
    %get3A_682 = arith.index_cast %get3A_681 : i32 to index
    %get3A_683 = arith.constant 64 : index
    %get3A_684 = tpu.vector_load %arg5[%get3A_682, %get3A_683] {strides = array<i32>} : memref<48x128xi32, #tpu.memory_space<vmem>>, vector<16xi32>,
    %add3A_685 = vector.broadcast %mul3A_2 : i32 to vector<16xi32>
    %add3A_686 = arith.addi %get3A_684, %add3A_685 : vector<16xi32>
    %swap3A_687 = arith.constant 8 : i32
    %swap3A_688 = arith.index_cast %swap3A_687 : i32 to index
    %swap3A_689 = arith.constant 64 : index
    %swap3A_690 = tpu.vector_load %arg6[%swap3A_688, %swap3A_689] {strides = array<i32>} : memref<16x128xi32, #tpu.memory_space<vmem>>, vector<16xi32>,
    tpu.vector_store %arg6[%swap3A_688, %swap3A_689], %add3A_686 {strides = array<i32>} : memref<16x128xi32, #tpu.memory_space<vmem>>, vector<16xi32>,
    %get3A_691 = arith.constant 8 : i32
    %get3A_692 = arith.index_cast %get3A_691 : i32 to index
    %get3A_693 = arith.constant 80 : index
    %get3A_694 = tpu.vector_load %arg5[%get3A_692, %get3A_693] {strides = array<i32>} : memref<48x128xi32, #tpu.memory_space<vmem>>, vector<16xi32>,
    %add3A_695 = vector.broadcast %mul3A_2 : i32 to vector<16xi32>
    %add3A_696 = arith.addi %get3A_694, %add3A_695 : vector<16xi32>
    %swap3A_697 = arith.constant 8 : i32
    %swap3A_698 = arith.index_cast %swap3A_697 : i32 to index
    %swap3A_699 = arith.constant 80 : index
    %swap3A_700 = tpu.vector_load %arg6[%swap3A_698, %swap3A_699] {strides = array<i32>} : memref<16x128xi32, #tpu.memory_space<vmem>>, vector<16xi32>,
    tpu.vector_store %arg6[%swap3A_698, %swap3A_699], %add3A_696 {strides = array<i32>} : memref<16x128xi32, #tpu.memory_space<vmem>>, vector<16xi32>,
    %get3A_701 = arith.constant 8 : i32
    %get3A_702 = arith.index_cast %get3A_701 : i32 to index
    %get3A_703 = arith.constant 96 : index
    %get3A_704 = tpu.vector_load %arg5[%get3A_702, %get3A_703] {strides = array<i32>} : memref<48x128xi32, #tpu.memory_space<vmem>>, vector<16xi32>,
    %add3A_705 = vector.broadcast %mul3A_2 : i32 to vector<16xi32>
    %add3A_706 = arith.addi %get3A_704, %add3A_705 : vector<16xi32>
    %swap3A_707 = arith.constant 8 : i32
    %swap3A_708 = arith.index_cast %swap3A_707 : i32 to index
    %swap3A_709 = arith.constant 96 : index
    %swap3A_710 = tpu.vector_load %arg6[%swap3A_708, %swap3A_709] {strides = array<i32>} : memref<16x128xi32, #tpu.memory_space<vmem>>, vector<16xi32>,
    tpu.vector_store %arg6[%swap3A_708, %swap3A_709], %add3A_706 {strides = array<i32>} : memref<16x128xi32, #tpu.memory_space<vmem>>, vector<16xi32>,
    %get3A_711 = arith.constant 8 : i32
    %get3A_712 = arith.index_cast %get3A_711 : i32 to index
    %get3A_713 = arith.constant 112 : index
    %get3A_714 = tpu.vector_load %arg5[%get3A_712, %get3A_713] {strides = array<i32>} : memref<48x128xi32, #tpu.memory_space<vmem>>, vector<16xi32>,
    %add3A_715 = vector.broadcast %mul3A_2 : i32 to vector<16xi32>
    %add3A_716 = arith.addi %get3A_714, %add3A_715 : vector<16xi32>
    %swap3A_717 = arith.constant 8 : i32
    %swap3A_718 = arith.index_cast %swap3A_717 : i32 to index
    %swap3A_719 = arith.constant 112 : index
    %swap3A_720 = tpu.vector_load %arg6[%swap3A_718, %swap3A_719] {strides = array<i32>} : memref<16x128xi32, #tpu.memory_space<vmem>>, vector<16xi32>,
    tpu.vector_store %arg6[%swap3A_718, %swap3A_719], %add3A_716 {strides = array<i32>} : memref<16x128xi32, #tpu.memory_space<vmem>>, vector<16xi32>,
    %get3A_721 = arith.constant 9 : i32
    %get3A_722 = arith.index_cast %get3A_721 : i32 to index
    %get3A_723 = arith.constant 0 : index
    %get3A_724 = tpu.vector_load %arg5[%get3A_722, %get3A_723] {strides = array<i32>} : memref<48x128xi32, #tpu.memory_space<vmem>>, vector<16xi32>,
    %add3A_725 = vector.broadcast %mul3A_2 : i32 to vector<16xi32>
    %add3A_726 = arith.addi %get3A_724, %add3A_725 : vector<16xi32>
    %swap3A_727 = arith.constant 9 : i32
    %swap3A_728 = arith.index_cast %swap3A_727 : i32 to index
    %swap3A_729 = arith.constant 0 : index
    %swap3A_730 = tpu.vector_load %arg6[%swap3A_728, %swap3A_729] {strides = array<i32>} : memref<16x128xi32, #tpu.memory_space<vmem>>, vector<16xi32>,
    tpu.vector_store %arg6[%swap3A_728, %swap3A_729], %add3A_726 {strides = array<i32>} : memref<16x128xi32, #tpu.memory_space<vmem>>, vector<16xi32>,
    %get3A_731 = arith.constant 9 : i32
    %get3A_732 = arith.index_cast %get3A_731 : i32 to index
    %get3A_733 = arith.constant 16 : index
    %get3A_734 = tpu.vector_load %arg5[%get3A_732, %get3A_733] {strides = array<i32>} : memref<48x128xi32, #tpu.memory_space<vmem>>, vector<16xi32>,
    %add3A_735 = vector.broadcast %mul3A_2 : i32 to vector<16xi32>
    %add3A_736 = arith.addi %get3A_734, %add3A_735 : vector<16xi32>
    %swap3A_737 = arith.constant 9 : i32
    %swap3A_738 = arith.index_cast %swap3A_737 : i32 to index
    %swap3A_739 = arith.constant 16 : index
    %swap3A_740 = tpu.vector_load %arg6[%swap3A_738, %swap3A_739] {strides = array<i32>} : memref<16x128xi32, #tpu.memory_space<vmem>>, vector<16xi32>,
    tpu.vector_store %arg6[%swap3A_738, %swap3A_739], %add3A_736 {strides = array<i32>} : memref<16x128xi32, #tpu.memory_space<vmem>>, vector<16xi32>,
    %get3A_741 = arith.constant 9 : i32
    %get3A_742 = arith.index_cast %get3A_741 : i32 to index
    %get3A_743 = arith.constant 32 : index
    %get3A_744 = tpu.vector_load %arg5[%get3A_742, %get3A_743] {strides = array<i32>} : memref<48x128xi32, #tpu.memory_space<vmem>>, vector<16xi32>,
    %add3A_745 = vector.broadcast %mul3A_2 : i32 to vector<16xi32>
    %add3A_746 = arith.addi %get3A_744, %add3A_745 : vector<16xi32>
    %swap3A_747 = arith.constant 9 : i32
    %swap3A_748 = arith.index_cast %swap3A_747 : i32 to index
    %swap3A_749 = arith.constant 32 : index
    %swap3A_750 = tpu.vector_load %arg6[%swap3A_748, %swap3A_749] {strides = array<i32>} : memref<16x128xi32, #tpu.memory_space<vmem>>, vector<16xi32>,
    tpu.vector_store %arg6[%swap3A_748, %swap3A_749], %add3A_746 {strides = array<i32>} : memref<16x128xi32, #tpu.memory_space<vmem>>, vector<16xi32>,
    %get3A_751 = arith.constant 9 : i32
    %get3A_752 = arith.index_cast %get3A_751 : i32 to index
    %get3A_753 = arith.constant 48 : index
    %get3A_754 = tpu.vector_load %arg5[%get3A_752, %get3A_753] {strides = array<i32>} : memref<48x128xi32, #tpu.memory_space<vmem>>, vector<16xi32>,
    %add3A_755 = vector.broadcast %mul3A_2 : i32 to vector<16xi32>
    %add3A_756 = arith.addi %get3A_754, %add3A_755 : vector<16xi32>
    %swap3A_757 = arith.constant 9 : i32
    %swap3A_758 = arith.index_cast %swap3A_757 : i32 to index
    %swap3A_759 = arith.constant 48 : index
    %swap3A_760 = tpu.vector_load %arg6[%swap3A_758, %swap3A_759] {strides = array<i32>} : memref<16x128xi32, #tpu.memory_space<vmem>>, vector<16xi32>,
    tpu.vector_store %arg6[%swap3A_758, %swap3A_759], %add3A_756 {strides = array<i32>} : memref<16x128xi32, #tpu.memory_space<vmem>>, vector<16xi32>,
    %get3A_761 = arith.constant 9 : i32
    %get3A_762 = arith.index_cast %get3A_761 : i32 to index
    %get3A_763 = arith.constant 64 : index
    %get3A_764 = tpu.vector_load %arg5[%get3A_762, %get3A_763] {strides = array<i32>} : memref<48x128xi32, #tpu.memory_space<vmem>>, vector<16xi32>,
    %add3A_765 = vector.broadcast %mul3A_2 : i32 to vector<16xi32>
    %add3A_766 = arith.addi %get3A_764, %add3A_765 : vector<16xi32>
    %swap3A_767 = arith.constant 9 : i32
    %swap3A_768 = arith.index_cast %swap3A_767 : i32 to index
    %swap3A_769 = arith.constant 64 : index
    %swap3A_770 = tpu.vector_load %arg6[%swap3A_768, %swap3A_769] {strides = array<i32>} : memref<16x128xi32, #tpu.memory_space<vmem>>, vector<16xi32>,
    tpu.vector_store %arg6[%swap3A_768, %swap3A_769], %add3A_766 {strides = array<i32>} : memref<16x128xi32, #tpu.memory_space<vmem>>, vector<16xi32>,
    %get3A_771 = arith.constant 9 : i32
    %get3A_772 = arith.index_cast %get3A_771 : i32 to index
    %get3A_773 = arith.constant 80 : index
    %get3A_774 = tpu.vector_load %arg5[%get3A_772, %get3A_773] {strides = array<i32>} : memref<48x128xi32, #tpu.memory_space<vmem>>, vector<16xi32>,
    %add3A_775 = vector.broadcast %mul3A_2 : i32 to vector<16xi32>
    %add3A_776 = arith.addi %get3A_774, %add3A_775 : vector<16xi32>
    %swap3A_777 = arith.constant 9 : i32
    %swap3A_778 = arith.index_cast %swap3A_777 : i32 to index
    %swap3A_779 = arith.constant 80 : index
    %swap3A_780 = tpu.vector_load %arg6[%swap3A_778, %swap3A_779] {strides = array<i32>} : memref<16x128xi32, #tpu.memory_space<vmem>>, vector<16xi32>,
    tpu.vector_store %arg6[%swap3A_778, %swap3A_779], %add3A_776 {strides = array<i32>} : memref<16x128xi32, #tpu.memory_space<vmem>>, vector<16xi32>,
    %get3A_781 = arith.constant 9 : i32
    %get3A_782 = arith.index_cast %get3A_781 : i32 to index
    %get3A_783 = arith.constant 96 : index
    %get3A_784 = tpu.vector_load %arg5[%get3A_782, %get3A_783] {strides = array<i32>} : memref<48x128xi32, #tpu.memory_space<vmem>>, vector<16xi32>,
    %add3A_785 = vector.broadcast %mul3A_2 : i32 to vector<16xi32>
    %add3A_786 = arith.addi %get3A_784, %add3A_785 : vector<16xi32>
    %swap3A_787 = arith.constant 9 : i32
    %swap3A_788 = arith.index_cast %swap3A_787 : i32 to index
    %swap3A_789 = arith.constant 96 : index
    %swap3A_790 = tpu.vector_load %arg6[%swap3A_788, %swap3A_789] {strides = array<i32>} : memref<16x128xi32, #tpu.memory_space<vmem>>, vector<16xi32>,
    tpu.vector_store %arg6[%swap3A_788, %swap3A_789], %add3A_786 {strides = array<i32>} : memref<16x128xi32, #tpu.memory_space<vmem>>, vector<16xi32>,
    %get3A_791 = arith.constant 9 : i32
    %get3A_792 = arith.index_cast %get3A_791 : i32 to index
    %get3A_793 = arith.constant 112 : index
    %get3A_794 = tpu.vector_load %arg5[%get3A_792, %get3A_793] {strides = array<i32>} : memref<48x128xi32, #tpu.memory_space<vmem>>, vector<16xi32>,
    %add3A_795 = vector.broadcast %mul3A_2 : i32 to vector<16xi32>
    %add3A_796 = arith.addi %get3A_794, %add3A_795 : vector<16xi32>
    %swap3A_797 = arith.constant 9 : i32
    %swap3A_798 = arith.index_cast %swap3A_797 : i32 to index
    %swap3A_799 = arith.constant 112 : index
    %swap3A_800 = tpu.vector_load %arg6[%swap3A_798, %swap3A_799] {strides = array<i32>} : memref<16x128xi32, #tpu.memory_space<vmem>>, vector<16xi32>,
    tpu.vector_store %arg6[%swap3A_798, %swap3A_799], %add3A_796 {strides = array<i32>} : memref<16x128xi32, #tpu.memory_space<vmem>>, vector<16xi32>,
    %iota3A = tpu.iota {dimensions = array<i32: 0>} : vector<16xi32>
    %dma_start3A = arith.constant 0 : i32
    %dma_start3A_801 = arith.constant 0 : i32
    %dma_start3A_802 = arith.constant 0 : i32
    %dma_start3A_803 = tpu.memref_slice %arg7[%dma_start3A_801, %dma_start3A_802] : memref<256x128xf32, #tpu.memory_space<vmem>> -> memref<128x128xf32, #tpu.memory_space<vmem>>
    %dma_start3A_804 = arith.constant 0 : i32
    %dma_start3A_805 = tpu.memref_slice %arg6[%dma_start3A, %dma_start3A_804] : memref<16x128xi32, #tpu.memory_space<vmem>> -> memref<1x128xi32, #tpu.memory_space<vmem>>
    %dma_start3A_806 = tpu.memref_squeeze %dma_start3A_805 : memref<1x128xi32, #tpu.memory_space<vmem>> -> memref<128xi32, #tpu.memory_space<vmem>>
    %dma_start3A_807 = arith.constant 0 : i32
    %dma_start3A_808 = arith.constant 0 : i32
    %dma_start3A_809 = tpu.memref_slice %arg2[%dma_start3A_807, %dma_start3A_808] : memref<262144x128xf32, #tpu.memory_space<hbm>> -> memref<262144x128xf32, #tpu.memory_space<hbm>>
    tpu.enqueue_indirect_dma source(%dma_start3A_809 : memref<262144x128xf32, #tpu.memory_space<hbm>>) target(%dma_start3A_803 : memref<128x128xf32, #tpu.memory_space<vmem>>) offsets(%dma_start3A_806 : memref<128xi32, #tpu.memory_space<vmem>>) semaphore(%arg11 : memref<!tpu.dma_semaphore, #tpu.memory_space<semaphore_mem>>)
    %dma_start3A_810 = arith.constant 1 : i32
    %dma_start3A_811 = arith.constant 128 : i32
    %dma_start3A_812 = arith.constant 0 : i32
    %dma_start3A_813 = tpu.memref_slice %arg7[%dma_start3A_811, %dma_start3A_812] : memref<256x128xf32, #tpu.memory_space<vmem>> -> memref<128x128xf32, #tpu.memory_space<vmem>>
    %dma_start3A_814 = arith.constant 0 : i32
    %dma_start3A_815 = tpu.memref_slice %arg6[%dma_start3A_810, %dma_start3A_814] : memref<16x128xi32, #tpu.memory_space<vmem>> -> memref<1x128xi32, #tpu.memory_space<vmem>>
    %dma_start3A_816 = tpu.memref_squeeze %dma_start3A_815 : memref<1x128xi32, #tpu.memory_space<vmem>> -> memref<128xi32, #tpu.memory_space<vmem>>
    %dma_start3A_817 = arith.constant 0 : i32
    %dma_start3A_818 = arith.constant 0 : i32
    %dma_start3A_819 = tpu.memref_slice %arg2[%dma_start3A_817, %dma_start3A_818] : memref<262144x128xf32, #tpu.memory_space<hbm>> -> memref<262144x128xf32, #tpu.memory_space<hbm>>
    tpu.enqueue_indirect_dma source(%dma_start3A_819 : memref<262144x128xf32, #tpu.memory_space<hbm>>) target(%dma_start3A_813 : memref<128x128xf32, #tpu.memory_space<vmem>>) offsets(%dma_start3A_816 : memref<128xi32, #tpu.memory_space<vmem>>) semaphore(%arg11 : memref<!tpu.dma_semaphore, #tpu.memory_space<semaphore_mem>>)
    %dma_start3A_820 = arith.constant 2 : i32
    %dma_start3A_821 = arith.constant 0 : i32
    %dma_start3A_822 = arith.constant 0 : i32
    %dma_start3A_823 = tpu.memref_slice %arg8[%dma_start3A_821, %dma_start3A_822] : memref<256x128xf32, #tpu.memory_space<vmem>> -> memref<128x128xf32, #tpu.memory_space<vmem>>
    %dma_start3A_824 = arith.constant 0 : i32
    %dma_start3A_825 = tpu.memref_slice %arg6[%dma_start3A_820, %dma_start3A_824] : memref<16x128xi32, #tpu.memory_space<vmem>> -> memref<1x128xi32, #tpu.memory_space<vmem>>
    %dma_start3A_826 = tpu.memref_squeeze %dma_start3A_825 : memref<1x128xi32, #tpu.memory_space<vmem>> -> memref<128xi32, #tpu.memory_space<vmem>>
    %dma_start3A_827 = arith.constant 0 : i32
    %dma_start3A_828 = arith.constant 0 : i32
    %dma_start3A_829 = tpu.memref_slice %arg2[%dma_start3A_827, %dma_start3A_828] : memref<262144x128xf32, #tpu.memory_space<hbm>> -> memref<262144x128xf32, #tpu.memory_space<hbm>>
    tpu.enqueue_indirect_dma source(%dma_start3A_829 : memref<262144x128xf32, #tpu.memory_space<hbm>>) target(%dma_start3A_823 : memref<128x128xf32, #tpu.memory_space<vmem>>) offsets(%dma_start3A_826 : memref<128xi32, #tpu.memory_space<vmem>>) semaphore(%arg12 : memref<!tpu.dma_semaphore, #tpu.memory_space<semaphore_mem>>)
    %dma_start3A_830 = arith.constant 3 : i32
    %dma_start3A_831 = arith.constant 128 : i32
    %dma_start3A_832 = arith.constant 0 : i32
    %dma_start3A_833 = tpu.memref_slice %arg8[%dma_start3A_831, %dma_start3A_832] : memref<256x128xf32, #tpu.memory_space<vmem>> -> memref<128x128xf32, #tpu.memory_space<vmem>>
    %dma_start3A_834 = arith.constant 0 : i32
    %dma_start3A_835 = tpu.memref_slice %arg6[%dma_start3A_830, %dma_start3A_834] : memref<16x128xi32, #tpu.memory_space<vmem>> -> memref<1x128xi32, #tpu.memory_space<vmem>>
    %dma_start3A_836 = tpu.memref_squeeze %dma_start3A_835 : memref<1x128xi32, #tpu.memory_space<vmem>> -> memref<128xi32, #tpu.memory_space<vmem>>
    %dma_start3A_837 = arith.constant 0 : i32
    %dma_start3A_838 = arith.constant 0 : i32
    %dma_start3A_839 = tpu.memref_slice %arg2[%dma_start3A_837, %dma_start3A_838] : memref<262144x128xf32, #tpu.memory_space<hbm>> -> memref<262144x128xf32, #tpu.memory_space<hbm>>
    tpu.enqueue_indirect_dma source(%dma_start3A_839 : memref<262144x128xf32, #tpu.memory_space<hbm>>) target(%dma_start3A_833 : memref<128x128xf32, #tpu.memory_space<vmem>>) offsets(%dma_start3A_836 : memref<128xi32, #tpu.memory_space<vmem>>) semaphore(%arg12 : memref<!tpu.dma_semaphore, #tpu.memory_space<semaphore_mem>>)
    %dma_start3A_840 = arith.constant 4 : i32
    %dma_start3A_841 = arith.constant 0 : i32
    %dma_start3A_842 = arith.constant 0 : i32
    %dma_start3A_843 = tpu.memref_slice %arg9[%dma_start3A_841, %dma_start3A_842] : memref<256x128xf32, #tpu.memory_space<vmem>> -> memref<128x128xf32, #tpu.memory_space<vmem>>
    %dma_start3A_844 = arith.constant 0 : i32
    %dma_start3A_845 = tpu.memref_slice %arg6[%dma_start3A_840, %dma_start3A_844] : memref<16x128xi32, #tpu.memory_space<vmem>> -> memref<1x128xi32, #tpu.memory_space<vmem>>
    %dma_start3A_846 = tpu.memref_squeeze %dma_start3A_845 : memref<1x128xi32, #tpu.memory_space<vmem>> -> memref<128xi32, #tpu.memory_space<vmem>>
    %dma_start3A_847 = arith.constant 0 : i32
    %dma_start3A_848 = arith.constant 0 : i32
    %dma_start3A_849 = tpu.memref_slice %arg2[%dma_start3A_847, %dma_start3A_848] : memref<262144x128xf32, #tpu.memory_space<hbm>> -> memref<262144x128xf32, #tpu.memory_space<hbm>>
    tpu.enqueue_indirect_dma source(%dma_start3A_849 : memref<262144x128xf32, #tpu.memory_space<hbm>>) target(%dma_start3A_843 : memref<128x128xf32, #tpu.memory_space<vmem>>) offsets(%dma_start3A_846 : memref<128xi32, #tpu.memory_space<vmem>>) semaphore(%arg13 : memref<!tpu.dma_semaphore, #tpu.memory_space<semaphore_mem>>)
    %dma_start3A_850 = arith.constant 5 : i32
    %dma_start3A_851 = arith.constant 128 : i32
    %dma_start3A_852 = arith.constant 0 : i32
    %dma_start3A_853 = tpu.memref_slice %arg9[%dma_start3A_851, %dma_start3A_852] : memref<256x128xf32, #tpu.memory_space<vmem>> -> memref<128x128xf32, #tpu.memory_space<vmem>>
    %dma_start3A_854 = arith.constant 0 : i32
    %dma_start3A_855 = tpu.memref_slice %arg6[%dma_start3A_850, %dma_start3A_854] : memref<16x128xi32, #tpu.memory_space<vmem>> -> memref<1x128xi32, #tpu.memory_space<vmem>>
    %dma_start3A_856 = tpu.memref_squeeze %dma_start3A_855 : memref<1x128xi32, #tpu.memory_space<vmem>> -> memref<128xi32, #tpu.memory_space<vmem>>
    %dma_start3A_857 = arith.constant 0 : i32
    %dma_start3A_858 = arith.constant 0 : i32
    %dma_start3A_859 = tpu.memref_slice %arg2[%dma_start3A_857, %dma_start3A_858] : memref<262144x128xf32, #tpu.memory_space<hbm>> -> memref<262144x128xf32, #tpu.memory_space<hbm>>
    tpu.enqueue_indirect_dma source(%dma_start3A_859 : memref<262144x128xf32, #tpu.memory_space<hbm>>) target(%dma_start3A_853 : memref<128x128xf32, #tpu.memory_space<vmem>>) offsets(%dma_start3A_856 : memref<128xi32, #tpu.memory_space<vmem>>) semaphore(%arg13 : memref<!tpu.dma_semaphore, #tpu.memory_space<semaphore_mem>>)
    %dma_wait3A = arith.constant 0 : i32
    %dma_wait3A_860 = arith.constant 0 : i32
    %dma_wait3A_861 = arith.constant 0 : i32
    %dma_wait3A_862 = tpu.memref_slice %arg7[%dma_wait3A_860, %dma_wait3A_861] : memref<256x128xf32, #tpu.memory_space<vmem>> -> memref<128x128xf32, #tpu.memory_space<vmem>>
    %dma_wait3A_863 = arith.constant 0 : i32
    %dma_wait3A_864 = tpu.memref_slice %arg6[%dma_wait3A, %dma_wait3A_863] : memref<16x128xi32, #tpu.memory_space<vmem>> -> memref<1x128xi32, #tpu.memory_space<vmem>>
    %dma_wait3A_865 = tpu.memref_squeeze %dma_wait3A_864 : memref<1x128xi32, #tpu.memory_space<vmem>> -> memref<128xi32, #tpu.memory_space<vmem>>
    %dma_wait3A_866 = arith.constant 0 : i32
    %dma_wait3A_867 = arith.constant 0 : i32
    %dma_wait3A_868 = tpu.memref_slice %arg2[%dma_wait3A_866, %dma_wait3A_867] : memref<262144x128xf32, #tpu.memory_space<hbm>> -> memref<262144x128xf32, #tpu.memory_space<hbm>>
    tpu.wait_indirect_dma semaphore(%arg11 : memref<!tpu.dma_semaphore, #tpu.memory_space<semaphore_mem>>) src(%dma_wait3A_868 : memref<262144x128xf32, #tpu.memory_space<hbm>>) dst(%dma_wait3A_862 : memref<128x128xf32, #tpu.memory_space<vmem>>)
    %dma_wait3A_869 = arith.constant 1 : i32
    %dma_wait3A_870 = arith.constant 128 : i32
    %dma_wait3A_871 = arith.constant 0 : i32
    %dma_wait3A_872 = tpu.memref_slice %arg7[%dma_wait3A_870, %dma_wait3A_871] : memref<256x128xf32, #tpu.memory_space<vmem>> -> memref<128x128xf32, #tpu.memory_space<vmem>>
    %dma_wait3A_873 = arith.constant 0 : i32
    %dma_wait3A_874 = tpu.memref_slice %arg6[%dma_wait3A_869, %dma_wait3A_873] : memref<16x128xi32, #tpu.memory_space<vmem>> -> memref<1x128xi32, #tpu.memory_space<vmem>>
    %dma_wait3A_875 = tpu.memref_squeeze %dma_wait3A_874 : memref<1x128xi32, #tpu.memory_space<vmem>> -> memref<128xi32, #tpu.memory_space<vmem>>
    %dma_wait3A_876 = arith.constant 0 : i32
    %dma_wait3A_877 = arith.constant 0 : i32
    %dma_wait3A_878 = tpu.memref_slice %arg2[%dma_wait3A_876, %dma_wait3A_877] : memref<262144x128xf32, #tpu.memory_space<hbm>> -> memref<262144x128xf32, #tpu.memory_space<hbm>>
    tpu.wait_indirect_dma semaphore(%arg11 : memref<!tpu.dma_semaphore, #tpu.memory_space<semaphore_mem>>) src(%dma_wait3A_878 : memref<262144x128xf32, #tpu.memory_space<hbm>>) dst(%dma_wait3A_872 : memref<128x128xf32, #tpu.memory_space<vmem>>)
    %get3A_879 = arith.constant 16 : i32
    %get3A_880 = arith.index_cast %get3A_879 : i32 to index
    %get3A_881 = arith.constant 0 : index
    %get3A_882 = tpu.vector_load %arg5[%get3A_880, %get3A_881] {strides = array<i32>} : memref<48x128xi32, #tpu.memory_space<vmem>>, vector<16xi32>,
    %get3A_883 = arith.constant 17 : i32
    %get3A_884 = arith.index_cast %get3A_883 : i32 to index
    %get3A_885 = arith.constant 0 : index
    %get3A_886 = tpu.vector_load %arg5[%get3A_884, %get3A_885] {strides = array<i32>} : memref<48x128xi32, #tpu.memory_space<vmem>>, vector<16xi32>,
    %get3A_887 = arith.constant 32 : i32
    %get3A_888 = arith.index_cast %get3A_887 : i32 to index
    %get3A_889 = arith.constant 0 : index
    %get3A_890 = tpu.vector_load %arg5[%get3A_888, %get3A_889] {strides = array<i32>} : memref<48x128xi32, #tpu.memory_space<vmem>>, vector<16xi32>,
    %bitcast3A = vector.bitcast %get3A_890 : vector<16xi32> to vector<16xf32>
    %get3A_891 = arith.constant 33 : i32
    %get3A_892 = arith.index_cast %get3A_891 : i32 to index
    %get3A_893 = arith.constant 0 : index
    %get3A_894 = tpu.vector_load %arg5[%get3A_892, %get3A_893] {strides = array<i32>} : memref<48x128xi32, #tpu.memory_space<vmem>>, vector<16xi32>,
    %bitcast3A_895 = vector.bitcast %get3A_894 : vector<16xi32> to vector<16xf32>
    %add3A_896 = arith.constant 0 : i32
    %add3A_897 = vector.broadcast %add3A_896 : i32 to vector<16xi32>
    %add3A_898 = arith.addi %iota3A, %add3A_897 : vector<16xi32>
    %gather3A = tpu.vector_load_idx %arg7[%add3A_898, %get3A_882] : memref<256x128xf32, #tpu.memory_space<vmem>>[vector<16xi32>, vector<16xi32>], vector<16xf32>,
    %add3A_899 = arith.constant 128 : i32
    %add3A_900 = vector.broadcast %add3A_899 : i32 to vector<16xi32>
    %add3A_901 = arith.addi %add3A_898, %add3A_900 : vector<16xi32>
    %gather3A_902 = tpu.vector_load_idx %arg7[%add3A_901, %get3A_886] : memref<256x128xf32, #tpu.memory_space<vmem>>[vector<16xi32>, vector<16xi32>], vector<16xf32>,
    %mul3A_903 = arith.mulf %bitcast3A, %gather3A : vector<16xf32>
    %mul3A_904 = arith.mulf %bitcast3A_895, %gather3A_902 : vector<16xf32>
    %add3A_905 = arith.addf %mul3A_903, %mul3A_904 : vector<16xf32>
    %swap3A_906 = arith.constant 0 : index
    %swap3A_907 = tpu.vector_load %arg10[%swap3A_906] {strides = array<i32>} : memref<128xf32, #tpu.memory_space<vmem>>, vector<16xf32>,
    tpu.vector_store %arg10[%swap3A_906], %add3A_905 {strides = array<i32>} : memref<128xf32, #tpu.memory_space<vmem>>, vector<16xf32>,
    %add3A_908 = arith.constant 16 : i32
    %add3A_909 = vector.broadcast %add3A_908 : i32 to vector<16xi32>
    %add3A_910 = arith.addi %iota3A, %add3A_909 : vector<16xi32>
    %gather3A_911 = tpu.vector_load_idx %arg7[%add3A_910, %get3A_882] : memref<256x128xf32, #tpu.memory_space<vmem>>[vector<16xi32>, vector<16xi32>], vector<16xf32>,
    %add3A_912 = arith.constant 128 : i32
    %add3A_913 = vector.broadcast %add3A_912 : i32 to vector<16xi32>
    %add3A_914 = arith.addi %add3A_910, %add3A_913 : vector<16xi32>
    %gather3A_915 = tpu.vector_load_idx %arg7[%add3A_914, %get3A_886] : memref<256x128xf32, #tpu.memory_space<vmem>>[vector<16xi32>, vector<16xi32>], vector<16xf32>,
    %mul3A_916 = arith.mulf %bitcast3A, %gather3A_911 : vector<16xf32>
    %mul3A_917 = arith.mulf %bitcast3A_895, %gather3A_915 : vector<16xf32>
    %add3A_918 = arith.addf %mul3A_916, %mul3A_917 : vector<16xf32>
    %swap3A_919 = arith.constant 16 : index
    %swap3A_920 = tpu.vector_load %arg10[%swap3A_919] {strides = array<i32>} : memref<128xf32, #tpu.memory_space<vmem>>, vector<16xf32>,
    tpu.vector_store %arg10[%swap3A_919], %add3A_918 {strides = array<i32>} : memref<128xf32, #tpu.memory_space<vmem>>, vector<16xf32>,
    %add3A_921 = arith.constant 32 : i32
    %add3A_922 = vector.broadcast %add3A_921 : i32 to vector<16xi32>
    %add3A_923 = arith.addi %iota3A, %add3A_922 : vector<16xi32>
    %gather3A_924 = tpu.vector_load_idx %arg7[%add3A_923, %get3A_882] : memref<256x128xf32, #tpu.memory_space<vmem>>[vector<16xi32>, vector<16xi32>], vector<16xf32>,
    %add3A_925 = arith.constant 128 : i32
    %add3A_926 = vector.broadcast %add3A_925 : i32 to vector<16xi32>
    %add3A_927 = arith.addi %add3A_923, %add3A_926 : vector<16xi32>
    %gather3A_928 = tpu.vector_load_idx %arg7[%add3A_927, %get3A_886] : memref<256x128xf32, #tpu.memory_space<vmem>>[vector<16xi32>, vector<16xi32>], vector<16xf32>,
    %mul3A_929 = arith.mulf %bitcast3A, %gather3A_924 : vector<16xf32>
    %mul3A_930 = arith.mulf %bitcast3A_895, %gather3A_928 : vector<16xf32>
    %add3A_931 = arith.addf %mul3A_929, %mul3A_930 : vector<16xf32>
    %swap3A_932 = arith.constant 32 : index
    %swap3A_933 = tpu.vector_load %arg10[%swap3A_932] {strides = array<i32>} : memref<128xf32, #tpu.memory_space<vmem>>, vector<16xf32>,
    tpu.vector_store %arg10[%swap3A_932], %add3A_931 {strides = array<i32>} : memref<128xf32, #tpu.memory_space<vmem>>, vector<16xf32>,
    %add3A_934 = arith.constant 48 : i32
    %add3A_935 = vector.broadcast %add3A_934 : i32 to vector<16xi32>
    %add3A_936 = arith.addi %iota3A, %add3A_935 : vector<16xi32>
    %gather3A_937 = tpu.vector_load_idx %arg7[%add3A_936, %get3A_882] : memref<256x128xf32, #tpu.memory_space<vmem>>[vector<16xi32>, vector<16xi32>], vector<16xf32>,
    %add3A_938 = arith.constant 128 : i32
    %add3A_939 = vector.broadcast %add3A_938 : i32 to vector<16xi32>
    %add3A_940 = arith.addi %add3A_936, %add3A_939 : vector<16xi32>
    %gather3A_941 = tpu.vector_load_idx %arg7[%add3A_940, %get3A_886] : memref<256x128xf32, #tpu.memory_space<vmem>>[vector<16xi32>, vector<16xi32>], vector<16xf32>,
    %mul3A_942 = arith.mulf %bitcast3A, %gather3A_937 : vector<16xf32>
    %mul3A_943 = arith.mulf %bitcast3A_895, %gather3A_941 : vector<16xf32>
    %add3A_944 = arith.addf %mul3A_942, %mul3A_943 : vector<16xf32>
    %swap3A_945 = arith.constant 48 : index
    %swap3A_946 = tpu.vector_load %arg10[%swap3A_945] {strides = array<i32>} : memref<128xf32, #tpu.memory_space<vmem>>, vector<16xf32>,
    tpu.vector_store %arg10[%swap3A_945], %add3A_944 {strides = array<i32>} : memref<128xf32, #tpu.memory_space<vmem>>, vector<16xf32>,
    %add3A_947 = arith.constant 64 : i32
    %add3A_948 = vector.broadcast %add3A_947 : i32 to vector<16xi32>
    %add3A_949 = arith.addi %iota3A, %add3A_948 : vector<16xi32>
    %gather3A_950 = tpu.vector_load_idx %arg7[%add3A_949, %get3A_882] : memref<256x128xf32, #tpu.memory_space<vmem>>[vector<16xi32>, vector<16xi32>], vector<16xf32>,
    %add3A_951 = arith.constant 128 : i32
    %add3A_952 = vector.broadcast %add3A_951 : i32 to vector<16xi32>
    %add3A_953 = arith.addi %add3A_949, %add3A_952 : vector<16xi32>
    %gather3A_954 = tpu.vector_load_idx %arg7[%add3A_953, %get3A_886] : memref<256x128xf32, #tpu.memory_space<vmem>>[vector<16xi32>, vector<16xi32>], vector<16xf32>,
    %mul3A_955 = arith.mulf %bitcast3A, %gather3A_950 : vector<16xf32>
    %mul3A_956 = arith.mulf %bitcast3A_895, %gather3A_954 : vector<16xf32>
    %add3A_957 = arith.addf %mul3A_955, %mul3A_956 : vector<16xf32>
    %swap3A_958 = arith.constant 64 : index
    %swap3A_959 = tpu.vector_load %arg10[%swap3A_958] {strides = array<i32>} : memref<128xf32, #tpu.memory_space<vmem>>, vector<16xf32>,
    tpu.vector_store %arg10[%swap3A_958], %add3A_957 {strides = array<i32>} : memref<128xf32, #tpu.memory_space<vmem>>, vector<16xf32>,
    %add3A_960 = arith.constant 80 : i32
    %add3A_961 = vector.broadcast %add3A_960 : i32 to vector<16xi32>
    %add3A_962 = arith.addi %iota3A, %add3A_961 : vector<16xi32>
    %gather3A_963 = tpu.vector_load_idx %arg7[%add3A_962, %get3A_882] : memref<256x128xf32, #tpu.memory_space<vmem>>[vector<16xi32>, vector<16xi32>], vector<16xf32>,
    %add3A_964 = arith.constant 128 : i32
    %add3A_965 = vector.broadcast %add3A_964 : i32 to vector<16xi32>
    %add3A_966 = arith.addi %add3A_962, %add3A_965 : vector<16xi32>
    %gather3A_967 = tpu.vector_load_idx %arg7[%add3A_966, %get3A_886] : memref<256x128xf32, #tpu.memory_space<vmem>>[vector<16xi32>, vector<16xi32>], vector<16xf32>,
    %mul3A_968 = arith.mulf %bitcast3A, %gather3A_963 : vector<16xf32>
    %mul3A_969 = arith.mulf %bitcast3A_895, %gather3A_967 : vector<16xf32>
    %add3A_970 = arith.addf %mul3A_968, %mul3A_969 : vector<16xf32>
    %swap3A_971 = arith.constant 80 : index
    %swap3A_972 = tpu.vector_load %arg10[%swap3A_971] {strides = array<i32>} : memref<128xf32, #tpu.memory_space<vmem>>, vector<16xf32>,
    tpu.vector_store %arg10[%swap3A_971], %add3A_970 {strides = array<i32>} : memref<128xf32, #tpu.memory_space<vmem>>, vector<16xf32>,
    %add3A_973 = arith.constant 96 : i32
    %add3A_974 = vector.broadcast %add3A_973 : i32 to vector<16xi32>
    %add3A_975 = arith.addi %iota3A, %add3A_974 : vector<16xi32>
    %gather3A_976 = tpu.vector_load_idx %arg7[%add3A_975, %get3A_882] : memref<256x128xf32, #tpu.memory_space<vmem>>[vector<16xi32>, vector<16xi32>], vector<16xf32>,
    %add3A_977 = arith.constant 128 : i32
    %add3A_978 = vector.broadcast %add3A_977 : i32 to vector<16xi32>
    %add3A_979 = arith.addi %add3A_975, %add3A_978 : vector<16xi32>
    %gather3A_980 = tpu.vector_load_idx %arg7[%add3A_979, %get3A_886] : memref<256x128xf32, #tpu.memory_space<vmem>>[vector<16xi32>, vector<16xi32>], vector<16xf32>,
    %mul3A_981 = arith.mulf %bitcast3A, %gather3A_976 : vector<16xf32>
    %mul3A_982 = arith.mulf %bitcast3A_895, %gather3A_980 : vector<16xf32>
    %add3A_983 = arith.addf %mul3A_981, %mul3A_982 : vector<16xf32>
    %swap3A_984 = arith.constant 96 : index
    %swap3A_985 = tpu.vector_load %arg10[%swap3A_984] {strides = array<i32>} : memref<128xf32, #tpu.memory_space<vmem>>, vector<16xf32>,
    tpu.vector_store %arg10[%swap3A_984], %add3A_983 {strides = array<i32>} : memref<128xf32, #tpu.memory_space<vmem>>, vector<16xf32>,
    %add3A_986 = arith.constant 112 : i32
    %add3A_987 = vector.broadcast %add3A_986 : i32 to vector<16xi32>
    %add3A_988 = arith.addi %iota3A, %add3A_987 : vector<16xi32>
    %gather3A_989 = tpu.vector_load_idx %arg7[%add3A_988, %get3A_882] : memref<256x128xf32, #tpu.memory_space<vmem>>[vector<16xi32>, vector<16xi32>], vector<16xf32>,
    %add3A_990 = arith.constant 128 : i32
    %add3A_991 = vector.broadcast %add3A_990 : i32 to vector<16xi32>
    %add3A_992 = arith.addi %add3A_988, %add3A_991 : vector<16xi32>
    %gather3A_993 = tpu.vector_load_idx %arg7[%add3A_992, %get3A_886] : memref<256x128xf32, #tpu.memory_space<vmem>>[vector<16xi32>, vector<16xi32>], vector<16xf32>,
    %mul3A_994 = arith.mulf %bitcast3A, %gather3A_989 : vector<16xf32>
    %mul3A_995 = arith.mulf %bitcast3A_895, %gather3A_993 : vector<16xf32>
    %add3A_996 = arith.addf %mul3A_994, %mul3A_995 : vector<16xf32>
    %swap3A_997 = arith.constant 112 : index
    %swap3A_998 = tpu.vector_load %arg10[%swap3A_997] {strides = array<i32>} : memref<128xf32, #tpu.memory_space<vmem>>, vector<16xf32>,
    tpu.vector_store %arg10[%swap3A_997], %add3A_996 {strides = array<i32>} : memref<128xf32, #tpu.memory_space<vmem>>, vector<16xf32>,
    %dma_start3A_999 = arith.constant 6 : i32
    %dma_start3A_1000 = arith.constant 0 : i32
    %dma_start3A_1001 = arith.constant 0 : i32
    %dma_start3A_1002 = tpu.memref_slice %arg7[%dma_start3A_1000, %dma_start3A_1001] : memref<256x128xf32, #tpu.memory_space<vmem>> -> memref<128x128xf32, #tpu.memory_space<vmem>>
    %dma_start3A_1003 = arith.constant 0 : i32
    %dma_start3A_1004 = tpu.memref_slice %arg6[%dma_start3A_999, %dma_start3A_1003] : memref<16x128xi32, #tpu.memory_space<vmem>> -> memref<1x128xi32, #tpu.memory_space<vmem>>
    %dma_start3A_1005 = tpu.memref_squeeze %dma_start3A_1004 : memref<1x128xi32, #tpu.memory_space<vmem>> -> memref<128xi32, #tpu.memory_space<vmem>>
    %dma_start3A_1006 = arith.constant 0 : i32
    %dma_start3A_1007 = arith.constant 0 : i32
    %dma_start3A_1008 = tpu.memref_slice %arg2[%dma_start3A_1006, %dma_start3A_1007] : memref<262144x128xf32, #tpu.memory_space<hbm>> -> memref<262144x128xf32, #tpu.memory_space<hbm>>
    tpu.enqueue_indirect_dma source(%dma_start3A_1008 : memref<262144x128xf32, #tpu.memory_space<hbm>>) target(%dma_start3A_1002 : memref<128x128xf32, #tpu.memory_space<vmem>>) offsets(%dma_start3A_1005 : memref<128xi32, #tpu.memory_space<vmem>>) semaphore(%arg11 : memref<!tpu.dma_semaphore, #tpu.memory_space<semaphore_mem>>)
    %dma_start3A_1009 = arith.constant 7 : i32
    %dma_start3A_1010 = arith.constant 128 : i32
    %dma_start3A_1011 = arith.constant 0 : i32
    %dma_start3A_1012 = tpu.memref_slice %arg7[%dma_start3A_1010, %dma_start3A_1011] : memref<256x128xf32, #tpu.memory_space<vmem>> -> memref<128x128xf32, #tpu.memory_space<vmem>>
    %dma_start3A_1013 = arith.constant 0 : i32
    %dma_start3A_1014 = tpu.memref_slice %arg6[%dma_start3A_1009, %dma_start3A_1013] : memref<16x128xi32, #tpu.memory_space<vmem>> -> memref<1x128xi32, #tpu.memory_space<vmem>>
    %dma_start3A_1015 = tpu.memref_squeeze %dma_start3A_1014 : memref<1x128xi32, #tpu.memory_space<vmem>> -> memref<128xi32, #tpu.memory_space<vmem>>
    %dma_start3A_1016 = arith.constant 0 : i32
    %dma_start3A_1017 = arith.constant 0 : i32
    %dma_start3A_1018 = tpu.memref_slice %arg2[%dma_start3A_1016, %dma_start3A_1017] : memref<262144x128xf32, #tpu.memory_space<hbm>> -> memref<262144x128xf32, #tpu.memory_space<hbm>>
    tpu.enqueue_indirect_dma source(%dma_start3A_1018 : memref<262144x128xf32, #tpu.memory_space<hbm>>) target(%dma_start3A_1012 : memref<128x128xf32, #tpu.memory_space<vmem>>) offsets(%dma_start3A_1015 : memref<128xi32, #tpu.memory_space<vmem>>) semaphore(%arg11 : memref<!tpu.dma_semaphore, #tpu.memory_space<semaphore_mem>>)
    %run_scoped3A = arith.constant 0 : i32
    "tpu.region"() ({
      %run_scoped3A_1611 = tpu.sem_alloc : memref<!tpu.dma_semaphore, #tpu.memory_space<semaphore_mem>>
      %dma_start3A_1612 = arith.constant 0 : i32
      %dma_start3A_1613 = tpu.memref_slice %arg4[%run_scoped3A, %add3A, %dma_start3A_1612] : memref<5x32x128xf32, #tpu.memory_space<hbm>> -> memref<1x1x128xf32, #tpu.memory_space<hbm>>
      %dma_start3A_1614 = tpu.memref_squeeze %dma_start3A_1613 : memref<1x1x128xf32, #tpu.memory_space<hbm>> -> memref<128xf32, #tpu.memory_space<hbm>>
      %dma_start3A_1615 = arith.constant 0 : i32
      %dma_start3A_1616 = tpu.memref_slice %arg4[%run_scoped3A, %add3A, %dma_start3A_1615] : memref<5x32x128xf32, #tpu.memory_space<hbm>> -> memref<1x1x128xf32, #tpu.memory_space<hbm>>
      %dma_start3A_1617 = tpu.memref_squeeze %dma_start3A_1616 : memref<1x1x128xf32, #tpu.memory_space<hbm>> -> memref<128xf32, #tpu.memory_space<hbm>>
      tpu.enqueue_dma source(%arg10 : memref<128xf32, #tpu.memory_space<vmem>>) target(%dma_start3A_1617 : memref<128xf32, #tpu.memory_space<hbm>>) target_semaphore(%run_scoped3A_1611 : memref<!tpu.dma_semaphore, #tpu.memory_space<semaphore_mem>>)
      %dma_wait3A_1618 = arith.constant 0 : i32
      %dma_wait3A_1619 = tpu.memref_slice %arg4[%run_scoped3A, %add3A, %dma_wait3A_1618] : memref<5x32x128xf32, #tpu.memory_space<hbm>> -> memref<1x1x128xf32, #tpu.memory_space<hbm>>
      %dma_wait3A_1620 = tpu.memref_squeeze %dma_wait3A_1619 : memref<1x1x128xf32, #tpu.memory_space<hbm>> -> memref<128xf32, #tpu.memory_space<hbm>>
      %dma_wait3A_1621 = arith.constant 0 : i32
      %dma_wait3A_1622 = tpu.memref_slice %arg4[%run_scoped3A, %add3A, %dma_wait3A_1621] : memref<5x32x128xf32, #tpu.memory_space<hbm>> -> memref<1x1x128xf32, #tpu.memory_space<hbm>>
      %dma_wait3A_1623 = tpu.memref_squeeze %dma_wait3A_1622 : memref<1x1x128xf32, #tpu.memory_space<hbm>> -> memref<128xf32, #tpu.memory_space<hbm>>
      tpu.wait_dma2 semaphore(%run_scoped3A_1611 : memref<!tpu.dma_semaphore, #tpu.memory_space<semaphore_mem>>) src(%arg10 : memref<128xf32, #tpu.memory_space<vmem>>) dst(%dma_wait3A_1623 : memref<128xf32, #tpu.memory_space<hbm>>)
      tpu.yield
    }) : () -> ()
    %dma_wait3A_1019 = arith.constant 2 : i32
    %dma_wait3A_1020 = arith.constant 0 : i32
    %dma_wait3A_1021 = arith.constant 0 : i32
    %dma_wait3A_1022 = tpu.memref_slice %arg8[%dma_wait3A_1020, %dma_wait3A_1021] : memref<256x128xf32, #tpu.memory_space<vmem>> -> memref<128x128xf32, #tpu.memory_space<vmem>>
    %dma_wait3A_1023 = arith.constant 0 : i32
    %dma_wait3A_1024 = tpu.memref_slice %arg6[%dma_wait3A_1019, %dma_wait3A_1023] : memref<16x128xi32, #tpu.memory_space<vmem>> -> memref<1x128xi32, #tpu.memory_space<vmem>>
    %dma_wait3A_1025 = tpu.memref_squeeze %dma_wait3A_1024 : memref<1x128xi32, #tpu.memory_space<vmem>> -> memref<128xi32, #tpu.memory_space<vmem>>
    %dma_wait3A_1026 = arith.constant 0 : i32
    %dma_wait3A_1027 = arith.constant 0 : i32
    %dma_wait3A_1028 = tpu.memref_slice %arg2[%dma_wait3A_1026, %dma_wait3A_1027] : memref<262144x128xf32, #tpu.memory_space<hbm>> -> memref<262144x128xf32, #tpu.memory_space<hbm>>
    tpu.wait_indirect_dma semaphore(%arg12 : memref<!tpu.dma_semaphore, #tpu.memory_space<semaphore_mem>>) src(%dma_wait3A_1028 : memref<262144x128xf32, #tpu.memory_space<hbm>>) dst(%dma_wait3A_1022 : memref<128x128xf32, #tpu.memory_space<vmem>>)
    %dma_wait3A_1029 = arith.constant 3 : i32
    %dma_wait3A_1030 = arith.constant 128 : i32
    %dma_wait3A_1031 = arith.constant 0 : i32
    %dma_wait3A_1032 = tpu.memref_slice %arg8[%dma_wait3A_1030, %dma_wait3A_1031] : memref<256x128xf32, #tpu.memory_space<vmem>> -> memref<128x128xf32, #tpu.memory_space<vmem>>
    %dma_wait3A_1033 = arith.constant 0 : i32
    %dma_wait3A_1034 = tpu.memref_slice %arg6[%dma_wait3A_1029, %dma_wait3A_1033] : memref<16x128xi32, #tpu.memory_space<vmem>> -> memref<1x128xi32, #tpu.memory_space<vmem>>
    %dma_wait3A_1035 = tpu.memref_squeeze %dma_wait3A_1034 : memref<1x128xi32, #tpu.memory_space<vmem>> -> memref<128xi32, #tpu.memory_space<vmem>>
    %dma_wait3A_1036 = arith.constant 0 : i32
    %dma_wait3A_1037 = arith.constant 0 : i32
    %dma_wait3A_1038 = tpu.memref_slice %arg2[%dma_wait3A_1036, %dma_wait3A_1037] : memref<262144x128xf32, #tpu.memory_space<hbm>> -> memref<262144x128xf32, #tpu.memory_space<hbm>>
    tpu.wait_indirect_dma semaphore(%arg12 : memref<!tpu.dma_semaphore, #tpu.memory_space<semaphore_mem>>) src(%dma_wait3A_1038 : memref<262144x128xf32, #tpu.memory_space<hbm>>) dst(%dma_wait3A_1032 : memref<128x128xf32, #tpu.memory_space<vmem>>)
    %get3A_1039 = arith.constant 18 : i32
    %get3A_1040 = arith.index_cast %get3A_1039 : i32 to index
    %get3A_1041 = arith.constant 0 : index
    %get3A_1042 = tpu.vector_load %arg5[%get3A_1040, %get3A_1041] {strides = array<i32>} : memref<48x128xi32, #tpu.memory_space<vmem>>, vector<16xi32>,
    %get3A_1043 = arith.constant 19 : i32
    %get3A_1044 = arith.index_cast %get3A_1043 : i32 to index
    %get3A_1045 = arith.constant 0 : index
    %get3A_1046 = tpu.vector_load %arg5[%get3A_1044, %get3A_1045] {strides = array<i32>} : memref<48x128xi32, #tpu.memory_space<vmem>>, vector<16xi32>,
    %get3A_1047 = arith.constant 34 : i32
    %get3A_1048 = arith.index_cast %get3A_1047 : i32 to index
    %get3A_1049 = arith.constant 0 : index
    %get3A_1050 = tpu.vector_load %arg5[%get3A_1048, %get3A_1049] {strides = array<i32>} : memref<48x128xi32, #tpu.memory_space<vmem>>, vector<16xi32>,
    %bitcast3A_1051 = vector.bitcast %get3A_1050 : vector<16xi32> to vector<16xf32>
    %get3A_1052 = arith.constant 35 : i32
    %get3A_1053 = arith.index_cast %get3A_1052 : i32 to index
    %get3A_1054 = arith.constant 0 : index
    %get3A_1055 = tpu.vector_load %arg5[%get3A_1053, %get3A_1054] {strides = array<i32>} : memref<48x128xi32, #tpu.memory_space<vmem>>, vector<16xi32>,
    %bitcast3A_1056 = vector.bitcast %get3A_1055 : vector<16xi32> to vector<16xf32>
    %add3A_1057 = arith.constant 0 : i32
    %add3A_1058 = vector.broadcast %add3A_1057 : i32 to vector<16xi32>
    %add3A_1059 = arith.addi %iota3A, %add3A_1058 : vector<16xi32>
    %gather3A_1060 = tpu.vector_load_idx %arg8[%add3A_1059, %get3A_1042] : memref<256x128xf32, #tpu.memory_space<vmem>>[vector<16xi32>, vector<16xi32>], vector<16xf32>,
    %add3A_1061 = arith.constant 128 : i32
    %add3A_1062 = vector.broadcast %add3A_1061 : i32 to vector<16xi32>
    %add3A_1063 = arith.addi %add3A_1059, %add3A_1062 : vector<16xi32>
    %gather3A_1064 = tpu.vector_load_idx %arg8[%add3A_1063, %get3A_1046] : memref<256x128xf32, #tpu.memory_space<vmem>>[vector<16xi32>, vector<16xi32>], vector<16xf32>,
    %mul3A_1065 = arith.mulf %bitcast3A_1051, %gather3A_1060 : vector<16xf32>
    %mul3A_1066 = arith.mulf %bitcast3A_1056, %gather3A_1064 : vector<16xf32>
    %add3A_1067 = arith.addf %mul3A_1065, %mul3A_1066 : vector<16xf32>
    %swap3A_1068 = arith.constant 0 : index
    %swap3A_1069 = tpu.vector_load %arg10[%swap3A_1068] {strides = array<i32>} : memref<128xf32, #tpu.memory_space<vmem>>, vector<16xf32>,
    tpu.vector_store %arg10[%swap3A_1068], %add3A_1067 {strides = array<i32>} : memref<128xf32, #tpu.memory_space<vmem>>, vector<16xf32>,
    %add3A_1070 = arith.constant 16 : i32
    %add3A_1071 = vector.broadcast %add3A_1070 : i32 to vector<16xi32>
    %add3A_1072 = arith.addi %iota3A, %add3A_1071 : vector<16xi32>
    %gather3A_1073 = tpu.vector_load_idx %arg8[%add3A_1072, %get3A_1042] : memref<256x128xf32, #tpu.memory_space<vmem>>[vector<16xi32>, vector<16xi32>], vector<16xf32>,
    %add3A_1074 = arith.constant 128 : i32
    %add3A_1075 = vector.broadcast %add3A_1074 : i32 to vector<16xi32>
    %add3A_1076 = arith.addi %add3A_1072, %add3A_1075 : vector<16xi32>
    %gather3A_1077 = tpu.vector_load_idx %arg8[%add3A_1076, %get3A_1046] : memref<256x128xf32, #tpu.memory_space<vmem>>[vector<16xi32>, vector<16xi32>], vector<16xf32>,
    %mul3A_1078 = arith.mulf %bitcast3A_1051, %gather3A_1073 : vector<16xf32>
    %mul3A_1079 = arith.mulf %bitcast3A_1056, %gather3A_1077 : vector<16xf32>
    %add3A_1080 = arith.addf %mul3A_1078, %mul3A_1079 : vector<16xf32>
    %swap3A_1081 = arith.constant 16 : index
    %swap3A_1082 = tpu.vector_load %arg10[%swap3A_1081] {strides = array<i32>} : memref<128xf32, #tpu.memory_space<vmem>>, vector<16xf32>,
    tpu.vector_store %arg10[%swap3A_1081], %add3A_1080 {strides = array<i32>} : memref<128xf32, #tpu.memory_space<vmem>>, vector<16xf32>,
    %add3A_1083 = arith.constant 32 : i32
    %add3A_1084 = vector.broadcast %add3A_1083 : i32 to vector<16xi32>
    %add3A_1085 = arith.addi %iota3A, %add3A_1084 : vector<16xi32>
    %gather3A_1086 = tpu.vector_load_idx %arg8[%add3A_1085, %get3A_1042] : memref<256x128xf32, #tpu.memory_space<vmem>>[vector<16xi32>, vector<16xi32>], vector<16xf32>,
    %add3A_1087 = arith.constant 128 : i32
    %add3A_1088 = vector.broadcast %add3A_1087 : i32 to vector<16xi32>
    %add3A_1089 = arith.addi %add3A_1085, %add3A_1088 : vector<16xi32>
    %gather3A_1090 = tpu.vector_load_idx %arg8[%add3A_1089, %get3A_1046] : memref<256x128xf32, #tpu.memory_space<vmem>>[vector<16xi32>, vector<16xi32>], vector<16xf32>,
    %mul3A_1091 = arith.mulf %bitcast3A_1051, %gather3A_1086 : vector<16xf32>
    %mul3A_1092 = arith.mulf %bitcast3A_1056, %gather3A_1090 : vector<16xf32>
    %add3A_1093 = arith.addf %mul3A_1091, %mul3A_1092 : vector<16xf32>
    %swap3A_1094 = arith.constant 32 : index
    %swap3A_1095 = tpu.vector_load %arg10[%swap3A_1094] {strides = array<i32>} : memref<128xf32, #tpu.memory_space<vmem>>, vector<16xf32>,
    tpu.vector_store %arg10[%swap3A_1094], %add3A_1093 {strides = array<i32>} : memref<128xf32, #tpu.memory_space<vmem>>, vector<16xf32>,
    %add3A_1096 = arith.constant 48 : i32
    %add3A_1097 = vector.broadcast %add3A_1096 : i32 to vector<16xi32>
    %add3A_1098 = arith.addi %iota3A, %add3A_1097 : vector<16xi32>
    %gather3A_1099 = tpu.vector_load_idx %arg8[%add3A_1098, %get3A_1042] : memref<256x128xf32, #tpu.memory_space<vmem>>[vector<16xi32>, vector<16xi32>], vector<16xf32>,
    %add3A_1100 = arith.constant 128 : i32
    %add3A_1101 = vector.broadcast %add3A_1100 : i32 to vector<16xi32>
    %add3A_1102 = arith.addi %add3A_1098, %add3A_1101 : vector<16xi32>
    %gather3A_1103 = tpu.vector_load_idx %arg8[%add3A_1102, %get3A_1046] : memref<256x128xf32, #tpu.memory_space<vmem>>[vector<16xi32>, vector<16xi32>], vector<16xf32>,
    %mul3A_1104 = arith.mulf %bitcast3A_1051, %gather3A_1099 : vector<16xf32>
    %mul3A_1105 = arith.mulf %bitcast3A_1056, %gather3A_1103 : vector<16xf32>
    %add3A_1106 = arith.addf %mul3A_1104, %mul3A_1105 : vector<16xf32>
    %swap3A_1107 = arith.constant 48 : index
    %swap3A_1108 = tpu.vector_load %arg10[%swap3A_1107] {strides = array<i32>} : memref<128xf32, #tpu.memory_space<vmem>>, vector<16xf32>,
    tpu.vector_store %arg10[%swap3A_1107], %add3A_1106 {strides = array<i32>} : memref<128xf32, #tpu.memory_space<vmem>>, vector<16xf32>,
    %add3A_1109 = arith.constant 64 : i32
    %add3A_1110 = vector.broadcast %add3A_1109 : i32 to vector<16xi32>
    %add3A_1111 = arith.addi %iota3A, %add3A_1110 : vector<16xi32>
    %gather3A_1112 = tpu.vector_load_idx %arg8[%add3A_1111, %get3A_1042] : memref<256x128xf32, #tpu.memory_space<vmem>>[vector<16xi32>, vector<16xi32>], vector<16xf32>,
    %add3A_1113 = arith.constant 128 : i32
    %add3A_1114 = vector.broadcast %add3A_1113 : i32 to vector<16xi32>
    %add3A_1115 = arith.addi %add3A_1111, %add3A_1114 : vector<16xi32>
    %gather3A_1116 = tpu.vector_load_idx %arg8[%add3A_1115, %get3A_1046] : memref<256x128xf32, #tpu.memory_space<vmem>>[vector<16xi32>, vector<16xi32>], vector<16xf32>,
    %mul3A_1117 = arith.mulf %bitcast3A_1051, %gather3A_1112 : vector<16xf32>
    %mul3A_1118 = arith.mulf %bitcast3A_1056, %gather3A_1116 : vector<16xf32>
    %add3A_1119 = arith.addf %mul3A_1117, %mul3A_1118 : vector<16xf32>
    %swap3A_1120 = arith.constant 64 : index
    %swap3A_1121 = tpu.vector_load %arg10[%swap3A_1120] {strides = array<i32>} : memref<128xf32, #tpu.memory_space<vmem>>, vector<16xf32>,
    tpu.vector_store %arg10[%swap3A_1120], %add3A_1119 {strides = array<i32>} : memref<128xf32, #tpu.memory_space<vmem>>, vector<16xf32>,
    %add3A_1122 = arith.constant 80 : i32
    %add3A_1123 = vector.broadcast %add3A_1122 : i32 to vector<16xi32>
    %add3A_1124 = arith.addi %iota3A, %add3A_1123 : vector<16xi32>
    %gather3A_1125 = tpu.vector_load_idx %arg8[%add3A_1124, %get3A_1042] : memref<256x128xf32, #tpu.memory_space<vmem>>[vector<16xi32>, vector<16xi32>], vector<16xf32>,
    %add3A_1126 = arith.constant 128 : i32
    %add3A_1127 = vector.broadcast %add3A_1126 : i32 to vector<16xi32>
    %add3A_1128 = arith.addi %add3A_1124, %add3A_1127 : vector<16xi32>
    %gather3A_1129 = tpu.vector_load_idx %arg8[%add3A_1128, %get3A_1046] : memref<256x128xf32, #tpu.memory_space<vmem>>[vector<16xi32>, vector<16xi32>], vector<16xf32>,
    %mul3A_1130 = arith.mulf %bitcast3A_1051, %gather3A_1125 : vector<16xf32>
    %mul3A_1131 = arith.mulf %bitcast3A_1056, %gather3A_1129 : vector<16xf32>
    %add3A_1132 = arith.addf %mul3A_1130, %mul3A_1131 : vector<16xf32>
    %swap3A_1133 = arith.constant 80 : index
    %swap3A_1134 = tpu.vector_load %arg10[%swap3A_1133] {strides = array<i32>} : memref<128xf32, #tpu.memory_space<vmem>>, vector<16xf32>,
    tpu.vector_store %arg10[%swap3A_1133], %add3A_1132 {strides = array<i32>} : memref<128xf32, #tpu.memory_space<vmem>>, vector<16xf32>,
    %add3A_1135 = arith.constant 96 : i32
    %add3A_1136 = vector.broadcast %add3A_1135 : i32 to vector<16xi32>
    %add3A_1137 = arith.addi %iota3A, %add3A_1136 : vector<16xi32>
    %gather3A_1138 = tpu.vector_load_idx %arg8[%add3A_1137, %get3A_1042] : memref<256x128xf32, #tpu.memory_space<vmem>>[vector<16xi32>, vector<16xi32>], vector<16xf32>,
    %add3A_1139 = arith.constant 128 : i32
    %add3A_1140 = vector.broadcast %add3A_1139 : i32 to vector<16xi32>
    %add3A_1141 = arith.addi %add3A_1137, %add3A_1140 : vector<16xi32>
    %gather3A_1142 = tpu.vector_load_idx %arg8[%add3A_1141, %get3A_1046] : memref<256x128xf32, #tpu.memory_space<vmem>>[vector<16xi32>, vector<16xi32>], vector<16xf32>,
    %mul3A_1143 = arith.mulf %bitcast3A_1051, %gather3A_1138 : vector<16xf32>
    %mul3A_1144 = arith.mulf %bitcast3A_1056, %gather3A_1142 : vector<16xf32>
    %add3A_1145 = arith.addf %mul3A_1143, %mul3A_1144 : vector<16xf32>
    %swap3A_1146 = arith.constant 96 : index
    %swap3A_1147 = tpu.vector_load %arg10[%swap3A_1146] {strides = array<i32>} : memref<128xf32, #tpu.memory_space<vmem>>, vector<16xf32>,
    tpu.vector_store %arg10[%swap3A_1146], %add3A_1145 {strides = array<i32>} : memref<128xf32, #tpu.memory_space<vmem>>, vector<16xf32>,
    %add3A_1148 = arith.constant 112 : i32
    %add3A_1149 = vector.broadcast %add3A_1148 : i32 to vector<16xi32>
    %add3A_1150 = arith.addi %iota3A, %add3A_1149 : vector<16xi32>
    %gather3A_1151 = tpu.vector_load_idx %arg8[%add3A_1150, %get3A_1042] : memref<256x128xf32, #tpu.memory_space<vmem>>[vector<16xi32>, vector<16xi32>], vector<16xf32>,
    %add3A_1152 = arith.constant 128 : i32
    %add3A_1153 = vector.broadcast %add3A_1152 : i32 to vector<16xi32>
    %add3A_1154 = arith.addi %add3A_1150, %add3A_1153 : vector<16xi32>
    %gather3A_1155 = tpu.vector_load_idx %arg8[%add3A_1154, %get3A_1046] : memref<256x128xf32, #tpu.memory_space<vmem>>[vector<16xi32>, vector<16xi32>], vector<16xf32>,
    %mul3A_1156 = arith.mulf %bitcast3A_1051, %gather3A_1151 : vector<16xf32>
    %mul3A_1157 = arith.mulf %bitcast3A_1056, %gather3A_1155 : vector<16xf32>
    %add3A_1158 = arith.addf %mul3A_1156, %mul3A_1157 : vector<16xf32>
    %swap3A_1159 = arith.constant 112 : index
    %swap3A_1160 = tpu.vector_load %arg10[%swap3A_1159] {strides = array<i32>} : memref<128xf32, #tpu.memory_space<vmem>>, vector<16xf32>,
    tpu.vector_store %arg10[%swap3A_1159], %add3A_1158 {strides = array<i32>} : memref<128xf32, #tpu.memory_space<vmem>>, vector<16xf32>,
    %dma_start3A_1161 = arith.constant 8 : i32
    %dma_start3A_1162 = arith.constant 0 : i32
    %dma_start3A_1163 = arith.constant 0 : i32
    %dma_start3A_1164 = tpu.memref_slice %arg8[%dma_start3A_1162, %dma_start3A_1163] : memref<256x128xf32, #tpu.memory_space<vmem>> -> memref<128x128xf32, #tpu.memory_space<vmem>>
    %dma_start3A_1165 = arith.constant 0 : i32
    %dma_start3A_1166 = tpu.memref_slice %arg6[%dma_start3A_1161, %dma_start3A_1165] : memref<16x128xi32, #tpu.memory_space<vmem>> -> memref<1x128xi32, #tpu.memory_space<vmem>>
    %dma_start3A_1167 = tpu.memref_squeeze %dma_start3A_1166 : memref<1x128xi32, #tpu.memory_space<vmem>> -> memref<128xi32, #tpu.memory_space<vmem>>
    %dma_start3A_1168 = arith.constant 0 : i32
    %dma_start3A_1169 = arith.constant 0 : i32
    %dma_start3A_1170 = tpu.memref_slice %arg2[%dma_start3A_1168, %dma_start3A_1169] : memref<262144x128xf32, #tpu.memory_space<hbm>> -> memref<262144x128xf32, #tpu.memory_space<hbm>>
    tpu.enqueue_indirect_dma source(%dma_start3A_1170 : memref<262144x128xf32, #tpu.memory_space<hbm>>) target(%dma_start3A_1164 : memref<128x128xf32, #tpu.memory_space<vmem>>) offsets(%dma_start3A_1167 : memref<128xi32, #tpu.memory_space<vmem>>) semaphore(%arg12 : memref<!tpu.dma_semaphore, #tpu.memory_space<semaphore_mem>>)
    %dma_start3A_1171 = arith.constant 9 : i32
    %dma_start3A_1172 = arith.constant 128 : i32
    %dma_start3A_1173 = arith.constant 0 : i32
    %dma_start3A_1174 = tpu.memref_slice %arg8[%dma_start3A_1172, %dma_start3A_1173] : memref<256x128xf32, #tpu.memory_space<vmem>> -> memref<128x128xf32, #tpu.memory_space<vmem>>
    %dma_start3A_1175 = arith.constant 0 : i32
    %dma_start3A_1176 = tpu.memref_slice %arg6[%dma_start3A_1171, %dma_start3A_1175] : memref<16x128xi32, #tpu.memory_space<vmem>> -> memref<1x128xi32, #tpu.memory_space<vmem>>
    %dma_start3A_1177 = tpu.memref_squeeze %dma_start3A_1176 : memref<1x128xi32, #tpu.memory_space<vmem>> -> memref<128xi32, #tpu.memory_space<vmem>>
    %dma_start3A_1178 = arith.constant 0 : i32
    %dma_start3A_1179 = arith.constant 0 : i32
    %dma_start3A_1180 = tpu.memref_slice %arg2[%dma_start3A_1178, %dma_start3A_1179] : memref<262144x128xf32, #tpu.memory_space<hbm>> -> memref<262144x128xf32, #tpu.memory_space<hbm>>
    tpu.enqueue_indirect_dma source(%dma_start3A_1180 : memref<262144x128xf32, #tpu.memory_space<hbm>>) target(%dma_start3A_1174 : memref<128x128xf32, #tpu.memory_space<vmem>>) offsets(%dma_start3A_1177 : memref<128xi32, #tpu.memory_space<vmem>>) semaphore(%arg12 : memref<!tpu.dma_semaphore, #tpu.memory_space<semaphore_mem>>)
    %run_scoped3A_1181 = arith.constant 1 : i32
    "tpu.region"() ({
      %run_scoped3A_1611 = tpu.sem_alloc : memref<!tpu.dma_semaphore, #tpu.memory_space<semaphore_mem>>
      %dma_start3A_1612 = arith.constant 0 : i32
      %dma_start3A_1613 = tpu.memref_slice %arg4[%run_scoped3A_1181, %add3A, %dma_start3A_1612] : memref<5x32x128xf32, #tpu.memory_space<hbm>> -> memref<1x1x128xf32, #tpu.memory_space<hbm>>
      %dma_start3A_1614 = tpu.memref_squeeze %dma_start3A_1613 : memref<1x1x128xf32, #tpu.memory_space<hbm>> -> memref<128xf32, #tpu.memory_space<hbm>>
      %dma_start3A_1615 = arith.constant 0 : i32
      %dma_start3A_1616 = tpu.memref_slice %arg4[%run_scoped3A_1181, %add3A, %dma_start3A_1615] : memref<5x32x128xf32, #tpu.memory_space<hbm>> -> memref<1x1x128xf32, #tpu.memory_space<hbm>>
      %dma_start3A_1617 = tpu.memref_squeeze %dma_start3A_1616 : memref<1x1x128xf32, #tpu.memory_space<hbm>> -> memref<128xf32, #tpu.memory_space<hbm>>
      tpu.enqueue_dma source(%arg10 : memref<128xf32, #tpu.memory_space<vmem>>) target(%dma_start3A_1617 : memref<128xf32, #tpu.memory_space<hbm>>) target_semaphore(%run_scoped3A_1611 : memref<!tpu.dma_semaphore, #tpu.memory_space<semaphore_mem>>)
      %dma_wait3A_1618 = arith.constant 0 : i32
      %dma_wait3A_1619 = tpu.memref_slice %arg4[%run_scoped3A_1181, %add3A, %dma_wait3A_1618] : memref<5x32x128xf32, #tpu.memory_space<hbm>> -> memref<1x1x128xf32, #tpu.memory_space<hbm>>
      %dma_wait3A_1620 = tpu.memref_squeeze %dma_wait3A_1619 : memref<1x1x128xf32, #tpu.memory_space<hbm>> -> memref<128xf32, #tpu.memory_space<hbm>>
      %dma_wait3A_1621 = arith.constant 0 : i32
      %dma_wait3A_1622 = tpu.memref_slice %arg4[%run_scoped3A_1181, %add3A, %dma_wait3A_1621] : memref<5x32x128xf32, #tpu.memory_space<hbm>> -> memref<1x1x128xf32, #tpu.memory_space<hbm>>
      %dma_wait3A_1623 = tpu.memref_squeeze %dma_wait3A_1622 : memref<1x1x128xf32, #tpu.memory_space<hbm>> -> memref<128xf32, #tpu.memory_space<hbm>>
      tpu.wait_dma2 semaphore(%run_scoped3A_1611 : memref<!tpu.dma_semaphore, #tpu.memory_space<semaphore_mem>>) src(%arg10 : memref<128xf32, #tpu.memory_space<vmem>>) dst(%dma_wait3A_1623 : memref<128xf32, #tpu.memory_space<hbm>>)
      tpu.yield
    }) : () -> ()
    %dma_wait3A_1182 = arith.constant 4 : i32
    %dma_wait3A_1183 = arith.constant 0 : i32
    %dma_wait3A_1184 = arith.constant 0 : i32
    %dma_wait3A_1185 = tpu.memref_slice %arg9[%dma_wait3A_1183, %dma_wait3A_1184] : memref<256x128xf32, #tpu.memory_space<vmem>> -> memref<128x128xf32, #tpu.memory_space<vmem>>
    %dma_wait3A_1186 = arith.constant 0 : i32
    %dma_wait3A_1187 = tpu.memref_slice %arg6[%dma_wait3A_1182, %dma_wait3A_1186] : memref<16x128xi32, #tpu.memory_space<vmem>> -> memref<1x128xi32, #tpu.memory_space<vmem>>
    %dma_wait3A_1188 = tpu.memref_squeeze %dma_wait3A_1187 : memref<1x128xi32, #tpu.memory_space<vmem>> -> memref<128xi32, #tpu.memory_space<vmem>>
    %dma_wait3A_1189 = arith.constant 0 : i32
    %dma_wait3A_1190 = arith.constant 0 : i32
    %dma_wait3A_1191 = tpu.memref_slice %arg2[%dma_wait3A_1189, %dma_wait3A_1190] : memref<262144x128xf32, #tpu.memory_space<hbm>> -> memref<262144x128xf32, #tpu.memory_space<hbm>>
    tpu.wait_indirect_dma semaphore(%arg13 : memref<!tpu.dma_semaphore, #tpu.memory_space<semaphore_mem>>) src(%dma_wait3A_1191 : memref<262144x128xf32, #tpu.memory_space<hbm>>) dst(%dma_wait3A_1185 : memref<128x128xf32, #tpu.memory_space<vmem>>)
    %dma_wait3A_1192 = arith.constant 5 : i32
    %dma_wait3A_1193 = arith.constant 128 : i32
    %dma_wait3A_1194 = arith.constant 0 : i32
    %dma_wait3A_1195 = tpu.memref_slice %arg9[%dma_wait3A_1193, %dma_wait3A_1194] : memref<256x128xf32, #tpu.memory_space<vmem>> -> memref<128x128xf32, #tpu.memory_space<vmem>>
    %dma_wait3A_1196 = arith.constant 0 : i32
    %dma_wait3A_1197 = tpu.memref_slice %arg6[%dma_wait3A_1192, %dma_wait3A_1196] : memref<16x128xi32, #tpu.memory_space<vmem>> -> memref<1x128xi32, #tpu.memory_space<vmem>>
    %dma_wait3A_1198 = tpu.memref_squeeze %dma_wait3A_1197 : memref<1x128xi32, #tpu.memory_space<vmem>> -> memref<128xi32, #tpu.memory_space<vmem>>
    %dma_wait3A_1199 = arith.constant 0 : i32
    %dma_wait3A_1200 = arith.constant 0 : i32
    %dma_wait3A_1201 = tpu.memref_slice %arg2[%dma_wait3A_1199, %dma_wait3A_1200] : memref<262144x128xf32, #tpu.memory_space<hbm>> -> memref<262144x128xf32, #tpu.memory_space<hbm>>
    tpu.wait_indirect_dma semaphore(%arg13 : memref<!tpu.dma_semaphore, #tpu.memory_space<semaphore_mem>>) src(%dma_wait3A_1201 : memref<262144x128xf32, #tpu.memory_space<hbm>>) dst(%dma_wait3A_1195 : memref<128x128xf32, #tpu.memory_space<vmem>>)
    %get3A_1202 = arith.constant 20 : i32
    %get3A_1203 = arith.index_cast %get3A_1202 : i32 to index
    %get3A_1204 = arith.constant 0 : index
    %get3A_1205 = tpu.vector_load %arg5[%get3A_1203, %get3A_1204] {strides = array<i32>} : memref<48x128xi32, #tpu.memory_space<vmem>>, vector<16xi32>,
    %get3A_1206 = arith.constant 21 : i32
    %get3A_1207 = arith.index_cast %get3A_1206 : i32 to index
    %get3A_1208 = arith.constant 0 : index
    %get3A_1209 = tpu.vector_load %arg5[%get3A_1207, %get3A_1208] {strides = array<i32>} : memref<48x128xi32, #tpu.memory_space<vmem>>, vector<16xi32>,
    %get3A_1210 = arith.constant 36 : i32
    %get3A_1211 = arith.index_cast %get3A_1210 : i32 to index
    %get3A_1212 = arith.constant 0 : index
    %get3A_1213 = tpu.vector_load %arg5[%get3A_1211, %get3A_1212] {strides = array<i32>} : memref<48x128xi32, #tpu.memory_space<vmem>>, vector<16xi32>,
    %bitcast3A_1214 = vector.bitcast %get3A_1213 : vector<16xi32> to vector<16xf32>
    %get3A_1215 = arith.constant 37 : i32
    %get3A_1216 = arith.index_cast %get3A_1215 : i32 to index
    %get3A_1217 = arith.constant 0 : index
    %get3A_1218 = tpu.vector_load %arg5[%get3A_1216, %get3A_1217] {strides = array<i32>} : memref<48x128xi32, #tpu.memory_space<vmem>>, vector<16xi32>,
    %bitcast3A_1219 = vector.bitcast %get3A_1218 : vector<16xi32> to vector<16xf32>
    %add3A_1220 = arith.constant 0 : i32
    %add3A_1221 = vector.broadcast %add3A_1220 : i32 to vector<16xi32>
    %add3A_1222 = arith.addi %iota3A, %add3A_1221 : vector<16xi32>
    %gather3A_1223 = tpu.vector_load_idx %arg9[%add3A_1222, %get3A_1205] : memref<256x128xf32, #tpu.memory_space<vmem>>[vector<16xi32>, vector<16xi32>], vector<16xf32>,
    %add3A_1224 = arith.constant 128 : i32
    %add3A_1225 = vector.broadcast %add3A_1224 : i32 to vector<16xi32>
    %add3A_1226 = arith.addi %add3A_1222, %add3A_1225 : vector<16xi32>
    %gather3A_1227 = tpu.vector_load_idx %arg9[%add3A_1226, %get3A_1209] : memref<256x128xf32, #tpu.memory_space<vmem>>[vector<16xi32>, vector<16xi32>], vector<16xf32>,
    %mul3A_1228 = arith.mulf %bitcast3A_1214, %gather3A_1223 : vector<16xf32>
    %mul3A_1229 = arith.mulf %bitcast3A_1219, %gather3A_1227 : vector<16xf32>
    %add3A_1230 = arith.addf %mul3A_1228, %mul3A_1229 : vector<16xf32>
    %swap3A_1231 = arith.constant 0 : index
    %swap3A_1232 = tpu.vector_load %arg10[%swap3A_1231] {strides = array<i32>} : memref<128xf32, #tpu.memory_space<vmem>>, vector<16xf32>,
    tpu.vector_store %arg10[%swap3A_1231], %add3A_1230 {strides = array<i32>} : memref<128xf32, #tpu.memory_space<vmem>>, vector<16xf32>,
    %add3A_1233 = arith.constant 16 : i32
    %add3A_1234 = vector.broadcast %add3A_1233 : i32 to vector<16xi32>
    %add3A_1235 = arith.addi %iota3A, %add3A_1234 : vector<16xi32>
    %gather3A_1236 = tpu.vector_load_idx %arg9[%add3A_1235, %get3A_1205] : memref<256x128xf32, #tpu.memory_space<vmem>>[vector<16xi32>, vector<16xi32>], vector<16xf32>,
    %add3A_1237 = arith.constant 128 : i32
    %add3A_1238 = vector.broadcast %add3A_1237 : i32 to vector<16xi32>
    %add3A_1239 = arith.addi %add3A_1235, %add3A_1238 : vector<16xi32>
    %gather3A_1240 = tpu.vector_load_idx %arg9[%add3A_1239, %get3A_1209] : memref<256x128xf32, #tpu.memory_space<vmem>>[vector<16xi32>, vector<16xi32>], vector<16xf32>,
    %mul3A_1241 = arith.mulf %bitcast3A_1214, %gather3A_1236 : vector<16xf32>
    %mul3A_1242 = arith.mulf %bitcast3A_1219, %gather3A_1240 : vector<16xf32>
    %add3A_1243 = arith.addf %mul3A_1241, %mul3A_1242 : vector<16xf32>
    %swap3A_1244 = arith.constant 16 : index
    %swap3A_1245 = tpu.vector_load %arg10[%swap3A_1244] {strides = array<i32>} : memref<128xf32, #tpu.memory_space<vmem>>, vector<16xf32>,
    tpu.vector_store %arg10[%swap3A_1244], %add3A_1243 {strides = array<i32>} : memref<128xf32, #tpu.memory_space<vmem>>, vector<16xf32>,
    %add3A_1246 = arith.constant 32 : i32
    %add3A_1247 = vector.broadcast %add3A_1246 : i32 to vector<16xi32>
    %add3A_1248 = arith.addi %iota3A, %add3A_1247 : vector<16xi32>
    %gather3A_1249 = tpu.vector_load_idx %arg9[%add3A_1248, %get3A_1205] : memref<256x128xf32, #tpu.memory_space<vmem>>[vector<16xi32>, vector<16xi32>], vector<16xf32>,
    %add3A_1250 = arith.constant 128 : i32
    %add3A_1251 = vector.broadcast %add3A_1250 : i32 to vector<16xi32>
    %add3A_1252 = arith.addi %add3A_1248, %add3A_1251 : vector<16xi32>
    %gather3A_1253 = tpu.vector_load_idx %arg9[%add3A_1252, %get3A_1209] : memref<256x128xf32, #tpu.memory_space<vmem>>[vector<16xi32>, vector<16xi32>], vector<16xf32>,
    %mul3A_1254 = arith.mulf %bitcast3A_1214, %gather3A_1249 : vector<16xf32>
    %mul3A_1255 = arith.mulf %bitcast3A_1219, %gather3A_1253 : vector<16xf32>
    %add3A_1256 = arith.addf %mul3A_1254, %mul3A_1255 : vector<16xf32>
    %swap3A_1257 = arith.constant 32 : index
    %swap3A_1258 = tpu.vector_load %arg10[%swap3A_1257] {strides = array<i32>} : memref<128xf32, #tpu.memory_space<vmem>>, vector<16xf32>,
    tpu.vector_store %arg10[%swap3A_1257], %add3A_1256 {strides = array<i32>} : memref<128xf32, #tpu.memory_space<vmem>>, vector<16xf32>,
    %add3A_1259 = arith.constant 48 : i32
    %add3A_1260 = vector.broadcast %add3A_1259 : i32 to vector<16xi32>
    %add3A_1261 = arith.addi %iota3A, %add3A_1260 : vector<16xi32>
    %gather3A_1262 = tpu.vector_load_idx %arg9[%add3A_1261, %get3A_1205] : memref<256x128xf32, #tpu.memory_space<vmem>>[vector<16xi32>, vector<16xi32>], vector<16xf32>,
    %add3A_1263 = arith.constant 128 : i32
    %add3A_1264 = vector.broadcast %add3A_1263 : i32 to vector<16xi32>
    %add3A_1265 = arith.addi %add3A_1261, %add3A_1264 : vector<16xi32>
    %gather3A_1266 = tpu.vector_load_idx %arg9[%add3A_1265, %get3A_1209] : memref<256x128xf32, #tpu.memory_space<vmem>>[vector<16xi32>, vector<16xi32>], vector<16xf32>,
    %mul3A_1267 = arith.mulf %bitcast3A_1214, %gather3A_1262 : vector<16xf32>
    %mul3A_1268 = arith.mulf %bitcast3A_1219, %gather3A_1266 : vector<16xf32>
    %add3A_1269 = arith.addf %mul3A_1267, %mul3A_1268 : vector<16xf32>
    %swap3A_1270 = arith.constant 48 : index
    %swap3A_1271 = tpu.vector_load %arg10[%swap3A_1270] {strides = array<i32>} : memref<128xf32, #tpu.memory_space<vmem>>, vector<16xf32>,
    tpu.vector_store %arg10[%swap3A_1270], %add3A_1269 {strides = array<i32>} : memref<128xf32, #tpu.memory_space<vmem>>, vector<16xf32>,
    %add3A_1272 = arith.constant 64 : i32
    %add3A_1273 = vector.broadcast %add3A_1272 : i32 to vector<16xi32>
    %add3A_1274 = arith.addi %iota3A, %add3A_1273 : vector<16xi32>
    %gather3A_1275 = tpu.vector_load_idx %arg9[%add3A_1274, %get3A_1205] : memref<256x128xf32, #tpu.memory_space<vmem>>[vector<16xi32>, vector<16xi32>], vector<16xf32>,
    %add3A_1276 = arith.constant 128 : i32
    %add3A_1277 = vector.broadcast %add3A_1276 : i32 to vector<16xi32>
    %add3A_1278 = arith.addi %add3A_1274, %add3A_1277 : vector<16xi32>
    %gather3A_1279 = tpu.vector_load_idx %arg9[%add3A_1278, %get3A_1209] : memref<256x128xf32, #tpu.memory_space<vmem>>[vector<16xi32>, vector<16xi32>], vector<16xf32>,
    %mul3A_1280 = arith.mulf %bitcast3A_1214, %gather3A_1275 : vector<16xf32>
    %mul3A_1281 = arith.mulf %bitcast3A_1219, %gather3A_1279 : vector<16xf32>
    %add3A_1282 = arith.addf %mul3A_1280, %mul3A_1281 : vector<16xf32>
    %swap3A_1283 = arith.constant 64 : index
    %swap3A_1284 = tpu.vector_load %arg10[%swap3A_1283] {strides = array<i32>} : memref<128xf32, #tpu.memory_space<vmem>>, vector<16xf32>,
    tpu.vector_store %arg10[%swap3A_1283], %add3A_1282 {strides = array<i32>} : memref<128xf32, #tpu.memory_space<vmem>>, vector<16xf32>,
    %add3A_1285 = arith.constant 80 : i32
    %add3A_1286 = vector.broadcast %add3A_1285 : i32 to vector<16xi32>
    %add3A_1287 = arith.addi %iota3A, %add3A_1286 : vector<16xi32>
    %gather3A_1288 = tpu.vector_load_idx %arg9[%add3A_1287, %get3A_1205] : memref<256x128xf32, #tpu.memory_space<vmem>>[vector<16xi32>, vector<16xi32>], vector<16xf32>,
    %add3A_1289 = arith.constant 128 : i32
    %add3A_1290 = vector.broadcast %add3A_1289 : i32 to vector<16xi32>
    %add3A_1291 = arith.addi %add3A_1287, %add3A_1290 : vector<16xi32>
    %gather3A_1292 = tpu.vector_load_idx %arg9[%add3A_1291, %get3A_1209] : memref<256x128xf32, #tpu.memory_space<vmem>>[vector<16xi32>, vector<16xi32>], vector<16xf32>,
    %mul3A_1293 = arith.mulf %bitcast3A_1214, %gather3A_1288 : vector<16xf32>
    %mul3A_1294 = arith.mulf %bitcast3A_1219, %gather3A_1292 : vector<16xf32>
    %add3A_1295 = arith.addf %mul3A_1293, %mul3A_1294 : vector<16xf32>
    %swap3A_1296 = arith.constant 80 : index
    %swap3A_1297 = tpu.vector_load %arg10[%swap3A_1296] {strides = array<i32>} : memref<128xf32, #tpu.memory_space<vmem>>, vector<16xf32>,
    tpu.vector_store %arg10[%swap3A_1296], %add3A_1295 {strides = array<i32>} : memref<128xf32, #tpu.memory_space<vmem>>, vector<16xf32>,
    %add3A_1298 = arith.constant 96 : i32
    %add3A_1299 = vector.broadcast %add3A_1298 : i32 to vector<16xi32>
    %add3A_1300 = arith.addi %iota3A, %add3A_1299 : vector<16xi32>
    %gather3A_1301 = tpu.vector_load_idx %arg9[%add3A_1300, %get3A_1205] : memref<256x128xf32, #tpu.memory_space<vmem>>[vector<16xi32>, vector<16xi32>], vector<16xf32>,
    %add3A_1302 = arith.constant 128 : i32
    %add3A_1303 = vector.broadcast %add3A_1302 : i32 to vector<16xi32>
    %add3A_1304 = arith.addi %add3A_1300, %add3A_1303 : vector<16xi32>
    %gather3A_1305 = tpu.vector_load_idx %arg9[%add3A_1304, %get3A_1209] : memref<256x128xf32, #tpu.memory_space<vmem>>[vector<16xi32>, vector<16xi32>], vector<16xf32>,
    %mul3A_1306 = arith.mulf %bitcast3A_1214, %gather3A_1301 : vector<16xf32>
    %mul3A_1307 = arith.mulf %bitcast3A_1219, %gather3A_1305 : vector<16xf32>
    %add3A_1308 = arith.addf %mul3A_1306, %mul3A_1307 : vector<16xf32>
    %swap3A_1309 = arith.constant 96 : index
    %swap3A_1310 = tpu.vector_load %arg10[%swap3A_1309] {strides = array<i32>} : memref<128xf32, #tpu.memory_space<vmem>>, vector<16xf32>,
    tpu.vector_store %arg10[%swap3A_1309], %add3A_1308 {strides = array<i32>} : memref<128xf32, #tpu.memory_space<vmem>>, vector<16xf32>,
    %add3A_1311 = arith.constant 112 : i32
    %add3A_1312 = vector.broadcast %add3A_1311 : i32 to vector<16xi32>
    %add3A_1313 = arith.addi %iota3A, %add3A_1312 : vector<16xi32>
    %gather3A_1314 = tpu.vector_load_idx %arg9[%add3A_1313, %get3A_1205] : memref<256x128xf32, #tpu.memory_space<vmem>>[vector<16xi32>, vector<16xi32>], vector<16xf32>,
    %add3A_1315 = arith.constant 128 : i32
    %add3A_1316 = vector.broadcast %add3A_1315 : i32 to vector<16xi32>
    %add3A_1317 = arith.addi %add3A_1313, %add3A_1316 : vector<16xi32>
    %gather3A_1318 = tpu.vector_load_idx %arg9[%add3A_1317, %get3A_1209] : memref<256x128xf32, #tpu.memory_space<vmem>>[vector<16xi32>, vector<16xi32>], vector<16xf32>,
    %mul3A_1319 = arith.mulf %bitcast3A_1214, %gather3A_1314 : vector<16xf32>
    %mul3A_1320 = arith.mulf %bitcast3A_1219, %gather3A_1318 : vector<16xf32>
    %add3A_1321 = arith.addf %mul3A_1319, %mul3A_1320 : vector<16xf32>
    %swap3A_1322 = arith.constant 112 : index
    %swap3A_1323 = tpu.vector_load %arg10[%swap3A_1322] {strides = array<i32>} : memref<128xf32, #tpu.memory_space<vmem>>, vector<16xf32>,
    tpu.vector_store %arg10[%swap3A_1322], %add3A_1321 {strides = array<i32>} : memref<128xf32, #tpu.memory_space<vmem>>, vector<16xf32>,
    %run_scoped3A_1324 = arith.constant 2 : i32
    "tpu.region"() ({
      %run_scoped3A_1611 = tpu.sem_alloc : memref<!tpu.dma_semaphore, #tpu.memory_space<semaphore_mem>>
      %dma_start3A_1612 = arith.constant 0 : i32
      %dma_start3A_1613 = tpu.memref_slice %arg4[%run_scoped3A_1324, %add3A, %dma_start3A_1612] : memref<5x32x128xf32, #tpu.memory_space<hbm>> -> memref<1x1x128xf32, #tpu.memory_space<hbm>>
      %dma_start3A_1614 = tpu.memref_squeeze %dma_start3A_1613 : memref<1x1x128xf32, #tpu.memory_space<hbm>> -> memref<128xf32, #tpu.memory_space<hbm>>
      %dma_start3A_1615 = arith.constant 0 : i32
      %dma_start3A_1616 = tpu.memref_slice %arg4[%run_scoped3A_1324, %add3A, %dma_start3A_1615] : memref<5x32x128xf32, #tpu.memory_space<hbm>> -> memref<1x1x128xf32, #tpu.memory_space<hbm>>
      %dma_start3A_1617 = tpu.memref_squeeze %dma_start3A_1616 : memref<1x1x128xf32, #tpu.memory_space<hbm>> -> memref<128xf32, #tpu.memory_space<hbm>>
      tpu.enqueue_dma source(%arg10 : memref<128xf32, #tpu.memory_space<vmem>>) target(%dma_start3A_1617 : memref<128xf32, #tpu.memory_space<hbm>>) target_semaphore(%run_scoped3A_1611 : memref<!tpu.dma_semaphore, #tpu.memory_space<semaphore_mem>>)
      %dma_wait3A_1618 = arith.constant 0 : i32
      %dma_wait3A_1619 = tpu.memref_slice %arg4[%run_scoped3A_1324, %add3A, %dma_wait3A_1618] : memref<5x32x128xf32, #tpu.memory_space<hbm>> -> memref<1x1x128xf32, #tpu.memory_space<hbm>>
      %dma_wait3A_1620 = tpu.memref_squeeze %dma_wait3A_1619 : memref<1x1x128xf32, #tpu.memory_space<hbm>> -> memref<128xf32, #tpu.memory_space<hbm>>
      %dma_wait3A_1621 = arith.constant 0 : i32
      %dma_wait3A_1622 = tpu.memref_slice %arg4[%run_scoped3A_1324, %add3A, %dma_wait3A_1621] : memref<5x32x128xf32, #tpu.memory_space<hbm>> -> memref<1x1x128xf32, #tpu.memory_space<hbm>>
      %dma_wait3A_1623 = tpu.memref_squeeze %dma_wait3A_1622 : memref<1x1x128xf32, #tpu.memory_space<hbm>> -> memref<128xf32, #tpu.memory_space<hbm>>
      tpu.wait_dma2 semaphore(%run_scoped3A_1611 : memref<!tpu.dma_semaphore, #tpu.memory_space<semaphore_mem>>) src(%arg10 : memref<128xf32, #tpu.memory_space<vmem>>) dst(%dma_wait3A_1623 : memref<128xf32, #tpu.memory_space<hbm>>)
      tpu.yield
    }) : () -> ()
    %dma_wait3A_1325 = arith.constant 6 : i32
    %dma_wait3A_1326 = arith.constant 0 : i32
    %dma_wait3A_1327 = arith.constant 0 : i32
    %dma_wait3A_1328 = tpu.memref_slice %arg7[%dma_wait3A_1326, %dma_wait3A_1327] : memref<256x128xf32, #tpu.memory_space<vmem>> -> memref<128x128xf32, #tpu.memory_space<vmem>>
    %dma_wait3A_1329 = arith.constant 0 : i32
    %dma_wait3A_1330 = tpu.memref_slice %arg6[%dma_wait3A_1325, %dma_wait3A_1329] : memref<16x128xi32, #tpu.memory_space<vmem>> -> memref<1x128xi32, #tpu.memory_space<vmem>>
    %dma_wait3A_1331 = tpu.memref_squeeze %dma_wait3A_1330 : memref<1x128xi32, #tpu.memory_space<vmem>> -> memref<128xi32, #tpu.memory_space<vmem>>
    %dma_wait3A_1332 = arith.constant 0 : i32
    %dma_wait3A_1333 = arith.constant 0 : i32
    %dma_wait3A_1334 = tpu.memref_slice %arg2[%dma_wait3A_1332, %dma_wait3A_1333] : memref<262144x128xf32, #tpu.memory_space<hbm>> -> memref<262144x128xf32, #tpu.memory_space<hbm>>
    tpu.wait_indirect_dma semaphore(%arg11 : memref<!tpu.dma_semaphore, #tpu.memory_space<semaphore_mem>>) src(%dma_wait3A_1334 : memref<262144x128xf32, #tpu.memory_space<hbm>>) dst(%dma_wait3A_1328 : memref<128x128xf32, #tpu.memory_space<vmem>>)
    %dma_wait3A_1335 = arith.constant 7 : i32
    %dma_wait3A_1336 = arith.constant 128 : i32
    %dma_wait3A_1337 = arith.constant 0 : i32
    %dma_wait3A_1338 = tpu.memref_slice %arg7[%dma_wait3A_1336, %dma_wait3A_1337] : memref<256x128xf32, #tpu.memory_space<vmem>> -> memref<128x128xf32, #tpu.memory_space<vmem>>
    %dma_wait3A_1339 = arith.constant 0 : i32
    %dma_wait3A_1340 = tpu.memref_slice %arg6[%dma_wait3A_1335, %dma_wait3A_1339] : memref<16x128xi32, #tpu.memory_space<vmem>> -> memref<1x128xi32, #tpu.memory_space<vmem>>
    %dma_wait3A_1341 = tpu.memref_squeeze %dma_wait3A_1340 : memref<1x128xi32, #tpu.memory_space<vmem>> -> memref<128xi32, #tpu.memory_space<vmem>>
    %dma_wait3A_1342 = arith.constant 0 : i32
    %dma_wait3A_1343 = arith.constant 0 : i32
    %dma_wait3A_1344 = tpu.memref_slice %arg2[%dma_wait3A_1342, %dma_wait3A_1343] : memref<262144x128xf32, #tpu.memory_space<hbm>> -> memref<262144x128xf32, #tpu.memory_space<hbm>>
    tpu.wait_indirect_dma semaphore(%arg11 : memref<!tpu.dma_semaphore, #tpu.memory_space<semaphore_mem>>) src(%dma_wait3A_1344 : memref<262144x128xf32, #tpu.memory_space<hbm>>) dst(%dma_wait3A_1338 : memref<128x128xf32, #tpu.memory_space<vmem>>)
    %get3A_1345 = arith.constant 22 : i32
    %get3A_1346 = arith.index_cast %get3A_1345 : i32 to index
    %get3A_1347 = arith.constant 0 : index
    %get3A_1348 = tpu.vector_load %arg5[%get3A_1346, %get3A_1347] {strides = array<i32>} : memref<48x128xi32, #tpu.memory_space<vmem>>, vector<16xi32>,
    %get3A_1349 = arith.constant 23 : i32
    %get3A_1350 = arith.index_cast %get3A_1349 : i32 to index
    %get3A_1351 = arith.constant 0 : index
    %get3A_1352 = tpu.vector_load %arg5[%get3A_1350, %get3A_1351] {strides = array<i32>} : memref<48x128xi32, #tpu.memory_space<vmem>>, vector<16xi32>,
    %get3A_1353 = arith.constant 38 : i32
    %get3A_1354 = arith.index_cast %get3A_1353 : i32 to index
    %get3A_1355 = arith.constant 0 : index
    %get3A_1356 = tpu.vector_load %arg5[%get3A_1354, %get3A_1355] {strides = array<i32>} : memref<48x128xi32, #tpu.memory_space<vmem>>, vector<16xi32>,
    %bitcast3A_1357 = vector.bitcast %get3A_1356 : vector<16xi32> to vector<16xf32>
    %get3A_1358 = arith.constant 39 : i32
    %get3A_1359 = arith.index_cast %get3A_1358 : i32 to index
    %get3A_1360 = arith.constant 0 : index
    %get3A_1361 = tpu.vector_load %arg5[%get3A_1359, %get3A_1360] {strides = array<i32>} : memref<48x128xi32, #tpu.memory_space<vmem>>, vector<16xi32>,
    %bitcast3A_1362 = vector.bitcast %get3A_1361 : vector<16xi32> to vector<16xf32>
    %add3A_1363 = arith.constant 0 : i32
    %add3A_1364 = vector.broadcast %add3A_1363 : i32 to vector<16xi32>
    %add3A_1365 = arith.addi %iota3A, %add3A_1364 : vector<16xi32>
    %gather3A_1366 = tpu.vector_load_idx %arg7[%add3A_1365, %get3A_1348] : memref<256x128xf32, #tpu.memory_space<vmem>>[vector<16xi32>, vector<16xi32>], vector<16xf32>,
    %add3A_1367 = arith.constant 128 : i32
    %add3A_1368 = vector.broadcast %add3A_1367 : i32 to vector<16xi32>
    %add3A_1369 = arith.addi %add3A_1365, %add3A_1368 : vector<16xi32>
    %gather3A_1370 = tpu.vector_load_idx %arg7[%add3A_1369, %get3A_1352] : memref<256x128xf32, #tpu.memory_space<vmem>>[vector<16xi32>, vector<16xi32>], vector<16xf32>,
    %mul3A_1371 = arith.mulf %bitcast3A_1357, %gather3A_1366 : vector<16xf32>
    %mul3A_1372 = arith.mulf %bitcast3A_1362, %gather3A_1370 : vector<16xf32>
    %add3A_1373 = arith.addf %mul3A_1371, %mul3A_1372 : vector<16xf32>
    %swap3A_1374 = arith.constant 0 : index
    %swap3A_1375 = tpu.vector_load %arg10[%swap3A_1374] {strides = array<i32>} : memref<128xf32, #tpu.memory_space<vmem>>, vector<16xf32>,
    tpu.vector_store %arg10[%swap3A_1374], %add3A_1373 {strides = array<i32>} : memref<128xf32, #tpu.memory_space<vmem>>, vector<16xf32>,
    %add3A_1376 = arith.constant 16 : i32
    %add3A_1377 = vector.broadcast %add3A_1376 : i32 to vector<16xi32>
    %add3A_1378 = arith.addi %iota3A, %add3A_1377 : vector<16xi32>
    %gather3A_1379 = tpu.vector_load_idx %arg7[%add3A_1378, %get3A_1348] : memref<256x128xf32, #tpu.memory_space<vmem>>[vector<16xi32>, vector<16xi32>], vector<16xf32>,
    %add3A_1380 = arith.constant 128 : i32
    %add3A_1381 = vector.broadcast %add3A_1380 : i32 to vector<16xi32>
    %add3A_1382 = arith.addi %add3A_1378, %add3A_1381 : vector<16xi32>
    %gather3A_1383 = tpu.vector_load_idx %arg7[%add3A_1382, %get3A_1352] : memref<256x128xf32, #tpu.memory_space<vmem>>[vector<16xi32>, vector<16xi32>], vector<16xf32>,
    %mul3A_1384 = arith.mulf %bitcast3A_1357, %gather3A_1379 : vector<16xf32>
    %mul3A_1385 = arith.mulf %bitcast3A_1362, %gather3A_1383 : vector<16xf32>
    %add3A_1386 = arith.addf %mul3A_1384, %mul3A_1385 : vector<16xf32>
    %swap3A_1387 = arith.constant 16 : index
    %swap3A_1388 = tpu.vector_load %arg10[%swap3A_1387] {strides = array<i32>} : memref<128xf32, #tpu.memory_space<vmem>>, vector<16xf32>,
    tpu.vector_store %arg10[%swap3A_1387], %add3A_1386 {strides = array<i32>} : memref<128xf32, #tpu.memory_space<vmem>>, vector<16xf32>,
    %add3A_1389 = arith.constant 32 : i32
    %add3A_1390 = vector.broadcast %add3A_1389 : i32 to vector<16xi32>
    %add3A_1391 = arith.addi %iota3A, %add3A_1390 : vector<16xi32>
    %gather3A_1392 = tpu.vector_load_idx %arg7[%add3A_1391, %get3A_1348] : memref<256x128xf32, #tpu.memory_space<vmem>>[vector<16xi32>, vector<16xi32>], vector<16xf32>,
    %add3A_1393 = arith.constant 128 : i32
    %add3A_1394 = vector.broadcast %add3A_1393 : i32 to vector<16xi32>
    %add3A_1395 = arith.addi %add3A_1391, %add3A_1394 : vector<16xi32>
    %gather3A_1396 = tpu.vector_load_idx %arg7[%add3A_1395, %get3A_1352] : memref<256x128xf32, #tpu.memory_space<vmem>>[vector<16xi32>, vector<16xi32>], vector<16xf32>,
    %mul3A_1397 = arith.mulf %bitcast3A_1357, %gather3A_1392 : vector<16xf32>
    %mul3A_1398 = arith.mulf %bitcast3A_1362, %gather3A_1396 : vector<16xf32>
    %add3A_1399 = arith.addf %mul3A_1397, %mul3A_1398 : vector<16xf32>
    %swap3A_1400 = arith.constant 32 : index
    %swap3A_1401 = tpu.vector_load %arg10[%swap3A_1400] {strides = array<i32>} : memref<128xf32, #tpu.memory_space<vmem>>, vector<16xf32>,
    tpu.vector_store %arg10[%swap3A_1400], %add3A_1399 {strides = array<i32>} : memref<128xf32, #tpu.memory_space<vmem>>, vector<16xf32>,
    %add3A_1402 = arith.constant 48 : i32
    %add3A_1403 = vector.broadcast %add3A_1402 : i32 to vector<16xi32>
    %add3A_1404 = arith.addi %iota3A, %add3A_1403 : vector<16xi32>
    %gather3A_1405 = tpu.vector_load_idx %arg7[%add3A_1404, %get3A_1348] : memref<256x128xf32, #tpu.memory_space<vmem>>[vector<16xi32>, vector<16xi32>], vector<16xf32>,
    %add3A_1406 = arith.constant 128 : i32
    %add3A_1407 = vector.broadcast %add3A_1406 : i32 to vector<16xi32>
    %add3A_1408 = arith.addi %add3A_1404, %add3A_1407 : vector<16xi32>
    %gather3A_1409 = tpu.vector_load_idx %arg7[%add3A_1408, %get3A_1352] : memref<256x128xf32, #tpu.memory_space<vmem>>[vector<16xi32>, vector<16xi32>], vector<16xf32>,
    %mul3A_1410 = arith.mulf %bitcast3A_1357, %gather3A_1405 : vector<16xf32>
    %mul3A_1411 = arith.mulf %bitcast3A_1362, %gather3A_1409 : vector<16xf32>
    %add3A_1412 = arith.addf %mul3A_1410, %mul3A_1411 : vector<16xf32>
    %swap3A_1413 = arith.constant 48 : index
    %swap3A_1414 = tpu.vector_load %arg10[%swap3A_1413] {strides = array<i32>} : memref<128xf32, #tpu.memory_space<vmem>>, vector<16xf32>,
    tpu.vector_store %arg10[%swap3A_1413], %add3A_1412 {strides = array<i32>} : memref<128xf32, #tpu.memory_space<vmem>>, vector<16xf32>,
    %add3A_1415 = arith.constant 64 : i32
    %add3A_1416 = vector.broadcast %add3A_1415 : i32 to vector<16xi32>
    %add3A_1417 = arith.addi %iota3A, %add3A_1416 : vector<16xi32>
    %gather3A_1418 = tpu.vector_load_idx %arg7[%add3A_1417, %get3A_1348] : memref<256x128xf32, #tpu.memory_space<vmem>>[vector<16xi32>, vector<16xi32>], vector<16xf32>,
    %add3A_1419 = arith.constant 128 : i32
    %add3A_1420 = vector.broadcast %add3A_1419 : i32 to vector<16xi32>
    %add3A_1421 = arith.addi %add3A_1417, %add3A_1420 : vector<16xi32>
    %gather3A_1422 = tpu.vector_load_idx %arg7[%add3A_1421, %get3A_1352] : memref<256x128xf32, #tpu.memory_space<vmem>>[vector<16xi32>, vector<16xi32>], vector<16xf32>,
    %mul3A_1423 = arith.mulf %bitcast3A_1357, %gather3A_1418 : vector<16xf32>
    %mul3A_1424 = arith.mulf %bitcast3A_1362, %gather3A_1422 : vector<16xf32>
    %add3A_1425 = arith.addf %mul3A_1423, %mul3A_1424 : vector<16xf32>
    %swap3A_1426 = arith.constant 64 : index
    %swap3A_1427 = tpu.vector_load %arg10[%swap3A_1426] {strides = array<i32>} : memref<128xf32, #tpu.memory_space<vmem>>, vector<16xf32>,
    tpu.vector_store %arg10[%swap3A_1426], %add3A_1425 {strides = array<i32>} : memref<128xf32, #tpu.memory_space<vmem>>, vector<16xf32>,
    %add3A_1428 = arith.constant 80 : i32
    %add3A_1429 = vector.broadcast %add3A_1428 : i32 to vector<16xi32>
    %add3A_1430 = arith.addi %iota3A, %add3A_1429 : vector<16xi32>
    %gather3A_1431 = tpu.vector_load_idx %arg7[%add3A_1430, %get3A_1348] : memref<256x128xf32, #tpu.memory_space<vmem>>[vector<16xi32>, vector<16xi32>], vector<16xf32>,
    %add3A_1432 = arith.constant 128 : i32
    %add3A_1433 = vector.broadcast %add3A_1432 : i32 to vector<16xi32>
    %add3A_1434 = arith.addi %add3A_1430, %add3A_1433 : vector<16xi32>
    %gather3A_1435 = tpu.vector_load_idx %arg7[%add3A_1434, %get3A_1352] : memref<256x128xf32, #tpu.memory_space<vmem>>[vector<16xi32>, vector<16xi32>], vector<16xf32>,
    %mul3A_1436 = arith.mulf %bitcast3A_1357, %gather3A_1431 : vector<16xf32>
    %mul3A_1437 = arith.mulf %bitcast3A_1362, %gather3A_1435 : vector<16xf32>
    %add3A_1438 = arith.addf %mul3A_1436, %mul3A_1437 : vector<16xf32>
    %swap3A_1439 = arith.constant 80 : index
    %swap3A_1440 = tpu.vector_load %arg10[%swap3A_1439] {strides = array<i32>} : memref<128xf32, #tpu.memory_space<vmem>>, vector<16xf32>,
    tpu.vector_store %arg10[%swap3A_1439], %add3A_1438 {strides = array<i32>} : memref<128xf32, #tpu.memory_space<vmem>>, vector<16xf32>,
    %add3A_1441 = arith.constant 96 : i32
    %add3A_1442 = vector.broadcast %add3A_1441 : i32 to vector<16xi32>
    %add3A_1443 = arith.addi %iota3A, %add3A_1442 : vector<16xi32>
    %gather3A_1444 = tpu.vector_load_idx %arg7[%add3A_1443, %get3A_1348] : memref<256x128xf32, #tpu.memory_space<vmem>>[vector<16xi32>, vector<16xi32>], vector<16xf32>,
    %add3A_1445 = arith.constant 128 : i32
    %add3A_1446 = vector.broadcast %add3A_1445 : i32 to vector<16xi32>
    %add3A_1447 = arith.addi %add3A_1443, %add3A_1446 : vector<16xi32>
    %gather3A_1448 = tpu.vector_load_idx %arg7[%add3A_1447, %get3A_1352] : memref<256x128xf32, #tpu.memory_space<vmem>>[vector<16xi32>, vector<16xi32>], vector<16xf32>,
    %mul3A_1449 = arith.mulf %bitcast3A_1357, %gather3A_1444 : vector<16xf32>
    %mul3A_1450 = arith.mulf %bitcast3A_1362, %gather3A_1448 : vector<16xf32>
    %add3A_1451 = arith.addf %mul3A_1449, %mul3A_1450 : vector<16xf32>
    %swap3A_1452 = arith.constant 96 : index
    %swap3A_1453 = tpu.vector_load %arg10[%swap3A_1452] {strides = array<i32>} : memref<128xf32, #tpu.memory_space<vmem>>, vector<16xf32>,
    tpu.vector_store %arg10[%swap3A_1452], %add3A_1451 {strides = array<i32>} : memref<128xf32, #tpu.memory_space<vmem>>, vector<16xf32>,
    %add3A_1454 = arith.constant 112 : i32
    %add3A_1455 = vector.broadcast %add3A_1454 : i32 to vector<16xi32>
    %add3A_1456 = arith.addi %iota3A, %add3A_1455 : vector<16xi32>
    %gather3A_1457 = tpu.vector_load_idx %arg7[%add3A_1456, %get3A_1348] : memref<256x128xf32, #tpu.memory_space<vmem>>[vector<16xi32>, vector<16xi32>], vector<16xf32>,
    %add3A_1458 = arith.constant 128 : i32
    %add3A_1459 = vector.broadcast %add3A_1458 : i32 to vector<16xi32>
    %add3A_1460 = arith.addi %add3A_1456, %add3A_1459 : vector<16xi32>
    %gather3A_1461 = tpu.vector_load_idx %arg7[%add3A_1460, %get3A_1352] : memref<256x128xf32, #tpu.memory_space<vmem>>[vector<16xi32>, vector<16xi32>], vector<16xf32>,
    %mul3A_1462 = arith.mulf %bitcast3A_1357, %gather3A_1457 : vector<16xf32>
    %mul3A_1463 = arith.mulf %bitcast3A_1362, %gather3A_1461 : vector<16xf32>
    %add3A_1464 = arith.addf %mul3A_1462, %mul3A_1463 : vector<16xf32>
    %swap3A_1465 = arith.constant 112 : index
    %swap3A_1466 = tpu.vector_load %arg10[%swap3A_1465] {strides = array<i32>} : memref<128xf32, #tpu.memory_space<vmem>>, vector<16xf32>,
    tpu.vector_store %arg10[%swap3A_1465], %add3A_1464 {strides = array<i32>} : memref<128xf32, #tpu.memory_space<vmem>>, vector<16xf32>,
    %run_scoped3A_1467 = arith.constant 3 : i32
    "tpu.region"() ({
      %run_scoped3A_1611 = tpu.sem_alloc : memref<!tpu.dma_semaphore, #tpu.memory_space<semaphore_mem>>
      %dma_start3A_1612 = arith.constant 0 : i32
      %dma_start3A_1613 = tpu.memref_slice %arg4[%run_scoped3A_1467, %add3A, %dma_start3A_1612] : memref<5x32x128xf32, #tpu.memory_space<hbm>> -> memref<1x1x128xf32, #tpu.memory_space<hbm>>
      %dma_start3A_1614 = tpu.memref_squeeze %dma_start3A_1613 : memref<1x1x128xf32, #tpu.memory_space<hbm>> -> memref<128xf32, #tpu.memory_space<hbm>>
      %dma_start3A_1615 = arith.constant 0 : i32
      %dma_start3A_1616 = tpu.memref_slice %arg4[%run_scoped3A_1467, %add3A, %dma_start3A_1615] : memref<5x32x128xf32, #tpu.memory_space<hbm>> -> memref<1x1x128xf32, #tpu.memory_space<hbm>>
      %dma_start3A_1617 = tpu.memref_squeeze %dma_start3A_1616 : memref<1x1x128xf32, #tpu.memory_space<hbm>> -> memref<128xf32, #tpu.memory_space<hbm>>
      tpu.enqueue_dma source(%arg10 : memref<128xf32, #tpu.memory_space<vmem>>) target(%dma_start3A_1617 : memref<128xf32, #tpu.memory_space<hbm>>) target_semaphore(%run_scoped3A_1611 : memref<!tpu.dma_semaphore, #tpu.memory_space<semaphore_mem>>)
      %dma_wait3A_1618 = arith.constant 0 : i32
      %dma_wait3A_1619 = tpu.memref_slice %arg4[%run_scoped3A_1467, %add3A, %dma_wait3A_1618] : memref<5x32x128xf32, #tpu.memory_space<hbm>> -> memref<1x1x128xf32, #tpu.memory_space<hbm>>
      %dma_wait3A_1620 = tpu.memref_squeeze %dma_wait3A_1619 : memref<1x1x128xf32, #tpu.memory_space<hbm>> -> memref<128xf32, #tpu.memory_space<hbm>>
      %dma_wait3A_1621 = arith.constant 0 : i32
      %dma_wait3A_1622 = tpu.memref_slice %arg4[%run_scoped3A_1467, %add3A, %dma_wait3A_1621] : memref<5x32x128xf32, #tpu.memory_space<hbm>> -> memref<1x1x128xf32, #tpu.memory_space<hbm>>
      %dma_wait3A_1623 = tpu.memref_squeeze %dma_wait3A_1622 : memref<1x1x128xf32, #tpu.memory_space<hbm>> -> memref<128xf32, #tpu.memory_space<hbm>>
      tpu.wait_dma2 semaphore(%run_scoped3A_1611 : memref<!tpu.dma_semaphore, #tpu.memory_space<semaphore_mem>>) src(%arg10 : memref<128xf32, #tpu.memory_space<vmem>>) dst(%dma_wait3A_1623 : memref<128xf32, #tpu.memory_space<hbm>>)
      tpu.yield
    }) : () -> ()
    %dma_wait3A_1468 = arith.constant 8 : i32
    %dma_wait3A_1469 = arith.constant 0 : i32
    %dma_wait3A_1470 = arith.constant 0 : i32
    %dma_wait3A_1471 = tpu.memref_slice %arg8[%dma_wait3A_1469, %dma_wait3A_1470] : memref<256x128xf32, #tpu.memory_space<vmem>> -> memref<128x128xf32, #tpu.memory_space<vmem>>
    %dma_wait3A_1472 = arith.constant 0 : i32
    %dma_wait3A_1473 = tpu.memref_slice %arg6[%dma_wait3A_1468, %dma_wait3A_1472] : memref<16x128xi32, #tpu.memory_space<vmem>> -> memref<1x128xi32, #tpu.memory_space<vmem>>
    %dma_wait3A_1474 = tpu.memref_squeeze %dma_wait3A_1473 : memref<1x128xi32, #tpu.memory_space<vmem>> -> memref<128xi32, #tpu.memory_space<vmem>>
    %dma_wait3A_1475 = arith.constant 0 : i32
    %dma_wait3A_1476 = arith.constant 0 : i32
    %dma_wait3A_1477 = tpu.memref_slice %arg2[%dma_wait3A_1475, %dma_wait3A_1476] : memref<262144x128xf32, #tpu.memory_space<hbm>> -> memref<262144x128xf32, #tpu.memory_space<hbm>>
    tpu.wait_indirect_dma semaphore(%arg12 : memref<!tpu.dma_semaphore, #tpu.memory_space<semaphore_mem>>) src(%dma_wait3A_1477 : memref<262144x128xf32, #tpu.memory_space<hbm>>) dst(%dma_wait3A_1471 : memref<128x128xf32, #tpu.memory_space<vmem>>)
    %dma_wait3A_1478 = arith.constant 9 : i32
    %dma_wait3A_1479 = arith.constant 128 : i32
    %dma_wait3A_1480 = arith.constant 0 : i32
    %dma_wait3A_1481 = tpu.memref_slice %arg8[%dma_wait3A_1479, %dma_wait3A_1480] : memref<256x128xf32, #tpu.memory_space<vmem>> -> memref<128x128xf32, #tpu.memory_space<vmem>>
    %dma_wait3A_1482 = arith.constant 0 : i32
    %dma_wait3A_1483 = tpu.memref_slice %arg6[%dma_wait3A_1478, %dma_wait3A_1482] : memref<16x128xi32, #tpu.memory_space<vmem>> -> memref<1x128xi32, #tpu.memory_space<vmem>>
    %dma_wait3A_1484 = tpu.memref_squeeze %dma_wait3A_1483 : memref<1x128xi32, #tpu.memory_space<vmem>> -> memref<128xi32, #tpu.memory_space<vmem>>
    %dma_wait3A_1485 = arith.constant 0 : i32
    %dma_wait3A_1486 = arith.constant 0 : i32
    %dma_wait3A_1487 = tpu.memref_slice %arg2[%dma_wait3A_1485, %dma_wait3A_1486] : memref<262144x128xf32, #tpu.memory_space<hbm>> -> memref<262144x128xf32, #tpu.memory_space<hbm>>
    tpu.wait_indirect_dma semaphore(%arg12 : memref<!tpu.dma_semaphore, #tpu.memory_space<semaphore_mem>>) src(%dma_wait3A_1487 : memref<262144x128xf32, #tpu.memory_space<hbm>>) dst(%dma_wait3A_1481 : memref<128x128xf32, #tpu.memory_space<vmem>>)
    %get3A_1488 = arith.constant 24 : i32
    %get3A_1489 = arith.index_cast %get3A_1488 : i32 to index
    %get3A_1490 = arith.constant 0 : index
    %get3A_1491 = tpu.vector_load %arg5[%get3A_1489, %get3A_1490] {strides = array<i32>} : memref<48x128xi32, #tpu.memory_space<vmem>>, vector<16xi32>,
    %get3A_1492 = arith.constant 25 : i32
    %get3A_1493 = arith.index_cast %get3A_1492 : i32 to index
    %get3A_1494 = arith.constant 0 : index
    %get3A_1495 = tpu.vector_load %arg5[%get3A_1493, %get3A_1494] {strides = array<i32>} : memref<48x128xi32, #tpu.memory_space<vmem>>, vector<16xi32>,
    %get3A_1496 = arith.constant 40 : i32
    %get3A_1497 = arith.index_cast %get3A_1496 : i32 to index
    %get3A_1498 = arith.constant 0 : index
    %get3A_1499 = tpu.vector_load %arg5[%get3A_1497, %get3A_1498] {strides = array<i32>} : memref<48x128xi32, #tpu.memory_space<vmem>>, vector<16xi32>,
    %bitcast3A_1500 = vector.bitcast %get3A_1499 : vector<16xi32> to vector<16xf32>
    %get3A_1501 = arith.constant 41 : i32
    %get3A_1502 = arith.index_cast %get3A_1501 : i32 to index
    %get3A_1503 = arith.constant 0 : index
    %get3A_1504 = tpu.vector_load %arg5[%get3A_1502, %get3A_1503] {strides = array<i32>} : memref<48x128xi32, #tpu.memory_space<vmem>>, vector<16xi32>,
    %bitcast3A_1505 = vector.bitcast %get3A_1504 : vector<16xi32> to vector<16xf32>
    %add3A_1506 = arith.constant 0 : i32
    %add3A_1507 = vector.broadcast %add3A_1506 : i32 to vector<16xi32>
    %add3A_1508 = arith.addi %iota3A, %add3A_1507 : vector<16xi32>
    %gather3A_1509 = tpu.vector_load_idx %arg8[%add3A_1508, %get3A_1491] : memref<256x128xf32, #tpu.memory_space<vmem>>[vector<16xi32>, vector<16xi32>], vector<16xf32>,
    %add3A_1510 = arith.constant 128 : i32
    %add3A_1511 = vector.broadcast %add3A_1510 : i32 to vector<16xi32>
    %add3A_1512 = arith.addi %add3A_1508, %add3A_1511 : vector<16xi32>
    %gather3A_1513 = tpu.vector_load_idx %arg8[%add3A_1512, %get3A_1495] : memref<256x128xf32, #tpu.memory_space<vmem>>[vector<16xi32>, vector<16xi32>], vector<16xf32>,
    %mul3A_1514 = arith.mulf %bitcast3A_1500, %gather3A_1509 : vector<16xf32>
    %mul3A_1515 = arith.mulf %bitcast3A_1505, %gather3A_1513 : vector<16xf32>
    %add3A_1516 = arith.addf %mul3A_1514, %mul3A_1515 : vector<16xf32>
    %swap3A_1517 = arith.constant 0 : index
    %swap3A_1518 = tpu.vector_load %arg10[%swap3A_1517] {strides = array<i32>} : memref<128xf32, #tpu.memory_space<vmem>>, vector<16xf32>,
    tpu.vector_store %arg10[%swap3A_1517], %add3A_1516 {strides = array<i32>} : memref<128xf32, #tpu.memory_space<vmem>>, vector<16xf32>,
    %add3A_1519 = arith.constant 16 : i32
    %add3A_1520 = vector.broadcast %add3A_1519 : i32 to vector<16xi32>
    %add3A_1521 = arith.addi %iota3A, %add3A_1520 : vector<16xi32>
    %gather3A_1522 = tpu.vector_load_idx %arg8[%add3A_1521, %get3A_1491] : memref<256x128xf32, #tpu.memory_space<vmem>>[vector<16xi32>, vector<16xi32>], vector<16xf32>,
    %add3A_1523 = arith.constant 128 : i32
    %add3A_1524 = vector.broadcast %add3A_1523 : i32 to vector<16xi32>
    %add3A_1525 = arith.addi %add3A_1521, %add3A_1524 : vector<16xi32>
    %gather3A_1526 = tpu.vector_load_idx %arg8[%add3A_1525, %get3A_1495] : memref<256x128xf32, #tpu.memory_space<vmem>>[vector<16xi32>, vector<16xi32>], vector<16xf32>,
    %mul3A_1527 = arith.mulf %bitcast3A_1500, %gather3A_1522 : vector<16xf32>
    %mul3A_1528 = arith.mulf %bitcast3A_1505, %gather3A_1526 : vector<16xf32>
    %add3A_1529 = arith.addf %mul3A_1527, %mul3A_1528 : vector<16xf32>
    %swap3A_1530 = arith.constant 16 : index
    %swap3A_1531 = tpu.vector_load %arg10[%swap3A_1530] {strides = array<i32>} : memref<128xf32, #tpu.memory_space<vmem>>, vector<16xf32>,
    tpu.vector_store %arg10[%swap3A_1530], %add3A_1529 {strides = array<i32>} : memref<128xf32, #tpu.memory_space<vmem>>, vector<16xf32>,
    %add3A_1532 = arith.constant 32 : i32
    %add3A_1533 = vector.broadcast %add3A_1532 : i32 to vector<16xi32>
    %add3A_1534 = arith.addi %iota3A, %add3A_1533 : vector<16xi32>
    %gather3A_1535 = tpu.vector_load_idx %arg8[%add3A_1534, %get3A_1491] : memref<256x128xf32, #tpu.memory_space<vmem>>[vector<16xi32>, vector<16xi32>], vector<16xf32>,
    %add3A_1536 = arith.constant 128 : i32
    %add3A_1537 = vector.broadcast %add3A_1536 : i32 to vector<16xi32>
    %add3A_1538 = arith.addi %add3A_1534, %add3A_1537 : vector<16xi32>
    %gather3A_1539 = tpu.vector_load_idx %arg8[%add3A_1538, %get3A_1495] : memref<256x128xf32, #tpu.memory_space<vmem>>[vector<16xi32>, vector<16xi32>], vector<16xf32>,
    %mul3A_1540 = arith.mulf %bitcast3A_1500, %gather3A_1535 : vector<16xf32>
    %mul3A_1541 = arith.mulf %bitcast3A_1505, %gather3A_1539 : vector<16xf32>
    %add3A_1542 = arith.addf %mul3A_1540, %mul3A_1541 : vector<16xf32>
    %swap3A_1543 = arith.constant 32 : index
    %swap3A_1544 = tpu.vector_load %arg10[%swap3A_1543] {strides = array<i32>} : memref<128xf32, #tpu.memory_space<vmem>>, vector<16xf32>,
    tpu.vector_store %arg10[%swap3A_1543], %add3A_1542 {strides = array<i32>} : memref<128xf32, #tpu.memory_space<vmem>>, vector<16xf32>,
    %add3A_1545 = arith.constant 48 : i32
    %add3A_1546 = vector.broadcast %add3A_1545 : i32 to vector<16xi32>
    %add3A_1547 = arith.addi %iota3A, %add3A_1546 : vector<16xi32>
    %gather3A_1548 = tpu.vector_load_idx %arg8[%add3A_1547, %get3A_1491] : memref<256x128xf32, #tpu.memory_space<vmem>>[vector<16xi32>, vector<16xi32>], vector<16xf32>,
    %add3A_1549 = arith.constant 128 : i32
    %add3A_1550 = vector.broadcast %add3A_1549 : i32 to vector<16xi32>
    %add3A_1551 = arith.addi %add3A_1547, %add3A_1550 : vector<16xi32>
    %gather3A_1552 = tpu.vector_load_idx %arg8[%add3A_1551, %get3A_1495] : memref<256x128xf32, #tpu.memory_space<vmem>>[vector<16xi32>, vector<16xi32>], vector<16xf32>,
    %mul3A_1553 = arith.mulf %bitcast3A_1500, %gather3A_1548 : vector<16xf32>
    %mul3A_1554 = arith.mulf %bitcast3A_1505, %gather3A_1552 : vector<16xf32>
    %add3A_1555 = arith.addf %mul3A_1553, %mul3A_1554 : vector<16xf32>
    %swap3A_1556 = arith.constant 48 : index
    %swap3A_1557 = tpu.vector_load %arg10[%swap3A_1556] {strides = array<i32>} : memref<128xf32, #tpu.memory_space<vmem>>, vector<16xf32>,
    tpu.vector_store %arg10[%swap3A_1556], %add3A_1555 {strides = array<i32>} : memref<128xf32, #tpu.memory_space<vmem>>, vector<16xf32>,
    %add3A_1558 = arith.constant 64 : i32
    %add3A_1559 = vector.broadcast %add3A_1558 : i32 to vector<16xi32>
    %add3A_1560 = arith.addi %iota3A, %add3A_1559 : vector<16xi32>
    %gather3A_1561 = tpu.vector_load_idx %arg8[%add3A_1560, %get3A_1491] : memref<256x128xf32, #tpu.memory_space<vmem>>[vector<16xi32>, vector<16xi32>], vector<16xf32>,
    %add3A_1562 = arith.constant 128 : i32
    %add3A_1563 = vector.broadcast %add3A_1562 : i32 to vector<16xi32>
    %add3A_1564 = arith.addi %add3A_1560, %add3A_1563 : vector<16xi32>
    %gather3A_1565 = tpu.vector_load_idx %arg8[%add3A_1564, %get3A_1495] : memref<256x128xf32, #tpu.memory_space<vmem>>[vector<16xi32>, vector<16xi32>], vector<16xf32>,
    %mul3A_1566 = arith.mulf %bitcast3A_1500, %gather3A_1561 : vector<16xf32>
    %mul3A_1567 = arith.mulf %bitcast3A_1505, %gather3A_1565 : vector<16xf32>
    %add3A_1568 = arith.addf %mul3A_1566, %mul3A_1567 : vector<16xf32>
    %swap3A_1569 = arith.constant 64 : index
    %swap3A_1570 = tpu.vector_load %arg10[%swap3A_1569] {strides = array<i32>} : memref<128xf32, #tpu.memory_space<vmem>>, vector<16xf32>,
    tpu.vector_store %arg10[%swap3A_1569], %add3A_1568 {strides = array<i32>} : memref<128xf32, #tpu.memory_space<vmem>>, vector<16xf32>,
    %add3A_1571 = arith.constant 80 : i32
    %add3A_1572 = vector.broadcast %add3A_1571 : i32 to vector<16xi32>
    %add3A_1573 = arith.addi %iota3A, %add3A_1572 : vector<16xi32>
    %gather3A_1574 = tpu.vector_load_idx %arg8[%add3A_1573, %get3A_1491] : memref<256x128xf32, #tpu.memory_space<vmem>>[vector<16xi32>, vector<16xi32>], vector<16xf32>,
    %add3A_1575 = arith.constant 128 : i32
    %add3A_1576 = vector.broadcast %add3A_1575 : i32 to vector<16xi32>
    %add3A_1577 = arith.addi %add3A_1573, %add3A_1576 : vector<16xi32>
    %gather3A_1578 = tpu.vector_load_idx %arg8[%add3A_1577, %get3A_1495] : memref<256x128xf32, #tpu.memory_space<vmem>>[vector<16xi32>, vector<16xi32>], vector<16xf32>,
    %mul3A_1579 = arith.mulf %bitcast3A_1500, %gather3A_1574 : vector<16xf32>
    %mul3A_1580 = arith.mulf %bitcast3A_1505, %gather3A_1578 : vector<16xf32>
    %add3A_1581 = arith.addf %mul3A_1579, %mul3A_1580 : vector<16xf32>
    %swap3A_1582 = arith.constant 80 : index
    %swap3A_1583 = tpu.vector_load %arg10[%swap3A_1582] {strides = array<i32>} : memref<128xf32, #tpu.memory_space<vmem>>, vector<16xf32>,
    tpu.vector_store %arg10[%swap3A_1582], %add3A_1581 {strides = array<i32>} : memref<128xf32, #tpu.memory_space<vmem>>, vector<16xf32>,
    %add3A_1584 = arith.constant 96 : i32
    %add3A_1585 = vector.broadcast %add3A_1584 : i32 to vector<16xi32>
    %add3A_1586 = arith.addi %iota3A, %add3A_1585 : vector<16xi32>
    %gather3A_1587 = tpu.vector_load_idx %arg8[%add3A_1586, %get3A_1491] : memref<256x128xf32, #tpu.memory_space<vmem>>[vector<16xi32>, vector<16xi32>], vector<16xf32>,
    %add3A_1588 = arith.constant 128 : i32
    %add3A_1589 = vector.broadcast %add3A_1588 : i32 to vector<16xi32>
    %add3A_1590 = arith.addi %add3A_1586, %add3A_1589 : vector<16xi32>
    %gather3A_1591 = tpu.vector_load_idx %arg8[%add3A_1590, %get3A_1495] : memref<256x128xf32, #tpu.memory_space<vmem>>[vector<16xi32>, vector<16xi32>], vector<16xf32>,
    %mul3A_1592 = arith.mulf %bitcast3A_1500, %gather3A_1587 : vector<16xf32>
    %mul3A_1593 = arith.mulf %bitcast3A_1505, %gather3A_1591 : vector<16xf32>
    %add3A_1594 = arith.addf %mul3A_1592, %mul3A_1593 : vector<16xf32>
    %swap3A_1595 = arith.constant 96 : index
    %swap3A_1596 = tpu.vector_load %arg10[%swap3A_1595] {strides = array<i32>} : memref<128xf32, #tpu.memory_space<vmem>>, vector<16xf32>,
    tpu.vector_store %arg10[%swap3A_1595], %add3A_1594 {strides = array<i32>} : memref<128xf32, #tpu.memory_space<vmem>>, vector<16xf32>,
    %add3A_1597 = arith.constant 112 : i32
    %add3A_1598 = vector.broadcast %add3A_1597 : i32 to vector<16xi32>
    %add3A_1599 = arith.addi %iota3A, %add3A_1598 : vector<16xi32>
    %gather3A_1600 = tpu.vector_load_idx %arg8[%add3A_1599, %get3A_1491] : memref<256x128xf32, #tpu.memory_space<vmem>>[vector<16xi32>, vector<16xi32>], vector<16xf32>,
    %add3A_1601 = arith.constant 128 : i32
    %add3A_1602 = vector.broadcast %add3A_1601 : i32 to vector<16xi32>
    %add3A_1603 = arith.addi %add3A_1599, %add3A_1602 : vector<16xi32>
    %gather3A_1604 = tpu.vector_load_idx %arg8[%add3A_1603, %get3A_1495] : memref<256x128xf32, #tpu.memory_space<vmem>>[vector<16xi32>, vector<16xi32>], vector<16xf32>,
    %mul3A_1605 = arith.mulf %bitcast3A_1500, %gather3A_1600 : vector<16xf32>
    %mul3A_1606 = arith.mulf %bitcast3A_1505, %gather3A_1604 : vector<16xf32>
    %add3A_1607 = arith.addf %mul3A_1605, %mul3A_1606 : vector<16xf32>
    %swap3A_1608 = arith.constant 112 : index
    %swap3A_1609 = tpu.vector_load %arg10[%swap3A_1608] {strides = array<i32>} : memref<128xf32, #tpu.memory_space<vmem>>, vector<16xf32>,
    tpu.vector_store %arg10[%swap3A_1608], %add3A_1607 {strides = array<i32>} : memref<128xf32, #tpu.memory_space<vmem>>, vector<16xf32>,
    %run_scoped3A_1610 = arith.constant 4 : i32
    "tpu.region"() ({
      %run_scoped3A_1611 = tpu.sem_alloc : memref<!tpu.dma_semaphore, #tpu.memory_space<semaphore_mem>>
      %dma_start3A_1612 = arith.constant 0 : i32
      %dma_start3A_1613 = tpu.memref_slice %arg4[%run_scoped3A_1610, %add3A, %dma_start3A_1612] : memref<5x32x128xf32, #tpu.memory_space<hbm>> -> memref<1x1x128xf32, #tpu.memory_space<hbm>>
      %dma_start3A_1614 = tpu.memref_squeeze %dma_start3A_1613 : memref<1x1x128xf32, #tpu.memory_space<hbm>> -> memref<128xf32, #tpu.memory_space<hbm>>
      %dma_start3A_1615 = arith.constant 0 : i32
      %dma_start3A_1616 = tpu.memref_slice %arg4[%run_scoped3A_1610, %add3A, %dma_start3A_1615] : memref<5x32x128xf32, #tpu.memory_space<hbm>> -> memref<1x1x128xf32, #tpu.memory_space<hbm>>
      %dma_start3A_1617 = tpu.memref_squeeze %dma_start3A_1616 : memref<1x1x128xf32, #tpu.memory_space<hbm>> -> memref<128xf32, #tpu.memory_space<hbm>>
      tpu.enqueue_dma source(%arg10 : memref<128xf32, #tpu.memory_space<vmem>>) target(%dma_start3A_1617 : memref<128xf32, #tpu.memory_space<hbm>>) target_semaphore(%run_scoped3A_1611 : memref<!tpu.dma_semaphore, #tpu.memory_space<semaphore_mem>>)
      %dma_wait3A_1618 = arith.constant 0 : i32
      %dma_wait3A_1619 = tpu.memref_slice %arg4[%run_scoped3A_1610, %add3A, %dma_wait3A_1618] : memref<5x32x128xf32, #tpu.memory_space<hbm>> -> memref<1x1x128xf32, #tpu.memory_space<hbm>>
      %dma_wait3A_1620 = tpu.memref_squeeze %dma_wait3A_1619 : memref<1x1x128xf32, #tpu.memory_space<hbm>> -> memref<128xf32, #tpu.memory_space<hbm>>
      %dma_wait3A_1621 = arith.constant 0 : i32
      %dma_wait3A_1622 = tpu.memref_slice %arg4[%run_scoped3A_1610, %add3A, %dma_wait3A_1621] : memref<5x32x128xf32, #tpu.memory_space<hbm>> -> memref<1x1x128xf32, #tpu.memory_space<hbm>>
      %dma_wait3A_1623 = tpu.memref_squeeze %dma_wait3A_1622 : memref<1x1x128xf32, #tpu.memory_space<hbm>> -> memref<128xf32, #tpu.memory_space<hbm>>
      tpu.wait_dma2 semaphore(%run_scoped3A_1611 : memref<!tpu.dma_semaphore, #tpu.memory_space<semaphore_mem>>) src(%arg10 : memref<128xf32, #tpu.memory_space<vmem>>) dst(%dma_wait3A_1623 : memref<128xf32, #tpu.memory_space<hbm>>)
      tpu.yield
    }) : () -> ()
    return
  }
}

module attributes {stable_mosaic.version = 14 : i64} {
  func.func @_topk_body(%arg0: memref<2x4096xf32, #tpu.memory_space<vmem>>, %arg1: memref<2x4096xf32, #tpu.memory_space<vmem>>, %arg2: memref<2x4096xf32, #tpu.memory_space<vmem>>, %arg3: memref<2x4096xf32, #tpu.memory_space<vmem>>, %arg4: memref<48x128xi32, #tpu.memory_space<vmem>>, %arg5: memref<8xi32, #tpu.memory_space<smem>>) attributes {dimension_semantics = [], scalar_prefetch = 0 : i64, scratch_operands = 0 : i64, tpu.core_type = #tpu.core_type<tc>} {
    %get3A = arith.constant 0 : index
    %get3A_0 = arith.constant 0 : index
    %get3A_1 = vector.load %arg0[%get3A, %get3A_0] : memref<2x4096xf32, #tpu.memory_space<vmem>>, vector<2x4096xf32>
    %get3A_2 = arith.constant 0 : index
    %get3A_3 = arith.constant 0 : index
    %get3A_4 = vector.load %arg1[%get3A_2, %get3A_3] : memref<2x4096xf32, #tpu.memory_space<vmem>>, vector<2x4096xf32>
    %get3A_5 = arith.constant 0 : index
    %get3A_6 = arith.constant 0 : index
    %get3A_7 = vector.load %arg2[%get3A_5, %get3A_6] : memref<2x4096xf32, #tpu.memory_space<vmem>>, vector<2x4096xf32>
    %sub3A = arith.constant 1.000000e+00 : f32
    %sub3A_8 = vector.broadcast %sub3A : f32 to vector<2x4096xf32>
    %sub3A_9 = arith.subf %sub3A_8, %get3A_4 : vector<2x4096xf32>
    %max3A = arith.constant 1.000000e-07 : f32
    %max3A_10 = vector.broadcast %max3A : f32 to vector<2x4096xf32>
    %max3A_11 = arith.maximumf %sub3A_9, %max3A_10 : vector<2x4096xf32>
    %log3A = math.log %max3A_11 : vector<2x4096xf32>
    %add3A = arith.addf %get3A_1, %log3A : vector<2x4096xf32>
    %swap3A = arith.constant 0 : index
    %swap3A_12 = arith.constant 0 : index
    %swap3A_13 = vector.load %arg3[%swap3A, %swap3A_12] : memref<2x4096xf32, #tpu.memory_space<vmem>>, vector<2x4096xf32>
    tpu.vector_store %arg3[%swap3A, %swap3A_12], %add3A {strides = array<i32>} : memref<2x4096xf32, #tpu.memory_space<vmem>>, vector<2x4096xf32>,
    %log3A_14 = math.log %get3A_7 : vector<2x4096xf32>
    %neg3A = arith.constant 0.000000e+00 : f32
    %neg3A_15 = vector.broadcast %neg3A : f32 to vector<2x4096xf32>
    %neg3A_16 = arith.subf %neg3A_15, %log3A_14 : vector<2x4096xf32>
    %log3A_17 = math.log %neg3A_16 : vector<2x4096xf32>
    %neg3A_18 = arith.constant 0.000000e+00 : f32
    %neg3A_19 = vector.broadcast %neg3A_18 : f32 to vector<2x4096xf32>
    %neg3A_20 = arith.subf %neg3A_19, %log3A_17 : vector<2x4096xf32>
    %add3A_21 = arith.addf %add3A, %neg3A_20 : vector<2x4096xf32>
    %iota3A = tpu.iota {dimensions = array<i32: 1>} : vector<2x4096xi32>
    %iota3A_22 = tpu.iota {dimensions = array<i32: 0>} : vector<16x1xi32>
    %broadcast_in_dim3A = arith.constant 0 : i32
    %broadcast_in_dim3A_23 = vector.broadcast %broadcast_in_dim3A : i32 to vector<16x1xi32>
    %broadcast_in_dim3A_24 = arith.constant 0.000000e+00 : f32
    %broadcast_in_dim3A_25 = vector.broadcast %broadcast_in_dim3A_24 : f32 to vector<16x1xf32>
    %div3A = arith.constant 0.00999999977 : f32
    %div3A_26 = vector.broadcast %div3A : f32 to vector<2x4096xf32>
    %div3A_27 = arith.divf %add3A_21, %div3A_26 : vector<2x4096xf32>
    %reduce_max3A = arith.constant dense<0xFF800000> : vector<2xf32>
    %reduce_max3A_28 = vector.multi_reduction <maximumf>, %div3A_27, %reduce_max3A [1] : vector<2x4096xf32> to vector<2xf32>
    %broadcast_in_dim3A_29 = vector.shape_cast %reduce_max3A_28 : vector<2xf32> to vector<2x1xf32>
    %sub3A_30 = vector.broadcast %broadcast_in_dim3A_29 : vector<2x1xf32> to vector<2x4096xf32>
    %sub3A_31 = arith.subf %div3A_27, %sub3A_30 : vector<2x4096xf32>
    %exp3A = math.exp %sub3A_31 : vector<2x4096xf32>
    %reduce_sum3A = arith.constant dense<0.000000e+00> : vector<2xf32>
    %reduce_sum3A_32 = vector.multi_reduction <add>, %exp3A, %reduce_sum3A [1] : vector<2x4096xf32> to vector<2xf32>
    %broadcast_in_dim3A_33 = vector.shape_cast %reduce_sum3A_32 : vector<2xf32> to vector<2x1xf32>
    %reduce_max3A_34 = arith.constant dense<0xFF800000> : vector<2xf32>
    %reduce_max3A_35 = vector.multi_reduction <maximumf>, %add3A_21, %reduce_max3A_34 [1] : vector<2x4096xf32> to vector<2xf32>
    %broadcast_in_dim3A_36 = vector.shape_cast %reduce_max3A_35 : vector<2xf32> to vector<2x1xf32>
    %eq3A = vector.broadcast %broadcast_in_dim3A_36 : vector<2x1xf32> to vector<2x4096xf32>
    %eq3A_37 = arith.cmpf oeq, %add3A_21, %eq3A : vector<2x4096xf32>
    %jit3A = arith.constant 4096 : i32
    %broadcast_in_dim3A_38 = vector.broadcast %jit3A : i32 to vector<2x4096xi32>
    %select_n3A = arith.select %eq3A_37, %iota3A, %broadcast_in_dim3A_38 : vector<2x4096xi1>, vector<2x4096xi32>
    %reduce_min3A = arith.constant dense<2147483647> : vector<2xi32>
    %reduce_min3A_39 = vector.multi_reduction <minsi>, %select_n3A, %reduce_min3A [1] : vector<2x4096xi32> to vector<2xi32>
    %broadcast_in_dim3A_40 = vector.shape_cast %reduce_min3A_39 : vector<2xi32> to vector<2x1xi32>
    %slice3A = vector.extract_strided_slice %broadcast_in_dim3A_40 {offsets = [0, 0], sizes = [1, 1], strides = [1, 1]} : vector<2x1xi32> to vector<1x1xi32>
    %squeeze3A = vector.extract %slice3A[0, 0] : i32 from vector<1x1xi32>
    %slice3A_41 = vector.extract_strided_slice %broadcast_in_dim3A_40 {offsets = [1, 0], sizes = [1, 1], strides = [1, 1]} : vector<2x1xi32> to vector<1x1xi32>
    %squeeze3A_42 = vector.extract %slice3A_41[0, 0] : i32 from vector<1x1xi32>
    %eq3A_43 = arith.constant 0 : i32
    %eq3A_44 = vector.broadcast %eq3A_43 : i32 to vector<16x1xi32>
    %eq3A_45 = arith.cmpi eq, %iota3A_22, %eq3A_44 : vector<16x1xi32>
    %broadcast_in_dim3A_46 = vector.broadcast %squeeze3A : i32 to vector<16x1xi32>
    %select_n3A_47 = arith.select %eq3A_45, %broadcast_in_dim3A_46, %broadcast_in_dim3A_23 : vector<16x1xi1>, vector<16x1xi32>
    %eq3A_48 = arith.constant 1 : i32
    %eq3A_49 = vector.broadcast %eq3A_48 : i32 to vector<16x1xi32>
    %eq3A_50 = arith.cmpi eq, %iota3A_22, %eq3A_49 : vector<16x1xi32>
    %add3A_51 = arith.constant 4096 : i32
    %add3A_52 = arith.addi %squeeze3A_42, %add3A_51 : i32
    %broadcast_in_dim3A_53 = vector.broadcast %add3A_52 : i32 to vector<16x1xi32>
    %select_n3A_54 = arith.select %eq3A_50, %broadcast_in_dim3A_53, %select_n3A_47 : vector<16x1xi1>, vector<16x1xi32>
    %eq3A_55 = arith.constant 0 : i32
    %eq3A_56 = vector.broadcast %eq3A_55 : i32 to vector<16x1xi32>
    %eq3A_57 = arith.cmpi eq, %iota3A_22, %eq3A_56 : vector<16x1xi32>
    %slice3A_58 = vector.extract_strided_slice %broadcast_in_dim3A_33 {offsets = [0, 0], sizes = [1, 1], strides = [1, 1]} : vector<2x1xf32> to vector<1x1xf32>
    %squeeze3A_59 = vector.extract %slice3A_58[0, 0] : f32 from vector<1x1xf32>
    %div3A_60 = arith.constant 1.000000e+00 : f32
    %div3A_61 = arith.divf %div3A_60, %squeeze3A_59 : f32
    %broadcast_in_dim3A_62 = vector.broadcast %div3A_61 : f32 to vector<16x1xf32>
    %select_n3A_63 = arith.select %eq3A_57, %broadcast_in_dim3A_62, %broadcast_in_dim3A_25 : vector<16x1xi1>, vector<16x1xf32>
    %eq3A_64 = arith.constant 1 : i32
    %eq3A_65 = vector.broadcast %eq3A_64 : i32 to vector<16x1xi32>
    %eq3A_66 = arith.cmpi eq, %iota3A_22, %eq3A_65 : vector<16x1xi32>
    %slice3A_67 = vector.extract_strided_slice %broadcast_in_dim3A_33 {offsets = [1, 0], sizes = [1, 1], strides = [1, 1]} : vector<2x1xf32> to vector<1x1xf32>
    %squeeze3A_68 = vector.extract %slice3A_67[0, 0] : f32 from vector<1x1xf32>
    %div3A_69 = arith.constant 1.000000e+00 : f32
    %div3A_70 = arith.divf %div3A_69, %squeeze3A_68 : f32
    %broadcast_in_dim3A_71 = vector.broadcast %div3A_70 : f32 to vector<16x1xf32>
    %select_n3A_72 = arith.select %eq3A_66, %broadcast_in_dim3A_71, %select_n3A_63 : vector<16x1xi1>, vector<16x1xf32>
    %swap3A_73 = arith.constant 0 : index
    %swap3A_74 = memref.load %arg5[%swap3A_73] : memref<8xi32, #tpu.memory_space<smem>>
    memref.store %squeeze3A, %arg5[%swap3A_73] : memref<8xi32, #tpu.memory_space<smem>>
    %eq3A_75 = vector.broadcast %broadcast_in_dim3A_40 : vector<2x1xi32> to vector<2x4096xi32>
    %eq3A_76 = arith.cmpi eq, %iota3A, %eq3A_75 : vector<2x4096xi32>
    %sub3A_77 = arith.constant 1.000000e+09 : f32
    %sub3A_78 = vector.broadcast %sub3A_77 : f32 to vector<2x4096xf32>
    %sub3A_79 = arith.subf %add3A_21, %sub3A_78 : vector<2x4096xf32>
    %select_n3A_80 = arith.select %eq3A_76, %sub3A_79, %add3A_21 : vector<2x4096xi1>, vector<2x4096xf32>
    %div3A_81 = arith.constant 0.00999999977 : f32
    %div3A_82 = vector.broadcast %div3A_81 : f32 to vector<2x4096xf32>
    %div3A_83 = arith.divf %select_n3A_80, %div3A_82 : vector<2x4096xf32>
    %reduce_max3A_84 = arith.constant dense<0xFF800000> : vector<2xf32>
    %reduce_max3A_85 = vector.multi_reduction <maximumf>, %div3A_83, %reduce_max3A_84 [1] : vector<2x4096xf32> to vector<2xf32>
    %broadcast_in_dim3A_86 = vector.shape_cast %reduce_max3A_85 : vector<2xf32> to vector<2x1xf32>
    %sub3A_87 = vector.broadcast %broadcast_in_dim3A_86 : vector<2x1xf32> to vector<2x4096xf32>
    %sub3A_88 = arith.subf %div3A_83, %sub3A_87 : vector<2x4096xf32>
    %exp3A_89 = math.exp %sub3A_88 : vector<2x4096xf32>
    %reduce_sum3A_90 = arith.constant dense<0.000000e+00> : vector<2xf32>
    %reduce_sum3A_91 = vector.multi_reduction <add>, %exp3A_89, %reduce_sum3A_90 [1] : vector<2x4096xf32> to vector<2xf32>
    %broadcast_in_dim3A_92 = vector.shape_cast %reduce_sum3A_91 : vector<2xf32> to vector<2x1xf32>
    %reduce_max3A_93 = arith.constant dense<0xFF800000> : vector<2xf32>
    %reduce_max3A_94 = vector.multi_reduction <maximumf>, %select_n3A_80, %reduce_max3A_93 [1] : vector<2x4096xf32> to vector<2xf32>
    %broadcast_in_dim3A_95 = vector.shape_cast %reduce_max3A_94 : vector<2xf32> to vector<2x1xf32>
    %eq3A_96 = vector.broadcast %broadcast_in_dim3A_95 : vector<2x1xf32> to vector<2x4096xf32>
    %eq3A_97 = arith.cmpf oeq, %select_n3A_80, %eq3A_96 : vector<2x4096xf32>
    %jit3A_98 = arith.constant 4096 : i32
    %broadcast_in_dim3A_99 = vector.broadcast %jit3A_98 : i32 to vector<2x4096xi32>
    %select_n3A_100 = arith.select %eq3A_97, %iota3A, %broadcast_in_dim3A_99 : vector<2x4096xi1>, vector<2x4096xi32>
    %reduce_min3A_101 = arith.constant dense<2147483647> : vector<2xi32>
    %reduce_min3A_102 = vector.multi_reduction <minsi>, %select_n3A_100, %reduce_min3A_101 [1] : vector<2x4096xi32> to vector<2xi32>
    %broadcast_in_dim3A_103 = vector.shape_cast %reduce_min3A_102 : vector<2xi32> to vector<2x1xi32>
    %slice3A_104 = vector.extract_strided_slice %broadcast_in_dim3A_103 {offsets = [0, 0], sizes = [1, 1], strides = [1, 1]} : vector<2x1xi32> to vector<1x1xi32>
    %squeeze3A_105 = vector.extract %slice3A_104[0, 0] : i32 from vector<1x1xi32>
    %slice3A_106 = vector.extract_strided_slice %broadcast_in_dim3A_103 {offsets = [1, 0], sizes = [1, 1], strides = [1, 1]} : vector<2x1xi32> to vector<1x1xi32>
    %squeeze3A_107 = vector.extract %slice3A_106[0, 0] : i32 from vector<1x1xi32>
    %eq3A_108 = arith.constant 2 : i32
    %eq3A_109 = vector.broadcast %eq3A_108 : i32 to vector<16x1xi32>
    %eq3A_110 = arith.cmpi eq, %iota3A_22, %eq3A_109 : vector<16x1xi32>
    %broadcast_in_dim3A_111 = vector.broadcast %squeeze3A_105 : i32 to vector<16x1xi32>
    %select_n3A_112 = arith.select %eq3A_110, %broadcast_in_dim3A_111, %select_n3A_54 : vector<16x1xi1>, vector<16x1xi32>
    %eq3A_113 = arith.constant 3 : i32
    %eq3A_114 = vector.broadcast %eq3A_113 : i32 to vector<16x1xi32>
    %eq3A_115 = arith.cmpi eq, %iota3A_22, %eq3A_114 : vector<16x1xi32>
    %add3A_116 = arith.constant 4096 : i32
    %add3A_117 = arith.addi %squeeze3A_107, %add3A_116 : i32
    %broadcast_in_dim3A_118 = vector.broadcast %add3A_117 : i32 to vector<16x1xi32>
    %select_n3A_119 = arith.select %eq3A_115, %broadcast_in_dim3A_118, %select_n3A_112 : vector<16x1xi1>, vector<16x1xi32>
    %eq3A_120 = arith.constant 2 : i32
    %eq3A_121 = vector.broadcast %eq3A_120 : i32 to vector<16x1xi32>
    %eq3A_122 = arith.cmpi eq, %iota3A_22, %eq3A_121 : vector<16x1xi32>
    %slice3A_123 = vector.extract_strided_slice %broadcast_in_dim3A_92 {offsets = [0, 0], sizes = [1, 1], strides = [1, 1]} : vector<2x1xf32> to vector<1x1xf32>
    %squeeze3A_124 = vector.extract %slice3A_123[0, 0] : f32 from vector<1x1xf32>
    %div3A_125 = arith.constant 1.000000e+00 : f32
    %div3A_126 = arith.divf %div3A_125, %squeeze3A_124 : f32
    %broadcast_in_dim3A_127 = vector.broadcast %div3A_126 : f32 to vector<16x1xf32>
    %select_n3A_128 = arith.select %eq3A_122, %broadcast_in_dim3A_127, %select_n3A_72 : vector<16x1xi1>, vector<16x1xf32>
    %eq3A_129 = arith.constant 3 : i32
    %eq3A_130 = vector.broadcast %eq3A_129 : i32 to vector<16x1xi32>
    %eq3A_131 = arith.cmpi eq, %iota3A_22, %eq3A_130 : vector<16x1xi32>
    %slice3A_132 = vector.extract_strided_slice %broadcast_in_dim3A_92 {offsets = [1, 0], sizes = [1, 1], strides = [1, 1]} : vector<2x1xf32> to vector<1x1xf32>
    %squeeze3A_133 = vector.extract %slice3A_132[0, 0] : f32 from vector<1x1xf32>
    %div3A_134 = arith.constant 1.000000e+00 : f32
    %div3A_135 = arith.divf %div3A_134, %squeeze3A_133 : f32
    %broadcast_in_dim3A_136 = vector.broadcast %div3A_135 : f32 to vector<16x1xf32>
    %select_n3A_137 = arith.select %eq3A_131, %broadcast_in_dim3A_136, %select_n3A_128 : vector<16x1xi1>, vector<16x1xf32>
    %swap3A_138 = arith.constant 1 : index
    %swap3A_139 = memref.load %arg5[%swap3A_138] : memref<8xi32, #tpu.memory_space<smem>>
    memref.store %squeeze3A_105, %arg5[%swap3A_138] : memref<8xi32, #tpu.memory_space<smem>>
    %eq3A_140 = vector.broadcast %broadcast_in_dim3A_103 : vector<2x1xi32> to vector<2x4096xi32>
    %eq3A_141 = arith.cmpi eq, %iota3A, %eq3A_140 : vector<2x4096xi32>
    %sub3A_142 = arith.constant 1.000000e+09 : f32
    %sub3A_143 = vector.broadcast %sub3A_142 : f32 to vector<2x4096xf32>
    %sub3A_144 = arith.subf %select_n3A_80, %sub3A_143 : vector<2x4096xf32>
    %select_n3A_145 = arith.select %eq3A_141, %sub3A_144, %select_n3A_80 : vector<2x4096xi1>, vector<2x4096xf32>
    %div3A_146 = arith.constant 0.00999999977 : f32
    %div3A_147 = vector.broadcast %div3A_146 : f32 to vector<2x4096xf32>
    %div3A_148 = arith.divf %select_n3A_145, %div3A_147 : vector<2x4096xf32>
    %reduce_max3A_149 = arith.constant dense<0xFF800000> : vector<2xf32>
    %reduce_max3A_150 = vector.multi_reduction <maximumf>, %div3A_148, %reduce_max3A_149 [1] : vector<2x4096xf32> to vector<2xf32>
    %broadcast_in_dim3A_151 = vector.shape_cast %reduce_max3A_150 : vector<2xf32> to vector<2x1xf32>
    %sub3A_152 = vector.broadcast %broadcast_in_dim3A_151 : vector<2x1xf32> to vector<2x4096xf32>
    %sub3A_153 = arith.subf %div3A_148, %sub3A_152 : vector<2x4096xf32>
    %exp3A_154 = math.exp %sub3A_153 : vector<2x4096xf32>
    %reduce_sum3A_155 = arith.constant dense<0.000000e+00> : vector<2xf32>
    %reduce_sum3A_156 = vector.multi_reduction <add>, %exp3A_154, %reduce_sum3A_155 [1] : vector<2x4096xf32> to vector<2xf32>
    %broadcast_in_dim3A_157 = vector.shape_cast %reduce_sum3A_156 : vector<2xf32> to vector<2x1xf32>
    %reduce_max3A_158 = arith.constant dense<0xFF800000> : vector<2xf32>
    %reduce_max3A_159 = vector.multi_reduction <maximumf>, %select_n3A_145, %reduce_max3A_158 [1] : vector<2x4096xf32> to vector<2xf32>
    %broadcast_in_dim3A_160 = vector.shape_cast %reduce_max3A_159 : vector<2xf32> to vector<2x1xf32>
    %eq3A_161 = vector.broadcast %broadcast_in_dim3A_160 : vector<2x1xf32> to vector<2x4096xf32>
    %eq3A_162 = arith.cmpf oeq, %select_n3A_145, %eq3A_161 : vector<2x4096xf32>
    %jit3A_163 = arith.constant 4096 : i32
    %broadcast_in_dim3A_164 = vector.broadcast %jit3A_163 : i32 to vector<2x4096xi32>
    %select_n3A_165 = arith.select %eq3A_162, %iota3A, %broadcast_in_dim3A_164 : vector<2x4096xi1>, vector<2x4096xi32>
    %reduce_min3A_166 = arith.constant dense<2147483647> : vector<2xi32>
    %reduce_min3A_167 = vector.multi_reduction <minsi>, %select_n3A_165, %reduce_min3A_166 [1] : vector<2x4096xi32> to vector<2xi32>
    %broadcast_in_dim3A_168 = vector.shape_cast %reduce_min3A_167 : vector<2xi32> to vector<2x1xi32>
    %slice3A_169 = vector.extract_strided_slice %broadcast_in_dim3A_168 {offsets = [0, 0], sizes = [1, 1], strides = [1, 1]} : vector<2x1xi32> to vector<1x1xi32>
    %squeeze3A_170 = vector.extract %slice3A_169[0, 0] : i32 from vector<1x1xi32>
    %slice3A_171 = vector.extract_strided_slice %broadcast_in_dim3A_168 {offsets = [1, 0], sizes = [1, 1], strides = [1, 1]} : vector<2x1xi32> to vector<1x1xi32>
    %squeeze3A_172 = vector.extract %slice3A_171[0, 0] : i32 from vector<1x1xi32>
    %eq3A_173 = arith.constant 4 : i32
    %eq3A_174 = vector.broadcast %eq3A_173 : i32 to vector<16x1xi32>
    %eq3A_175 = arith.cmpi eq, %iota3A_22, %eq3A_174 : vector<16x1xi32>
    %broadcast_in_dim3A_176 = vector.broadcast %squeeze3A_170 : i32 to vector<16x1xi32>
    %select_n3A_177 = arith.select %eq3A_175, %broadcast_in_dim3A_176, %select_n3A_119 : vector<16x1xi1>, vector<16x1xi32>
    %eq3A_178 = arith.constant 5 : i32
    %eq3A_179 = vector.broadcast %eq3A_178 : i32 to vector<16x1xi32>
    %eq3A_180 = arith.cmpi eq, %iota3A_22, %eq3A_179 : vector<16x1xi32>
    %add3A_181 = arith.constant 4096 : i32
    %add3A_182 = arith.addi %squeeze3A_172, %add3A_181 : i32
    %broadcast_in_dim3A_183 = vector.broadcast %add3A_182 : i32 to vector<16x1xi32>
    %select_n3A_184 = arith.select %eq3A_180, %broadcast_in_dim3A_183, %select_n3A_177 : vector<16x1xi1>, vector<16x1xi32>
    %eq3A_185 = arith.constant 4 : i32
    %eq3A_186 = vector.broadcast %eq3A_185 : i32 to vector<16x1xi32>
    %eq3A_187 = arith.cmpi eq, %iota3A_22, %eq3A_186 : vector<16x1xi32>
    %slice3A_188 = vector.extract_strided_slice %broadcast_in_dim3A_157 {offsets = [0, 0], sizes = [1, 1], strides = [1, 1]} : vector<2x1xf32> to vector<1x1xf32>
    %squeeze3A_189 = vector.extract %slice3A_188[0, 0] : f32 from vector<1x1xf32>
    %div3A_190 = arith.constant 1.000000e+00 : f32
    %div3A_191 = arith.divf %div3A_190, %squeeze3A_189 : f32
    %broadcast_in_dim3A_192 = vector.broadcast %div3A_191 : f32 to vector<16x1xf32>
    %select_n3A_193 = arith.select %eq3A_187, %broadcast_in_dim3A_192, %select_n3A_137 : vector<16x1xi1>, vector<16x1xf32>
    %eq3A_194 = arith.constant 5 : i32
    %eq3A_195 = vector.broadcast %eq3A_194 : i32 to vector<16x1xi32>
    %eq3A_196 = arith.cmpi eq, %iota3A_22, %eq3A_195 : vector<16x1xi32>
    %slice3A_197 = vector.extract_strided_slice %broadcast_in_dim3A_157 {offsets = [1, 0], sizes = [1, 1], strides = [1, 1]} : vector<2x1xf32> to vector<1x1xf32>
    %squeeze3A_198 = vector.extract %slice3A_197[0, 0] : f32 from vector<1x1xf32>
    %div3A_199 = arith.constant 1.000000e+00 : f32
    %div3A_200 = arith.divf %div3A_199, %squeeze3A_198 : f32
    %broadcast_in_dim3A_201 = vector.broadcast %div3A_200 : f32 to vector<16x1xf32>
    %select_n3A_202 = arith.select %eq3A_196, %broadcast_in_dim3A_201, %select_n3A_193 : vector<16x1xi1>, vector<16x1xf32>
    %swap3A_203 = arith.constant 2 : index
    %swap3A_204 = memref.load %arg5[%swap3A_203] : memref<8xi32, #tpu.memory_space<smem>>
    memref.store %squeeze3A_170, %arg5[%swap3A_203] : memref<8xi32, #tpu.memory_space<smem>>
    %eq3A_205 = vector.broadcast %broadcast_in_dim3A_168 : vector<2x1xi32> to vector<2x4096xi32>
    %eq3A_206 = arith.cmpi eq, %iota3A, %eq3A_205 : vector<2x4096xi32>
    %sub3A_207 = arith.constant 1.000000e+09 : f32
    %sub3A_208 = vector.broadcast %sub3A_207 : f32 to vector<2x4096xf32>
    %sub3A_209 = arith.subf %select_n3A_145, %sub3A_208 : vector<2x4096xf32>
    %select_n3A_210 = arith.select %eq3A_206, %sub3A_209, %select_n3A_145 : vector<2x4096xi1>, vector<2x4096xf32>
    %div3A_211 = arith.constant 0.00999999977 : f32
    %div3A_212 = vector.broadcast %div3A_211 : f32 to vector<2x4096xf32>
    %div3A_213 = arith.divf %select_n3A_210, %div3A_212 : vector<2x4096xf32>
    %reduce_max3A_214 = arith.constant dense<0xFF800000> : vector<2xf32>
    %reduce_max3A_215 = vector.multi_reduction <maximumf>, %div3A_213, %reduce_max3A_214 [1] : vector<2x4096xf32> to vector<2xf32>
    %broadcast_in_dim3A_216 = vector.shape_cast %reduce_max3A_215 : vector<2xf32> to vector<2x1xf32>
    %sub3A_217 = vector.broadcast %broadcast_in_dim3A_216 : vector<2x1xf32> to vector<2x4096xf32>
    %sub3A_218 = arith.subf %div3A_213, %sub3A_217 : vector<2x4096xf32>
    %exp3A_219 = math.exp %sub3A_218 : vector<2x4096xf32>
    %reduce_sum3A_220 = arith.constant dense<0.000000e+00> : vector<2xf32>
    %reduce_sum3A_221 = vector.multi_reduction <add>, %exp3A_219, %reduce_sum3A_220 [1] : vector<2x4096xf32> to vector<2xf32>
    %broadcast_in_dim3A_222 = vector.shape_cast %reduce_sum3A_221 : vector<2xf32> to vector<2x1xf32>
    %reduce_max3A_223 = arith.constant dense<0xFF800000> : vector<2xf32>
    %reduce_max3A_224 = vector.multi_reduction <maximumf>, %select_n3A_210, %reduce_max3A_223 [1] : vector<2x4096xf32> to vector<2xf32>
    %broadcast_in_dim3A_225 = vector.shape_cast %reduce_max3A_224 : vector<2xf32> to vector<2x1xf32>
    %eq3A_226 = vector.broadcast %broadcast_in_dim3A_225 : vector<2x1xf32> to vector<2x4096xf32>
    %eq3A_227 = arith.cmpf oeq, %select_n3A_210, %eq3A_226 : vector<2x4096xf32>
    %jit3A_228 = arith.constant 4096 : i32
    %broadcast_in_dim3A_229 = vector.broadcast %jit3A_228 : i32 to vector<2x4096xi32>
    %select_n3A_230 = arith.select %eq3A_227, %iota3A, %broadcast_in_dim3A_229 : vector<2x4096xi1>, vector<2x4096xi32>
    %reduce_min3A_231 = arith.constant dense<2147483647> : vector<2xi32>
    %reduce_min3A_232 = vector.multi_reduction <minsi>, %select_n3A_230, %reduce_min3A_231 [1] : vector<2x4096xi32> to vector<2xi32>
    %broadcast_in_dim3A_233 = vector.shape_cast %reduce_min3A_232 : vector<2xi32> to vector<2x1xi32>
    %slice3A_234 = vector.extract_strided_slice %broadcast_in_dim3A_233 {offsets = [0, 0], sizes = [1, 1], strides = [1, 1]} : vector<2x1xi32> to vector<1x1xi32>
    %squeeze3A_235 = vector.extract %slice3A_234[0, 0] : i32 from vector<1x1xi32>
    %slice3A_236 = vector.extract_strided_slice %broadcast_in_dim3A_233 {offsets = [1, 0], sizes = [1, 1], strides = [1, 1]} : vector<2x1xi32> to vector<1x1xi32>
    %squeeze3A_237 = vector.extract %slice3A_236[0, 0] : i32 from vector<1x1xi32>
    %eq3A_238 = arith.constant 6 : i32
    %eq3A_239 = vector.broadcast %eq3A_238 : i32 to vector<16x1xi32>
    %eq3A_240 = arith.cmpi eq, %iota3A_22, %eq3A_239 : vector<16x1xi32>
    %broadcast_in_dim3A_241 = vector.broadcast %squeeze3A_235 : i32 to vector<16x1xi32>
    %select_n3A_242 = arith.select %eq3A_240, %broadcast_in_dim3A_241, %select_n3A_184 : vector<16x1xi1>, vector<16x1xi32>
    %eq3A_243 = arith.constant 7 : i32
    %eq3A_244 = vector.broadcast %eq3A_243 : i32 to vector<16x1xi32>
    %eq3A_245 = arith.cmpi eq, %iota3A_22, %eq3A_244 : vector<16x1xi32>
    %add3A_246 = arith.constant 4096 : i32
    %add3A_247 = arith.addi %squeeze3A_237, %add3A_246 : i32
    %broadcast_in_dim3A_248 = vector.broadcast %add3A_247 : i32 to vector<16x1xi32>
    %select_n3A_249 = arith.select %eq3A_245, %broadcast_in_dim3A_248, %select_n3A_242 : vector<16x1xi1>, vector<16x1xi32>
    %eq3A_250 = arith.constant 6 : i32
    %eq3A_251 = vector.broadcast %eq3A_250 : i32 to vector<16x1xi32>
    %eq3A_252 = arith.cmpi eq, %iota3A_22, %eq3A_251 : vector<16x1xi32>
    %slice3A_253 = vector.extract_strided_slice %broadcast_in_dim3A_222 {offsets = [0, 0], sizes = [1, 1], strides = [1, 1]} : vector<2x1xf32> to vector<1x1xf32>
    %squeeze3A_254 = vector.extract %slice3A_253[0, 0] : f32 from vector<1x1xf32>
    %div3A_255 = arith.constant 1.000000e+00 : f32
    %div3A_256 = arith.divf %div3A_255, %squeeze3A_254 : f32
    %broadcast_in_dim3A_257 = vector.broadcast %div3A_256 : f32 to vector<16x1xf32>
    %select_n3A_258 = arith.select %eq3A_252, %broadcast_in_dim3A_257, %select_n3A_202 : vector<16x1xi1>, vector<16x1xf32>
    %eq3A_259 = arith.constant 7 : i32
    %eq3A_260 = vector.broadcast %eq3A_259 : i32 to vector<16x1xi32>
    %eq3A_261 = arith.cmpi eq, %iota3A_22, %eq3A_260 : vector<16x1xi32>
    %slice3A_262 = vector.extract_strided_slice %broadcast_in_dim3A_222 {offsets = [1, 0], sizes = [1, 1], strides = [1, 1]} : vector<2x1xf32> to vector<1x1xf32>
    %squeeze3A_263 = vector.extract %slice3A_262[0, 0] : f32 from vector<1x1xf32>
    %div3A_264 = arith.constant 1.000000e+00 : f32
    %div3A_265 = arith.divf %div3A_264, %squeeze3A_263 : f32
    %broadcast_in_dim3A_266 = vector.broadcast %div3A_265 : f32 to vector<16x1xf32>
    %select_n3A_267 = arith.select %eq3A_261, %broadcast_in_dim3A_266, %select_n3A_258 : vector<16x1xi1>, vector<16x1xf32>
    %swap3A_268 = arith.constant 3 : index
    %swap3A_269 = memref.load %arg5[%swap3A_268] : memref<8xi32, #tpu.memory_space<smem>>
    memref.store %squeeze3A_235, %arg5[%swap3A_268] : memref<8xi32, #tpu.memory_space<smem>>
    %eq3A_270 = vector.broadcast %broadcast_in_dim3A_233 : vector<2x1xi32> to vector<2x4096xi32>
    %eq3A_271 = arith.cmpi eq, %iota3A, %eq3A_270 : vector<2x4096xi32>
    %sub3A_272 = arith.constant 1.000000e+09 : f32
    %sub3A_273 = vector.broadcast %sub3A_272 : f32 to vector<2x4096xf32>
    %sub3A_274 = arith.subf %select_n3A_210, %sub3A_273 : vector<2x4096xf32>
    %select_n3A_275 = arith.select %eq3A_271, %sub3A_274, %select_n3A_210 : vector<2x4096xi1>, vector<2x4096xf32>
    %div3A_276 = arith.constant 0.00999999977 : f32
    %div3A_277 = vector.broadcast %div3A_276 : f32 to vector<2x4096xf32>
    %div3A_278 = arith.divf %select_n3A_275, %div3A_277 : vector<2x4096xf32>
    %reduce_max3A_279 = arith.constant dense<0xFF800000> : vector<2xf32>
    %reduce_max3A_280 = vector.multi_reduction <maximumf>, %div3A_278, %reduce_max3A_279 [1] : vector<2x4096xf32> to vector<2xf32>
    %broadcast_in_dim3A_281 = vector.shape_cast %reduce_max3A_280 : vector<2xf32> to vector<2x1xf32>
    %sub3A_282 = vector.broadcast %broadcast_in_dim3A_281 : vector<2x1xf32> to vector<2x4096xf32>
    %sub3A_283 = arith.subf %div3A_278, %sub3A_282 : vector<2x4096xf32>
    %exp3A_284 = math.exp %sub3A_283 : vector<2x4096xf32>
    %reduce_sum3A_285 = arith.constant dense<0.000000e+00> : vector<2xf32>
    %reduce_sum3A_286 = vector.multi_reduction <add>, %exp3A_284, %reduce_sum3A_285 [1] : vector<2x4096xf32> to vector<2xf32>
    %broadcast_in_dim3A_287 = vector.shape_cast %reduce_sum3A_286 : vector<2xf32> to vector<2x1xf32>
    %reduce_max3A_288 = arith.constant dense<0xFF800000> : vector<2xf32>
    %reduce_max3A_289 = vector.multi_reduction <maximumf>, %select_n3A_275, %reduce_max3A_288 [1] : vector<2x4096xf32> to vector<2xf32>
    %broadcast_in_dim3A_290 = vector.shape_cast %reduce_max3A_289 : vector<2xf32> to vector<2x1xf32>
    %eq3A_291 = vector.broadcast %broadcast_in_dim3A_290 : vector<2x1xf32> to vector<2x4096xf32>
    %eq3A_292 = arith.cmpf oeq, %select_n3A_275, %eq3A_291 : vector<2x4096xf32>
    %jit3A_293 = arith.constant 4096 : i32
    %broadcast_in_dim3A_294 = vector.broadcast %jit3A_293 : i32 to vector<2x4096xi32>
    %select_n3A_295 = arith.select %eq3A_292, %iota3A, %broadcast_in_dim3A_294 : vector<2x4096xi1>, vector<2x4096xi32>
    %reduce_min3A_296 = arith.constant dense<2147483647> : vector<2xi32>
    %reduce_min3A_297 = vector.multi_reduction <minsi>, %select_n3A_295, %reduce_min3A_296 [1] : vector<2x4096xi32> to vector<2xi32>
    %broadcast_in_dim3A_298 = vector.shape_cast %reduce_min3A_297 : vector<2xi32> to vector<2x1xi32>
    %slice3A_299 = vector.extract_strided_slice %broadcast_in_dim3A_298 {offsets = [0, 0], sizes = [1, 1], strides = [1, 1]} : vector<2x1xi32> to vector<1x1xi32>
    %squeeze3A_300 = vector.extract %slice3A_299[0, 0] : i32 from vector<1x1xi32>
    %slice3A_301 = vector.extract_strided_slice %broadcast_in_dim3A_298 {offsets = [1, 0], sizes = [1, 1], strides = [1, 1]} : vector<2x1xi32> to vector<1x1xi32>
    %squeeze3A_302 = vector.extract %slice3A_301[0, 0] : i32 from vector<1x1xi32>
    %eq3A_303 = arith.constant 8 : i32
    %eq3A_304 = vector.broadcast %eq3A_303 : i32 to vector<16x1xi32>
    %eq3A_305 = arith.cmpi eq, %iota3A_22, %eq3A_304 : vector<16x1xi32>
    %broadcast_in_dim3A_306 = vector.broadcast %squeeze3A_300 : i32 to vector<16x1xi32>
    %select_n3A_307 = arith.select %eq3A_305, %broadcast_in_dim3A_306, %select_n3A_249 : vector<16x1xi1>, vector<16x1xi32>
    %eq3A_308 = arith.constant 9 : i32
    %eq3A_309 = vector.broadcast %eq3A_308 : i32 to vector<16x1xi32>
    %eq3A_310 = arith.cmpi eq, %iota3A_22, %eq3A_309 : vector<16x1xi32>
    %add3A_311 = arith.constant 4096 : i32
    %add3A_312 = arith.addi %squeeze3A_302, %add3A_311 : i32
    %broadcast_in_dim3A_313 = vector.broadcast %add3A_312 : i32 to vector<16x1xi32>
    %select_n3A_314 = arith.select %eq3A_310, %broadcast_in_dim3A_313, %select_n3A_307 : vector<16x1xi1>, vector<16x1xi32>
    %eq3A_315 = arith.constant 8 : i32
    %eq3A_316 = vector.broadcast %eq3A_315 : i32 to vector<16x1xi32>
    %eq3A_317 = arith.cmpi eq, %iota3A_22, %eq3A_316 : vector<16x1xi32>
    %slice3A_318 = vector.extract_strided_slice %broadcast_in_dim3A_287 {offsets = [0, 0], sizes = [1, 1], strides = [1, 1]} : vector<2x1xf32> to vector<1x1xf32>
    %squeeze3A_319 = vector.extract %slice3A_318[0, 0] : f32 from vector<1x1xf32>
    %div3A_320 = arith.constant 1.000000e+00 : f32
    %div3A_321 = arith.divf %div3A_320, %squeeze3A_319 : f32
    %broadcast_in_dim3A_322 = vector.broadcast %div3A_321 : f32 to vector<16x1xf32>
    %select_n3A_323 = arith.select %eq3A_317, %broadcast_in_dim3A_322, %select_n3A_267 : vector<16x1xi1>, vector<16x1xf32>
    %eq3A_324 = arith.constant 9 : i32
    %eq3A_325 = vector.broadcast %eq3A_324 : i32 to vector<16x1xi32>
    %eq3A_326 = arith.cmpi eq, %iota3A_22, %eq3A_325 : vector<16x1xi32>
    %slice3A_327 = vector.extract_strided_slice %broadcast_in_dim3A_287 {offsets = [1, 0], sizes = [1, 1], strides = [1, 1]} : vector<2x1xf32> to vector<1x1xf32>
    %squeeze3A_328 = vector.extract %slice3A_327[0, 0] : f32 from vector<1x1xf32>
    %div3A_329 = arith.constant 1.000000e+00 : f32
    %div3A_330 = arith.divf %div3A_329, %squeeze3A_328 : f32
    %broadcast_in_dim3A_331 = vector.broadcast %div3A_330 : f32 to vector<16x1xf32>
    %select_n3A_332 = arith.select %eq3A_326, %broadcast_in_dim3A_331, %select_n3A_323 : vector<16x1xi1>, vector<16x1xf32>
    %swap3A_333 = arith.constant 4 : index
    %swap3A_334 = memref.load %arg5[%swap3A_333] : memref<8xi32, #tpu.memory_space<smem>>
    memref.store %squeeze3A_300, %arg5[%swap3A_333] : memref<8xi32, #tpu.memory_space<smem>>
    %swap3A_335 = arith.constant 0 : i32
    %swap3A_336 = arith.constant 5 : index
    %swap3A_337 = memref.load %arg5[%swap3A_336] : memref<8xi32, #tpu.memory_space<smem>>
    memref.store %swap3A_335, %arg5[%swap3A_336] : memref<8xi32, #tpu.memory_space<smem>>
    %swap3A_338 = arith.constant 0 : i32
    %swap3A_339 = arith.constant 6 : index
    %swap3A_340 = memref.load %arg5[%swap3A_339] : memref<8xi32, #tpu.memory_space<smem>>
    memref.store %swap3A_338, %arg5[%swap3A_339] : memref<8xi32, #tpu.memory_space<smem>>
    %swap3A_341 = arith.constant 0 : i32
    %swap3A_342 = arith.constant 7 : index
    %swap3A_343 = memref.load %arg5[%swap3A_342] : memref<8xi32, #tpu.memory_space<smem>>
    memref.store %swap3A_341, %arg5[%swap3A_342] : memref<8xi32, #tpu.memory_space<smem>>
    %iota3A_344 = tpu.iota {dimensions = array<i32: 1>} : vector<16x128xi32>
    %jit3A_345 = arith.constant 16 : i32
    %div3A_346 = vector.broadcast %jit3A_345 : i32 to vector<16x128xi32>
    %div3A_347 = arith.divsi %iota3A_344, %div3A_346 : vector<16x128xi32>
    %sign3A = arith.constant 0 : i32
    %sign3A_348 = vector.broadcast %sign3A : i32 to vector<16x128xi32>
    %sign3A_349 = arith.cmpi sgt, %iota3A_344, %sign3A_348 : vector<16x128xi32>
    %sign3A_350 = arith.extui %sign3A_349 : vector<16x128xi1> to vector<16x128xi32>
    %sign3A_351 = arith.constant 0 : i32
    %sign3A_352 = vector.broadcast %sign3A_351 : i32 to vector<16x128xi32>
    %sign3A_353 = arith.cmpi slt, %iota3A_344, %sign3A_352 : vector<16x128xi32>
    %sign3A_354 = arith.extui %sign3A_353 : vector<16x128xi1> to vector<16x128xi32>
    %sign3A_355 = arith.subi %sign3A_350, %sign3A_354 : vector<16x128xi32>
    %sign3A_356 = arith.constant 0 : i32
    %sign3A_357 = arith.cmpi sgt, %jit3A_345, %sign3A_356 : i32
    %sign3A_358 = arith.extui %sign3A_357 : i1 to i32
    %sign3A_359 = arith.constant 0 : i32
    %sign3A_360 = arith.cmpi slt, %jit3A_345, %sign3A_359 : i32
    %sign3A_361 = arith.extui %sign3A_360 : i1 to i32
    %sign3A_362 = arith.subi %sign3A_358, %sign3A_361 : i32
    %ne3A = vector.broadcast %sign3A_362 : i32 to vector<16x128xi32>
    %ne3A_363 = arith.cmpi ne, %sign3A_355, %ne3A : vector<16x128xi32>
    %rem3A = vector.broadcast %jit3A_345 : i32 to vector<16x128xi32>
    %rem3A_364 = arith.remsi %iota3A_344, %rem3A : vector<16x128xi32>
    %ne3A_365 = arith.constant 0 : i32
    %ne3A_366 = vector.broadcast %ne3A_365 : i32 to vector<16x128xi32>
    %ne3A_367 = arith.cmpi ne, %rem3A_364, %ne3A_366 : vector<16x128xi32>
    %and3A = arith.andi %ne3A_363, %ne3A_367 : vector<16x128xi1>
    %sub3A_368 = arith.constant 1 : i32
    %sub3A_369 = vector.broadcast %sub3A_368 : i32 to vector<16x128xi32>
    %sub3A_370 = arith.subi %div3A_347, %sub3A_369 : vector<16x128xi32>
    %select_n3A_371 = arith.select %and3A, %sub3A_370, %div3A_347 : vector<16x128xi1>, vector<16x128xi32>
    %mul3A = arith.constant 1024 : i32
    %mul3A_372 = vector.broadcast %mul3A : i32 to vector<16x128xi32>
    %mul3A_373 = arith.muli %select_n3A_371, %mul3A_372 : vector<16x128xi32>
    %jit3A_374 = arith.constant 16 : i32
    %eq3A_375 = arith.constant 0 : i32
    %eq3A_376 = arith.cmpi eq, %jit3A_374, %eq3A_375 : i32
    %jit3A_377 = arith.constant 1 : i32
    %select_n3A_378 = arith.select %eq3A_376, %jit3A_377, %jit3A_374 : i32
    %rem3A_379 = vector.broadcast %select_n3A_378 : i32 to vector<16x128xi32>
    %rem3A_380 = arith.remsi %iota3A_344, %rem3A_379 : vector<16x128xi32>
    %ne3A_381 = arith.constant 0 : i32
    %ne3A_382 = vector.broadcast %ne3A_381 : i32 to vector<16x128xi32>
    %ne3A_383 = arith.cmpi ne, %rem3A_380, %ne3A_382 : vector<16x128xi32>
    %lt3A = arith.constant 0 : i32
    %lt3A_384 = vector.broadcast %lt3A : i32 to vector<16x128xi32>
    %lt3A_385 = arith.cmpi slt, %rem3A_380, %lt3A_384 : vector<16x128xi32>
    %lt3A_386 = arith.constant 0 : i32
    %lt3A_387 = arith.cmpi slt, %select_n3A_378, %lt3A_386 : i32
    %ne3A_388 = vector.broadcast %lt3A_387 : i1 to vector<16x128xi1>
    %ne3A_389 = vector.broadcast %ne3A_388 : vector<16x128xi1> to vector<16x128xi1>
    %ne3A_390 = arith.xori %lt3A_385, %ne3A_389 : vector<16x128xi1>
    %and3A_391 = arith.andi %ne3A_390, %ne3A_383 : vector<16x128xi1>
    %add3A_392 = vector.broadcast %select_n3A_378 : i32 to vector<16x128xi32>
    %add3A_393 = arith.addi %rem3A_380, %add3A_392 : vector<16x128xi32>
    %select_n3A_394 = arith.select %and3A_391, %add3A_393, %rem3A_380 : vector<16x128xi1>, vector<16x128xi32>
    %jit3A_395 = arith.constant 8 : i32
    %div3A_396 = vector.broadcast %jit3A_395 : i32 to vector<16x128xi32>
    %div3A_397 = arith.divsi %select_n3A_394, %div3A_396 : vector<16x128xi32>
    %sign3A_398 = arith.constant 0 : i32
    %sign3A_399 = vector.broadcast %sign3A_398 : i32 to vector<16x128xi32>
    %sign3A_400 = arith.cmpi sgt, %select_n3A_394, %sign3A_399 : vector<16x128xi32>
    %sign3A_401 = arith.extui %sign3A_400 : vector<16x128xi1> to vector<16x128xi32>
    %sign3A_402 = arith.constant 0 : i32
    %sign3A_403 = vector.broadcast %sign3A_402 : i32 to vector<16x128xi32>
    %sign3A_404 = arith.cmpi slt, %select_n3A_394, %sign3A_403 : vector<16x128xi32>
    %sign3A_405 = arith.extui %sign3A_404 : vector<16x128xi1> to vector<16x128xi32>
    %sign3A_406 = arith.subi %sign3A_401, %sign3A_405 : vector<16x128xi32>
    %sign3A_407 = arith.constant 0 : i32
    %sign3A_408 = arith.cmpi sgt, %jit3A_395, %sign3A_407 : i32
    %sign3A_409 = arith.extui %sign3A_408 : i1 to i32
    %sign3A_410 = arith.constant 0 : i32
    %sign3A_411 = arith.cmpi slt, %jit3A_395, %sign3A_410 : i32
    %sign3A_412 = arith.extui %sign3A_411 : i1 to i32
    %sign3A_413 = arith.subi %sign3A_409, %sign3A_412 : i32
    %ne3A_414 = vector.broadcast %sign3A_413 : i32 to vector<16x128xi32>
    %ne3A_415 = arith.cmpi ne, %sign3A_406, %ne3A_414 : vector<16x128xi32>
    %rem3A_416 = vector.broadcast %jit3A_395 : i32 to vector<16x128xi32>
    %rem3A_417 = arith.remsi %select_n3A_394, %rem3A_416 : vector<16x128xi32>
    %ne3A_418 = arith.constant 0 : i32
    %ne3A_419 = vector.broadcast %ne3A_418 : i32 to vector<16x128xi32>
    %ne3A_420 = arith.cmpi ne, %rem3A_417, %ne3A_419 : vector<16x128xi32>
    %and3A_421 = arith.andi %ne3A_415, %ne3A_420 : vector<16x128xi1>
    %sub3A_422 = arith.constant 1 : i32
    %sub3A_423 = vector.broadcast %sub3A_422 : i32 to vector<16x128xi32>
    %sub3A_424 = arith.subi %div3A_397, %sub3A_423 : vector<16x128xi32>
    %select_n3A_425 = arith.select %and3A_421, %sub3A_424, %div3A_397 : vector<16x128xi1>, vector<16x128xi32>
    %mul3A_426 = arith.constant 512 : i32
    %mul3A_427 = vector.broadcast %mul3A_426 : i32 to vector<16x128xi32>
    %mul3A_428 = arith.muli %select_n3A_425, %mul3A_427 : vector<16x128xi32>
    %add3A_429 = arith.addi %mul3A_373, %mul3A_428 : vector<16x128xi32>
    %jit3A_430 = arith.constant 128 : i32
    %div3A_431 = vector.broadcast %jit3A_430 : i32 to vector<16x1xi32>
    %div3A_432 = arith.divsi %select_n3A_314, %div3A_431 : vector<16x1xi32>
    %sign3A_433 = arith.constant 0 : i32
    %sign3A_434 = vector.broadcast %sign3A_433 : i32 to vector<16x1xi32>
    %sign3A_435 = arith.cmpi sgt, %select_n3A_314, %sign3A_434 : vector<16x1xi32>
    %sign3A_436 = arith.extui %sign3A_435 : vector<16x1xi1> to vector<16x1xi32>
    %sign3A_437 = arith.constant 0 : i32
    %sign3A_438 = vector.broadcast %sign3A_437 : i32 to vector<16x1xi32>
    %sign3A_439 = arith.cmpi slt, %select_n3A_314, %sign3A_438 : vector<16x1xi32>
    %sign3A_440 = arith.extui %sign3A_439 : vector<16x1xi1> to vector<16x1xi32>
    %sign3A_441 = arith.subi %sign3A_436, %sign3A_440 : vector<16x1xi32>
    %sign3A_442 = arith.constant 0 : i32
    %sign3A_443 = arith.cmpi sgt, %jit3A_430, %sign3A_442 : i32
    %sign3A_444 = arith.extui %sign3A_443 : i1 to i32
    %sign3A_445 = arith.constant 0 : i32
    %sign3A_446 = arith.cmpi slt, %jit3A_430, %sign3A_445 : i32
    %sign3A_447 = arith.extui %sign3A_446 : i1 to i32
    %sign3A_448 = arith.subi %sign3A_444, %sign3A_447 : i32
    %ne3A_449 = vector.broadcast %sign3A_448 : i32 to vector<16x1xi32>
    %ne3A_450 = arith.cmpi ne, %sign3A_441, %ne3A_449 : vector<16x1xi32>
    %rem3A_451 = vector.broadcast %jit3A_430 : i32 to vector<16x1xi32>
    %rem3A_452 = arith.remsi %select_n3A_314, %rem3A_451 : vector<16x1xi32>
    %ne3A_453 = arith.constant 0 : i32
    %ne3A_454 = vector.broadcast %ne3A_453 : i32 to vector<16x1xi32>
    %ne3A_455 = arith.cmpi ne, %rem3A_452, %ne3A_454 : vector<16x1xi32>
    %and3A_456 = arith.andi %ne3A_450, %ne3A_455 : vector<16x1xi1>
    %sub3A_457 = arith.constant 1 : i32
    %sub3A_458 = vector.broadcast %sub3A_457 : i32 to vector<16x1xi32>
    %sub3A_459 = arith.subi %div3A_432, %sub3A_458 : vector<16x1xi32>
    %select_n3A_460 = arith.select %and3A_456, %sub3A_459, %div3A_432 : vector<16x1xi1>, vector<16x1xi32>
    %mul3A_461 = arith.constant 8 : i32
    %mul3A_462 = vector.broadcast %mul3A_461 : i32 to vector<16x1xi32>
    %mul3A_463 = arith.muli %select_n3A_460, %mul3A_462 : vector<16x1xi32>
    %add3A_464 = vector.broadcast %mul3A_463 : vector<16x1xi32> to vector<16x128xi32>
    %add3A_465 = arith.addi %add3A_429, %add3A_464 : vector<16x128xi32>
    %jit3A_466 = arith.constant 8 : i32
    %eq3A_467 = arith.constant 0 : i32
    %eq3A_468 = arith.cmpi eq, %jit3A_466, %eq3A_467 : i32
    %jit3A_469 = arith.constant 1 : i32
    %select_n3A_470 = arith.select %eq3A_468, %jit3A_469, %jit3A_466 : i32
    %rem3A_471 = vector.broadcast %select_n3A_470 : i32 to vector<16x128xi32>
    %rem3A_472 = arith.remsi %iota3A_344, %rem3A_471 : vector<16x128xi32>
    %ne3A_473 = arith.constant 0 : i32
    %ne3A_474 = vector.broadcast %ne3A_473 : i32 to vector<16x128xi32>
    %ne3A_475 = arith.cmpi ne, %rem3A_472, %ne3A_474 : vector<16x128xi32>
    %lt3A_476 = arith.constant 0 : i32
    %lt3A_477 = vector.broadcast %lt3A_476 : i32 to vector<16x128xi32>
    %lt3A_478 = arith.cmpi slt, %rem3A_472, %lt3A_477 : vector<16x128xi32>
    %lt3A_479 = arith.constant 0 : i32
    %lt3A_480 = arith.cmpi slt, %select_n3A_470, %lt3A_479 : i32
    %ne3A_481 = vector.broadcast %lt3A_480 : i1 to vector<16x128xi1>
    %ne3A_482 = vector.broadcast %ne3A_481 : vector<16x128xi1> to vector<16x128xi1>
    %ne3A_483 = arith.xori %lt3A_478, %ne3A_482 : vector<16x128xi1>
    %and3A_484 = arith.andi %ne3A_483, %ne3A_475 : vector<16x128xi1>
    %add3A_485 = vector.broadcast %select_n3A_470 : i32 to vector<16x128xi32>
    %add3A_486 = arith.addi %rem3A_472, %add3A_485 : vector<16x128xi32>
    %select_n3A_487 = arith.select %and3A_484, %add3A_486, %rem3A_472 : vector<16x128xi1>, vector<16x128xi32>
    %add3A_488 = arith.addi %add3A_465, %select_n3A_487 : vector<16x128xi32>
    %jit3A_489 = arith.constant 128 : i32
    %eq3A_490 = arith.constant 0 : i32
    %eq3A_491 = arith.cmpi eq, %jit3A_489, %eq3A_490 : i32
    %jit3A_492 = arith.constant 1 : i32
    %select_n3A_493 = arith.select %eq3A_491, %jit3A_492, %jit3A_489 : i32
    %rem3A_494 = vector.broadcast %select_n3A_493 : i32 to vector<16x1xi32>
    %rem3A_495 = arith.remsi %select_n3A_314, %rem3A_494 : vector<16x1xi32>
    %ne3A_496 = arith.constant 0 : i32
    %ne3A_497 = vector.broadcast %ne3A_496 : i32 to vector<16x1xi32>
    %ne3A_498 = arith.cmpi ne, %rem3A_495, %ne3A_497 : vector<16x1xi32>
    %lt3A_499 = arith.constant 0 : i32
    %lt3A_500 = vector.broadcast %lt3A_499 : i32 to vector<16x1xi32>
    %lt3A_501 = arith.cmpi slt, %rem3A_495, %lt3A_500 : vector<16x1xi32>
    %lt3A_502 = arith.constant 0 : i32
    %lt3A_503 = arith.cmpi slt, %select_n3A_493, %lt3A_502 : i32
    %ne3A_504 = vector.broadcast %lt3A_503 : i1 to vector<16x1xi1>
    %ne3A_505 = vector.broadcast %ne3A_504 : vector<16x1xi1> to vector<16x1xi1>
    %ne3A_506 = arith.xori %lt3A_501, %ne3A_505 : vector<16x1xi1>
    %and3A_507 = arith.andi %ne3A_506, %ne3A_498 : vector<16x1xi1>
    %add3A_508 = vector.broadcast %select_n3A_493 : i32 to vector<16x1xi32>
    %add3A_509 = arith.addi %rem3A_495, %add3A_508 : vector<16x1xi32>
    %select_n3A_510 = arith.select %and3A_507, %add3A_509, %rem3A_495 : vector<16x1xi1>, vector<16x1xi32>
    %broadcast_in_dim3A_511 = vector.shape_cast %select_n3A_510 : vector<16x1xi32> to vector<16x1xi32>
    %broadcast_in_dim3A_512 = vector.broadcast %broadcast_in_dim3A_511 : vector<16x1xi32> to vector<16x128xi32>
    %broadcast_in_dim3A_513 = vector.shape_cast %select_n3A_332 : vector<16x1xf32> to vector<16x1xf32>
    %broadcast_in_dim3A_514 = vector.broadcast %broadcast_in_dim3A_513 : vector<16x1xf32> to vector<16x128xf32>
    %bitcast_convert_type3A = tpu.bitcast %broadcast_in_dim3A_514 : vector<16x128xf32> -> vector<16x128xi32>
    %concatenate3A = tpu.concatenate %add3A_488, %broadcast_in_dim3A_512, %bitcast_convert_type3A in 0 : vector<16x128xi32>, vector<16x128xi32>, vector<16x128xi32> -> vector<48x128xi32>
    %swap3A_515 = arith.constant 0 : index
    %swap3A_516 = arith.constant 0 : index
    %swap3A_517 = vector.load %arg4[%swap3A_515, %swap3A_516] : memref<48x128xi32, #tpu.memory_space<vmem>>, vector<48x128xi32>
    tpu.vector_store %arg4[%swap3A_515, %swap3A_516], %concatenate3A {strides = array<i32>} : memref<48x128xi32, #tpu.memory_space<vmem>>, vector<48x128xi32>,
    return
  }
}

</mosaic_0001>

<sc_bundles>
// kernel: kernel.4.cloned.1.call-start
scs
__scs_entry_jumppad:
0x0: {  	(pc) =	sbr.rel $0x88, $3  }
0x1: {  	(tag) =	ssettag $0x0;
	lr =	simm.s32 $0x1  }
0x2: {  	[smem:$0x3F9E] =	sst lr;
	_ =	strace $0xD0000000  }
0x3: {  	_ = 	snop  }
0x4: {  	_ = 	snop  }
0x5: {  	_ = 	snop  }
0x6: {  	_ = 	snop  }
0x7: {  	_ = 	snop  }
__scs_overlays_trampoline_lowered:
0x8: {  	[smem:$0x3FAD] =	sst s0  }
0x9: {  	[smem:$0x3FAE] =	sst s1  }
0xa: {  	[smem:$0x3FAF] =	sst s2  }
0xb: {  	[smem:$0x3FB0] =	sst s3  }
0xc: {  	[smem:$0x3FB1] =	sst s4  }
0xd: {  	[smem:$0x3FB2] =	sst s5  }
0xe: {  	[smem:$0x3FB3] =	sst s6  }
0xf: {  	[smem:$0x3FB4] =	sst s7  }
0x10: {  	[smem:$0x3FB5] =	sst s8  }
0x11: {  	[smem:$0x3FB6] =	sst s9;
	s0 =	simm.s32 @!p0 $0x0  }
0x12: {  	s1 =	sld [smem:$0x3F9C];
	s0 =	simm.s32 @p0 $0x1  }
0x13: {  	[smem:$0x3FB7] =	sst s0;
	s0 =	simm.s32 @!p1 $0x0  }
0x14: {  	s2 =	sld [smem:$0x3F9B];
	s0 =	simm.s32 @p1 $0x1  }
0x15: {  	[smem:$0x3FB8] =	sst s0;
	s0 =	simm.s32 @!p2 $0x0  }
0x16: {  	s3 =	sld [smem:$0x3FDB];
	s0 =	simm.s32 @p2 $0x1  }
0x17: {  	s4 =	simm.s32 $0x1BF5;
	[smem:$0x3FBA] =	sst s0  }
0x18: {  	s0 =	sld [smem:$0x3F9D];
	_ =	swait.ge [sflag:s4], $0x0  }
0x19: {  	s7 =	sld [smem:$0x3F9E]  }
0x1a: {  	s8 =	sadd.s32 $0xFFFFE003, lr  }
0x1b: {  	s9 =	sadd.s32 $0xFFFFFEF7, lr;
	s5 =	simm.s32 $0xFFFFFFFF;
	p2 =	slt.u32 s8, $0xFFFFF086  }
0x1c: {  	p1 =	slt.u32 s9, $0xF7A;
	s5 =	simm.s32 @!p2 $0x0  }
0x1d: {  	s5 =	simm.s32 @p1 $0x1;
	p0 =	seq.s32 s7, s2  }
0x1e: {  	s7 =	smul.u32 @!p0 $0xF7A, s2;
	p2 =	seq.s32 @!p0 s5, $0x0  }
0x1f: {  	s9 =	smul.u32 $0xF7A, s1;
	s8 =	simm.s32 @!p0 $0x1BF5;
	p2 =	por !p2, p0  }
0x20: {  	[sflag:s8] =	ssyncset.s32 @!p0 $0xFFFFF086;
	s6 =	sadd.s32 @!p0 s3, s7;
	s7 =	simm.s32 @!p0 $0x108  }
0x21: {  	s3 =	sadd.s32 s3, s9;
	s6 =	sadd.s32 @!p0 $0x88, s6;
	s7 =	simm.s32 @p2 $0x1082  }
0x22: {  	[simem:s7], [sflag:s8] =	dma.local @!p0 [hbm:s6], $0xF7A  }
0x23: {  	s9 =	sor.u32 $0xD0000000, s2;
	s6 =	simm.s32 $0x108;
	_ =	swait.ge @!p0 [sflag:s8], $0x0  }
0x24: {  	s3 =	sadd.s32 $0x88, s3;
	s6 =	simm.s32 @!p1 $0x1082;
	[sflag:s4] =	ssyncset.s32 $0xFFFFF086  }
0x25: {  	[simem:s6], [sflag:s4] =	dma.local [hbm:s3], $0xF7A  }
0x26: {  	[smem:$0x3F9E] =	sst s1;
	(tag) =	ssettag s2;
	_ =	strace s9  }
0x27: {  	s1 =	sld [smem:$0x3FAE]  }
0x28: {  	s2 =	sld [smem:$0x3FAF]  }
0x29: {  	s4 =	sld [smem:$0x3FB1]  }
0x2a: {  	p0 =	seq.s32 s5, $0x0;
	s5 =	sld [smem:$0x3FB2]  }
0x2b: {  	s6 =	sld [smem:$0x3FB3]  }
0x2c: {  	s7 =	sld [smem:$0x3FB4]  }
0x2d: {  	s3 =	simm.s32 $0x108;
	s8 =	sld [smem:$0x3FB5]  }
0x2e: {  	s3 =	simm.s32 @!p0 $0x1082;
	s9 =	sld [smem:$0x3FB6]  }
0x2f: {  	lr =	sadd.s32 s0, s3;
	s0 =	sld [smem:$0x3FAD]  }
0x30: {  	s3 =	sld [smem:$0x3FB0]  }
0x31: {  	[smem:$0x3FB9] =	sst s10  }
0x32: {  	s10 =	sld [smem:$0x3FB7];
	_ =	sdelay $0x3  }
0x33: {  	p0 =	seq.s32 s10, $0x1;
	s10 =	sld [smem:$0x3FB9];
	_ =	sdelay $0x3  }
0x34: {  	[smem:$0x3FB9] =	sst s10  }
0x35: {  	s10 =	sld [smem:$0x3FB8];
	_ =	sdelay $0x3  }
0x36: {  	p1 =	seq.s32 s10, $0x1;
	s10 =	sld [smem:$0x3FB9];
	_ =	sdelay $0x3  }
0x37: {  	[smem:$0x3FB9] =	sst s10  }
0x38: {  	s10 =	sld [smem:$0x3FBA]  }
0x39: {  	_ = 	snop;
	(pc) =	sbr.ind lr, $3  }
0x3a: {  	_ = 	snop  }
0x3b: {  	_ = 	snop  }
0x3c: {  	p2 =	seq.s32 s10, $0x1;
	s10 =	sld [smem:$0x3FB9]  }
0x3d: {  	_ =	shalt  }
0x3e: {  	_ =	shalt  }
0x3f: {  	_ =	shalt  }
0x40: {  	_ =	shalt  }
0x41: {  	_ =	shalt  }
0x42: {  	_ =	shalt  }
0x43: {  	_ =	shalt  }
0x44: {  	_ =	shalt  }
0x45: {  	_ =	shalt  }
0x46: {  	_ =	shalt  }
0x47: {  	_ =	shalt  }
0x48: {  	_ =	shalt  }
0x49: {  	_ =	shalt  }
0x4a: {  	_ =	shalt  }
0x4b: {  	_ =	shalt  }
0x4c: {  	_ =	shalt  }
0x4d: {  	_ =	shalt  }
0x4e: {  	_ =	shalt  }
0x4f: {  	_ =	shalt  }
0x50: {  	_ =	shalt  }
0x51: {  	_ =	shalt  }
0x52: {  	_ =	shalt  }
0x53: {  	_ =	shalt  }
0x54: {  	_ =	shalt  }
0x55: {  	_ =	shalt  }
0x56: {  	_ =	shalt  }
0x57: {  	_ =	shalt  }
0x58: {  	_ =	shalt  }
0x59: {  	_ =	shalt  }
0x5a: {  	_ =	shalt  }
0x5b: {  	_ =	shalt  }
0x5c: {  	_ =	shalt  }
0x5d: {  	_ =	shalt  }
0x5e: {  	_ =	shalt  }
0x5f: {  	_ =	shalt  }
0x60: {  	_ =	shalt  }
0x61: {  	_ =	shalt  }
0x62: {  	_ =	shalt  }
0x63: {  	_ =	shalt  }
0x64: {  	_ =	shalt  }
0x65: {  	_ =	shalt  }
0x66: {  	_ =	shalt  }
0x67: {  	_ =	shalt  }
0x68: {  	_ =	shalt  }
0x69: {  	_ =	shalt  }
0x6a: {  	_ =	shalt  }
0x6b: {  	_ =	shalt  }
0x6c: {  	_ =	shalt  }
0x6d: {  	_ =	shalt  }
0x6e: {  	_ =	shalt  }
0x6f: {  	_ =	shalt  }
0x70: {  	_ =	shalt  }
0x71: {  	_ =	shalt  }
0x72: {  	_ =	shalt  }
0x73: {  	_ =	shalt  }
0x74: {  	_ =	shalt  }
0x75: {  	_ =	shalt  }
0x76: {  	_ =	shalt  }
0x77: {  	_ =	shalt  }
0x78: {  	_ =	shalt  }
0x79: {  	_ =	shalt  }
0x7a: {  	_ =	shalt  }
0x7b: {  	_ =	shalt  }
0x7c: {  	_ =	shalt  }
0x7d: {  	_ =	shalt  }
0x7e: {  	_ =	shalt  }
0x7f: {  	_ =	shalt  }
0x80: {  	_ =	shalt  }
0x81: {  	_ =	shalt  }
0x82: {  	_ =	shalt  }
0x83: {  	_ =	shalt  }
0x84: {  	_ =	shalt  }
0x85: {  	_ =	shalt  }
0x86: {  	_ =	shalt  }
0x87: {  	_ =	shalt  }
.Lfunc_end0:
.L_simem_size_0:
called_computation_lowered:
.L_overlay_start_0:
0x88: {  	s2 =	sld [smem:$0x3FD9]  }
0x89: {  	s3 =	sld [smem:$0x3FFE];
	_ =	sdelay $0x1  }
0x8a: {  	s1 =	srdreg.scid  }
0x8b: {  	s0 =	sand.u32 $0x1, s1  }
0x8c: {  	s14 =	sshll.u32 s0, $0xA;
	s2 =	sadd.s32 s3, s2  }
0x8d: {  	s2 =	sadd.s32 s2, s14  }
0x8e: {  	[smem:$0x3FC5] =	sst s2  }
0x8f: {  	_ = 	snop  }
0x90: {  	s2 =	sld [smem:$0x3FD0];
	_ =	sdelay $0x2  }
0x91: {  	s4 =	simm.s32 $0xA;
	s5 =	simm.s32 $0x10;
	s15 =	sld [smem:$0x3FC9]  }
0x92: {  	[smem:s5], [sflag:s4] =	dma.local [hbm:s2], $0x1  }
0x93: {  	_ =	swait.eq [sflag:s4], $0x1  }
0x94: {  	[sflag:s4] =	ssyncset.done $0x0  }
0x95: {  	[sflag:s4] =	ssyncadd.s32 $0xFFFFFFFF  }
0x96: {  	s16 =	sld [smem:$0x10];
	(tm) =	ssettm $0x1  }
0x97: {  	s17 =	sld [smem:$0x3FFB];
	_ =	sdelay $0x3  }
0x98: {  	_ =	strace s17  }
0x99: {  	s4 =	sld [smem:$0x3FFC];
	_ =	sdelay $0x3  }
0x9a: {  	_ =	strace s4  }
0x9b: {  	s4 =	sld [smem:$0x3FFD];
	_ =	sdelay $0x3  }
0x9c: {  	_ =	strace s4  }
0x9d: {  	_ =	strace $0x8FFFFFFF  }
0x9e: {  	s18 =	sld [smem:$0x3FDB];
	_ =	sdelay $0x1  }
0x9f: {  	s19 =	simm.s32 $_scs_section_size  }
0xa0: {  	s6 =	simm.s32 $_size__tile_overlayer_lowered;
	s7 =	simm.s32 $_tile_overlayer_lowered  }
0xa1: {  	s22 =	simm.s32 $0x1BFF;
	s21 =	sshll.u32 s7, $0x1;
	s4 =	sadd.s32 s19, s18  }
0xa2: {  	s8 =	simm.s32 $0x0;
	s20 =	sshll.u32 s6, $0x1;
	s6 =	sadd.s32 s21, s4  }
0xa3: {  	[timem:s8], [sflag:s22] =	dma.local [hbm:s6], s20  }
0xa4: {  	_ =	swait.ge [sflag:s22], s20  }
0xa5: {  	s5 =	ssub.s32 $0x0, s20;
	[sflag:s22] =	ssyncset.done $0x0  }
0xa6: {  	[sflag:s22] =	ssyncadd.s32 s5;
	_ =	sdelay $0x1  }
0xa7: {  	s23 =	simm.s32 $0x1B8B  }
0xa8: {  	_ =	swait.ge [sflag:s23], $0x1  }
0xa9: {  	[sflag:s23] =	ssyncset.done $0x0  }
0xaa: {  	s25 =	simm.s32 $0x1B8E;
	s24 =	sld [smem:$0x3FFE];
	[sflag:s23] =	ssyncadd.s32 $0xFFFFFFFF  }
0xab: {  	s26 =	simm.s32 $execute0_lowered;
	[smem:$0x3FD2] =	sst s25  }
0xac: {  	s6 =	sshll.u32 s26, $0x1;
	_ =	strace $0x80000046;
	[dreg:$0x1] =	wrdreg $0xFFFFFFFF  }
0xad: {  	s28 =	simm.s32 $_size_execute0_lowered;
	s4 =	sadd.s32 s4, s6;
	[dreg:$0x0] =	wrdreg $0x0  }
0xae: {  	s6 =	sshll.u32 s28, $0x1;
	[dreg:$0x2] =	wrdreg s4  }
0xaf: {  	[dreg:$0x3] =	wrdreg s6  }
0xb0: {  	[dreg:$0x4] =	wrdreg $0xC0  }
0xb1: {  	_ =	task [dreg:s8], $0x5FFFF  }
0xb2: {  	[dreg:$0x1] =	wrdreg $0xFFFFFFFF  }
0xb3: {  	[dreg:$0x0] =	wrdreg $0x60  }
0xb4: {  	[dreg:$0x2] =	wrdreg s15  }
0xb5: {  	[dreg:$0x3] =	wrdreg s16  }
0xb6: {  	[dreg:$0x4] =	wrdreg s24  }
0xb7: {  	[dreg:$0x5] =	wrdreg $0x9  }
0xb8: {  	_ =	task.clear_ibuf [dreg:s8], $0x6FFFF;
	_ =	strace $0x90000046  }
0xb9: {  	s29 =	simm.s32 $0x9;
	_ =	strace $0x80000048  }
0xba: {  	_ =	swait.ge [sflag:s29], $0x1  }
0xbb: {  	[sflag:s29] =	ssyncadd.s32 $0xFFFFFFFF  }
0xbc: {  	_ =	strace $0x90000048  }
0xbd: {  	_ =	sfence  }
0xbe: {  	s30 =	sld [smem:$0x0];
	_ =	sdelay $0x2  }
0xbf: {  	s31 =	sshll.u32 s1, $0xD;
	s1 =	sshrl.u32 s1, $0x2  }
0xc0: {  	s3 =	sand.u32 $0x4000, s31;
	s1 =	sadd.s32 s1, s30  }
0xc1: {  	s0 =	sor.u32 s3, s0;
	s1 =	sshll.u32 s1, $0x11  }
0xc2: {  	s0 =	sor.u32 s1, s0  }
0xc3: {  	s0 =	sadd.s32 $0x8F2B, s0  }
0xc4: {  	[sflag:s0] =	ssyncadd.remote.s32 $0x1  }
0xc5: {  	_ =	sfence.sel $0xFFFF  }
0xc6: {  	[dreg:$0x0] =	wrdreg $0xFFFFFFFF;
	(pc) =	sbr.abs _section_cstart, $3  }
0xc7: {  	[dreg:$0x1] =	wrdreg $0xFFFFFFFF  }
0xc8: {  	_ =	task.clear_ibuf [dreg:s8], $0x2FFFF;
	_ =	strace $0x9FFFFFFF  }
0xc9: {  	(tm) =	ssettm $0x7FFFFFFF  }
tec
execute0_lowered:
.L_overlay_start_1:
0x0: {  	(tag) =	ssettag $0x1  }
0x1: {  	s1 =	rddreg [dreg:$0x0]  }
0x2: {  	s0 =	rddreg [dreg:$0x1]  }
0x3: {  	s2 =	srdreg.scid;
	s25 =	stileid.u32  }
0x4: {  	s4 =	rddreg [dreg:$0x2];
	s3 =	simm.s32 $0x0;
	s10 =	simm.s32 $0x4  }
0x5: {  	s11 =	simm.s32 $0x80;
	s12 =	simm.s32 $0x1800;
	s13 =	simm.s32 $0x2000  }
0x6: {  	s15 =	simm.s32 $0x6000;
	s16 =	simm.s32 $0x1900;
	s17 =	simm.s32 $0xA000  }
0x7: {  	s18 =	simm.s32 $0x1980;
	s19 =	simm.s32 $0xE000;
	s20 =	simm.s32 $0x1A00  }
0x8: {  	s21 =	simm.s32 $0x12000;
	s22 =	simm.s32 $0x1A80;
	s23 =	simm.s32 $0x16000  }
0x9: {  	v0 =	vlaneseq.u32;
	s24 =	simm.s32 $0x1;
	s28 =	simm.s32 $0x1A000;
	s29 =	simm.s32 $0x2  }
0xa: {  	s30 =	simm.s32 $0x1C00;
	s31 =	simm.s32 $0x1C80;
	[dreg:$0x4] =	wrdreg s0;
	v0 =	vmul.u32 $0x80, v0  }
0xb: {  	s2 =	sand.u32 $0x1, s2;
	s5 =	sshll.u32 s25, $0x1;
	[smem:$0x7FF] =	sst s3  }
0xc: {  	s25 =	simm.s32 $0x1B00;
	s5 =	sor.u32 s2, s5;
	s2 =	ssub.s32 $0x2, s2;
	v2 =	vor.u32 $0x4000, v0  }
0xd: {  	_ =	strace $0x80000047;
	s6 =	sshll.u32 s5, $0x4;
	s26 =	sshrl.u32 s2, $0x1;
	v3 =	vor.u32 $0x800, v0;
	v4 =	vor.u32 $0x4800, v0;
	v5 =	vor.u32 $0x1000, v0  }
0xe: {  	s14 =	sshll.u32 s5, $0xD;
	v6 =	vor.u32 $0x5000, v0;
	v7 =	vor.u32 $0x1800, v0;
	v8 =	vor.u32 $0x5800, v0;
	s8 =	sadd.s32 s6, s4;
	s2 =	ssub.s32 s2, s26  }
0xf: {  	v9 =	vor.u32 $0x2000, v0;
	v10 =	vor.u32 $0x6000, v0;
	v1 =	vmov s14;
	s14 =	simm.s32 $0x1880;
	s26 =	simm.s32 $0x1B80;
	s4 =	sadd.s32 $0xA00, s8  }
0x10: {  	v11 =	vor.u32 $0x2800, v0;
	v12 =	vor.u32 $0x6800, v0;
	v13 =	vor.u32 $0x3000, v0;
	s5 =	sadd.s32 $0xC00, s8;
	s6 =	sadd.s32 $0xE00, s8;
	s7 =	sadd.s32 $0x1000, s8  }
0x11: {  	v14 =	vor.u32 $0x7000, v0;
	v15 =	vor.u32 $0x3800, v0;
	v16 =	vor.u32 $0x7800, v0;
	s8 =	sadd.s32 $0x1200, s8;
	s9 =	smax.u32 s2, $0x1;
	s2 =	simm.s32 $0x3  }
.LBB2_1:
0x12: {  	s0 =	rddreg [dreg:$0x4]  }
0x13: {  	[tilespmem:s3], [sflag:$0x4] =	stream.linear.gather [hbm4b:s0+s3], $0x1800, $0x38;
	[tilespmem:$0x1A080] =	vst v63  }
0x14: {  	_ =	swait.ge [sflag:s10], $0x1800  }
0x15: {  	[sflag:s10] =	ssyncset.done $0x0  }
0x16: {  	[sflag:s10] =	ssyncadd.s32 $0xFFFFE800  }
0x17: {  	v17 =	vld [tilespmem:$0x0]  }
0x18: {  	v18 =	vld [tilespmem:$0x10]  }
0x19: {  	v19 =	vld [tilespmem:$0x20]  }
0x1a: {  	v20 =	vld [tilespmem:$0x30]  }
0x1b: {  	v21 =	vld [tilespmem:$0x40]  }
0x1c: {  	v22 =	vld [tilespmem:$0x50];
	v17 =	vadd.s32 v1, v17  }
0x1d: {  	[tilespmem:$0x1800] =	vst v17;
	v17 =	vadd.s32 v1, v18;
	v18 =	vld [tilespmem:$0x60]  }
0x1e: {  	[tilespmem:$0x1810] =	vst v17;
	v17 =	vadd.s32 v1, v19;
	v19 =	vld [tilespmem:$0x70]  }
0x1f: {  	v30 =	vld [tilespmem:$0x80];
	[tilespmem:$0x1820] =	vst v17;
	v17 =	vadd.s32 v1, v20  }
0x20: {  	v31 =	vld [tilespmem:$0x90];
	[tilespmem:$0x1830] =	vst v17;
	v17 =	vadd.s32 v1, v21  }
0x21: {  	v32 =	vld [tilespmem:$0xA0];
	[tilespmem:$0x1840] =	vst v17;
	v17 =	vadd.s32 v1, v22  }
0x22: {  	[tilespmem:$0x1850] =	vst v17;
	v17 =	vadd.s32 v1, v18;
	v18 =	vld [tilespmem:$0xB0]  }
0x23: {  	[tilespmem:$0x1860] =	vst v17;
	v17 =	vadd.s32 v1, v19;
	v19 =	vld [tilespmem:$0xC0]  }
0x24: {  	v33 =	vld [tilespmem:$0xD0];
	[tilespmem:$0x1870] =	vst v17;
	v17 =	vadd.s32 v1, v30  }
0x25: {  	v34 =	vld [tilespmem:$0xE0];
	[tilespmem:$0x1880] =	vst v17;
	v17 =	vadd.s32 v1, v31  }
0x26: {  	v35 =	vld [tilespmem:$0xF0];
	[tilespmem:$0x1890] =	vst v17;
	v17 =	vadd.s32 v1, v32  }
0x27: {  	[tilespmem:$0x18A0] =	vst v17;
	v17 =	vadd.s32 v1, v18;
	v18 =	vld [tilespmem:$0x100]  }
0x28: {  	[tilespmem:$0x18B0] =	vst v17;
	v17 =	vadd.s32 v1, v19;
	v19 =	vld [tilespmem:$0x110]  }
0x29: {  	v36 =	vld [tilespmem:$0x120];
	[tilespmem:$0x18C0] =	vst v17;
	v17 =	vadd.s32 v1, v33  }
0x2a: {  	v37 =	vld [tilespmem:$0x130];
	[tilespmem:$0x18D0] =	vst v17;
	v17 =	vadd.s32 v1, v34  }
0x2b: {  	v38 =	vld [tilespmem:$0x140];
	[tilespmem:$0x18E0] =	vst v17;
	v17 =	vadd.s32 v1, v35  }
0x2c: {  	[tilespmem:$0x18F0] =	vst v17;
	v17 =	vadd.s32 v1, v18;
	v18 =	vld [tilespmem:$0x150]  }
0x2d: {  	[tilespmem:$0x1900] =	vst v17;
	v17 =	vadd.s32 v1, v19;
	v19 =	vld [tilespmem:$0x160]  }
0x2e: {  	v39 =	vld [tilespmem:$0x170];
	[tilespmem:$0x1910] =	vst v17;
	v17 =	vadd.s32 v1, v36  }
0x2f: {  	v40 =	vld [tilespmem:$0x180];
	[tilespmem:$0x1920] =	vst v17;
	v17 =	vadd.s32 v1, v37  }
0x30: {  	v41 =	vld [tilespmem:$0x190];
	[tilespmem:$0x1930] =	vst v17;
	v17 =	vadd.s32 v1, v38  }
0x31: {  	[tilespmem:$0x1940] =	vst v17;
	v17 =	vadd.s32 v1, v18;
	v18 =	vld [tilespmem:$0x1A0]  }
0x32: {  	[tilespmem:$0x1950] =	vst v17;
	v17 =	vadd.s32 v1, v19;
	v19 =	vld [tilespmem:$0x1B0]  }
0x33: {  	v42 =	vld [tilespmem:$0x1C0];
	[tilespmem:$0x1960] =	vst v17;
	v17 =	vadd.s32 v1, v39  }
0x34: {  	v43 =	vld [tilespmem:$0x1D0];
	[tilespmem:$0x1970] =	vst v17;
	v17 =	vadd.s32 v1, v40  }
0x35: {  	v44 =	vld [tilespmem:$0x1E0];
	[tilespmem:$0x1980] =	vst v17;
	v17 =	vadd.s32 v1, v41  }
0x36: {  	[tilespmem:$0x1990] =	vst v17;
	v17 =	vadd.s32 v1, v18;
	v18 =	vld [tilespmem:$0x1F0]  }
0x37: {  	[tilespmem:$0x19A0] =	vst v17;
	v17 =	vadd.s32 v1, v19;
	v19 =	vld [tilespmem:$0x200]  }
0x38: {  	v45 =	vld [tilespmem:$0x210];
	[tilespmem:$0x19B0] =	vst v17;
	v17 =	vadd.s32 v1, v42  }
0x39: {  	v46 =	vld [tilespmem:$0x220];
	[tilespmem:$0x19C0] =	vst v17;
	v17 =	vadd.s32 v1, v43  }
0x3a: {  	v47 =	vld [tilespmem:$0x230];
	[tilespmem:$0x19D0] =	vst v17;
	v17 =	vadd.s32 v1, v44  }
0x3b: {  	[tilespmem:$0x19E0] =	vst v17;
	v17 =	vadd.s32 v1, v18;
	v18 =	vld [tilespmem:$0x240]  }
0x3c: {  	[tilespmem:$0x19F0] =	vst v17;
	v17 =	vadd.s32 v1, v19;
	v19 =	vld [tilespmem:$0x250]  }
0x3d: {  	v48 =	vld [tilespmem:$0x260];
	[tilespmem:$0x1A00] =	vst v17;
	v17 =	vadd.s32 v1, v45  }
0x3e: {  	v49 =	vld [tilespmem:$0x270];
	[tilespmem:$0x1A10] =	vst v17;
	v17 =	vadd.s32 v1, v46  }
0x3f: {  	v50 =	vld [tilespmem:$0x280];
	[tilespmem:$0x1A20] =	vst v17;
	v17 =	vadd.s32 v1, v47  }
0x40: {  	[tilespmem:$0x1A30] =	vst v17;
	v17 =	vadd.s32 v1, v18;
	v18 =	vld [tilespmem:$0x290]  }
0x41: {  	[tilespmem:$0x1A40] =	vst v17;
	v17 =	vadd.s32 v1, v19;
	v19 =	vld [tilespmem:$0x2A0]  }
0x42: {  	v51 =	vld [tilespmem:$0x2B0];
	[tilespmem:$0x1A50] =	vst v17;
	v17 =	vadd.s32 v1, v48  }
0x43: {  	v52 =	vld [tilespmem:$0x2C0];
	[tilespmem:$0x1A60] =	vst v17;
	v17 =	vadd.s32 v1, v49  }
0x44: {  	v53 =	vld [tilespmem:$0x2D0];
	[tilespmem:$0x1A70] =	vst v17;
	v17 =	vadd.s32 v1, v50  }
0x45: {  	[tilespmem:$0x1A80] =	vst v17;
	v17 =	vadd.s32 v1, v18;
	v18 =	vld [tilespmem:$0x2E0]  }
0x46: {  	[tilespmem:$0x1A90] =	vst v17;
	v17 =	vadd.s32 v1, v19;
	v19 =	vld [tilespmem:$0x2F0]  }
0x47: {  	v54 =	vld [tilespmem:$0x300];
	[tilespmem:$0x1AA0] =	vst v17;
	v17 =	vadd.s32 v1, v51  }
0x48: {  	v55 =	vld [tilespmem:$0x310];
	[tilespmem:$0x1AB0] =	vst v17;
	v17 =	vadd.s32 v1, v52  }
0x49: {  	v56 =	vld [tilespmem:$0x320];
	[tilespmem:$0x1AC0] =	vst v17;
	v17 =	vadd.s32 v1, v53  }
0x4a: {  	[tilespmem:$0x1AD0] =	vst v17;
	v17 =	vadd.s32 v1, v18;
	v18 =	vld [tilespmem:$0x330]  }
0x4b: {  	[tilespmem:$0x1AE0] =	vst v17;
	v17 =	vadd.s32 v1, v19;
	v19 =	vld [tilespmem:$0x340]  }
0x4c: {  	v57 =	vld [tilespmem:$0x350];
	[tilespmem:$0x1AF0] =	vst v17;
	v17 =	vadd.s32 v1, v54  }
0x4d: {  	v58 =	vld [tilespmem:$0x360];
	[tilespmem:$0x1B00] =	vst v17;
	v17 =	vadd.s32 v1, v55  }
0x4e: {  	v59 =	vld [tilespmem:$0x370];
	[tilespmem:$0x1B10] =	vst v17;
	v17 =	vadd.s32 v1, v56  }
0x4f: {  	[tilespmem:$0x1B20] =	vst v17;
	v17 =	vadd.s32 v1, v18;
	v18 =	vld [tilespmem:$0x380]  }
0x50: {  	[tilespmem:$0x1B30] =	vst v17;
	v17 =	vadd.s32 v1, v19;
	v19 =	vld [tilespmem:$0x390]  }
0x51: {  	v60 =	vld [tilespmem:$0x3A0];
	[tilespmem:$0x1B40] =	vst v17;
	v17 =	vadd.s32 v1, v57  }
0x52: {  	v61 =	vld [tilespmem:$0x3B0];
	[tilespmem:$0x1B50] =	vst v17;
	v17 =	vadd.s32 v1, v58  }
0x53: {  	v62 =	vld [tilespmem:$0x3C0];
	[tilespmem:$0x1B60] =	vst v17;
	v17 =	vadd.s32 v1, v59  }
0x54: {  	[tilespmem:$0x1B70] =	vst v17;
	v17 =	vadd.s32 v1, v18;
	v18 =	vld [tilespmem:$0x3D0]  }
0x55: {  	[tilespmem:$0x1B80] =	vst v17;
	v17 =	vadd.s32 v1, v19;
	v19 =	vld [tilespmem:$0x3E0]  }
0x56: {  	v63 =	vld [tilespmem:$0x3F0];
	[tilespmem:$0x1B90] =	vst v17;
	v17 =	vadd.s32 v1, v60  }
0x57: {  	v24 =	vld [tilespmem:$0x400];
	[tilespmem:$0x1BA0] =	vst v17;
	v17 =	vadd.s32 v1, v61  }
0x58: {  	v25 =	vld [tilespmem:$0x410];
	[tilespmem:$0x1BB0] =	vst v17;
	v17 =	vadd.s32 v1, v62  }
0x59: {  	[tilespmem:$0x1BC0] =	vst v17;
	v17 =	vadd.s32 v1, v18;
	v18 =	vld [tilespmem:$0x420]  }
0x5a: {  	[tilespmem:$0x1BD0] =	vst v17;
	v17 =	vadd.s32 v1, v19;
	v19 =	vld [tilespmem:$0x430]  }
0x5b: {  	v26 =	vld [tilespmem:$0x440];
	[tilespmem:$0x1BE0] =	vst v17;
	v17 =	vadd.s32 v1, v63  }
0x5c: {  	v27 =	vld [tilespmem:$0x450];
	[tilespmem:$0x1BF0] =	vst v17;
	v17 =	vadd.s32 v1, v24  }
0x5d: {  	v28 =	vld [tilespmem:$0x460];
	[tilespmem:$0x1C00] =	vst v17;
	v17 =	vadd.s32 v1, v25  }
0x5e: {  	[tilespmem:$0x1C10] =	vst v17;
	v17 =	vadd.s32 v1, v18;
	v18 =	vld [tilespmem:$0x470]  }
0x5f: {  	[tilespmem:$0x1C20] =	vst v17;
	v17 =	vadd.s32 v1, v19;
	v19 =	vld [tilespmem:$0x480]  }
0x60: {  	v29 =	vld [tilespmem:$0x490];
	[tilespmem:$0x1C30] =	vst v17;
	v17 =	vadd.s32 v1, v26  }
0x61: {  	v30 =	vld [tilespmem:$0x4A0];
	[tilespmem:$0x1C40] =	vst v17;
	v17 =	vadd.s32 v1, v27  }
0x62: {  	v31 =	vld [tilespmem:$0x4B0];
	[tilespmem:$0x1C50] =	vst v17;
	v17 =	vadd.s32 v1, v28  }
0x63: {  	[tilespmem:$0x1C60] =	vst v17;
	v17 =	vadd.s32 v1, v18;
	v18 =	vld [tilespmem:$0x4C0]  }
0x64: {  	[tilespmem:$0x1C70] =	vst v17;
	v17 =	vadd.s32 v1, v19;
	v19 =	vld [tilespmem:$0x4D0]  }
0x65: {  	v32 =	vld [tilespmem:$0x4E0];
	[tilespmem:$0x1C80] =	vst v17;
	v17 =	vadd.s32 v1, v29  }
0x66: {  	v33 =	vld [tilespmem:$0x4F0];
	[tilespmem:$0x1C90] =	vst v17;
	v17 =	vadd.s32 v1, v30  }
0x67: {  	[tilespmem:$0x1CA0] =	vst v17;
	v17 =	vadd.s32 v1, v31  }
0x68: {  	[tilespmem:$0x1CB0] =	vst v17;
	v17 =	vadd.s32 v1, v18  }
0x69: {  	[tilespmem:$0x1CC0] =	vst v17;
	v17 =	vadd.s32 v1, v19  }
0x6a: {  	[tilespmem:$0x1CD0] =	vst v17;
	v17 =	vadd.s32 v1, v32  }
0x6b: {  	[tilespmem:$0x1CE0] =	vst v17;
	v17 =	vadd.s32 v1, v33  }
0x6c: {  	[tilespmem:$0x1CF0] =	vst v17  }
0x6d: {  	[tilespmem:s13], [sflag:$0x1] =	stream.indirect.gather [hbm4b:s1+s11], $0x80, s12, s11, $0xb8;
	[tilespmem:$0x1A080] =	vst v63  }
0x6e: {  	_ = 	snop  }
0x6f: {  	[tilespmem:s15], [sflag:$0x1] =	stream.indirect.gather [hbm4b:s1+s11], $0x80, s14, s11, $0xb8;
	[tilespmem:$0x1A080] =	vst v63  }
0x70: {  	_ = 	snop  }
0x71: {  	[tilespmem:s17], [sflag:$0x2] =	stream.indirect.gather [hbm4b:s1+s11], $0x80, s16, s11, $0xb8;
	[tilespmem:$0x1A080] =	vst v63  }
0x72: {  	_ = 	snop  }
0x73: {  	[tilespmem:s19], [sflag:$0x2] =	stream.indirect.gather [hbm4b:s1+s11], $0x80, s18, s11, $0xb8;
	[tilespmem:$0x1A080] =	vst v63  }
0x74: {  	_ = 	snop  }
0x75: {  	[tilespmem:s21], [sflag:$0x3] =	stream.indirect.gather [hbm4b:s1+s11], $0x80, s20, s11, $0xb8;
	[tilespmem:$0x1A080] =	vst v63  }
0x76: {  	_ = 	snop  }
0x77: {  	[tilespmem:s23], [sflag:$0x3] =	stream.indirect.gather [hbm4b:s1+s11], $0x80, s22, s11, $0xb8;
	[tilespmem:$0x1A080] =	vst v63  }
0x78: {  	_ =	swait.ge [sflag:s24], $0x4000  }
0x79: {  	[sflag:s24] =	ssyncset.done $0x0  }
0x7a: {  	[sflag:s24] =	ssyncadd.s32 $0xFFFFC000  }
0x7b: {  	_ =	swait.ge [sflag:s24], $0x4000  }
0x7c: {  	[sflag:s24] =	ssyncset.done $0x0  }
0x7d: {  	[sflag:s24] =	ssyncadd.s32 $0xFFFFC000  }
0x7e: {  	v17 =	vld [tilespmem:$0x800]  }
0x7f: {  	v18 =	vld [tilespmem:$0x880];
	_ =	sdelay $0x3  }
0x80: {  	v19 =	vadd.s32 v0, v17  }
0x81: {  	v34 =	vadd.s32 v2, v18;
	_ =	sdelay $0x1  }
0x82: {  	v35 =	vld [tilespmem:$0x1000]  }
0x83: {  	v36 =	vld [tilespmem:$0x1080]  }
0x84: {  	v19 =	vld.idx.msk [tilespmem:v19+s13+$0x0], $0xffff  }
0x85: {  	v20 =	vld.idx.msk [tilespmem:v34+s13+$0x0], $0xffff;
	_ =	sdelay $0x4  }
0x86: {  	v23 =	vadd.s32 v3, v17;
	v19 =	vmul.f32 v19, v35;
	v20 =	vmul.f32 v20, v36  }
0x87: {  	v24 =	vadd.s32 v4, v18  }
0x88: {  	v19 =	vadd.f32 v20, v19;
	_ =	sdelay $0x1  }
0x89: {  	[tilespmem:$0x1A000] =	vst v19  }
0x8a: {  	v19 =	vld.idx.msk [tilespmem:v23+s13+$0x0], $0xffff  }
0x8b: {  	v37 =	vld.idx.msk [tilespmem:v24+s13+$0x0], $0xffff;
	_ =	sdelay $0x4  }
0x8c: {  	v38 =	vadd.s32 v5, v17;
	v19 =	vmul.f32 v19, v35;
	v20 =	vmul.f32 v37, v36  }
0x8d: {  	v39 =	vadd.s32 v6, v18  }
0x8e: {  	v19 =	vadd.f32 v20, v19;
	_ =	sdelay $0x1  }
0x8f: {  	[tilespmem:$0x1A010] =	vst v19  }
0x90: {  	v19 =	vld.idx.msk [tilespmem:v38+s13+$0x0], $0xffff  }
0x91: {  	v40 =	vld.idx.msk [tilespmem:v39+s13+$0x0], $0xffff;
	_ =	sdelay $0x4  }
0x92: {  	v41 =	vadd.s32 v7, v17;
	v19 =	vmul.f32 v19, v35;
	v20 =	vmul.f32 v40, v36  }
0x93: {  	v42 =	vadd.s32 v8, v18  }
0x94: {  	v19 =	vadd.f32 v20, v19;
	_ =	sdelay $0x1  }
0x95: {  	[tilespmem:$0x1A020] =	vst v19  }
0x96: {  	v19 =	vld.idx.msk [tilespmem:v41+s13+$0x0], $0xffff  }
0x97: {  	v43 =	vld.idx.msk [tilespmem:v42+s13+$0x0], $0xffff;
	_ =	sdelay $0x4  }
0x98: {  	v44 =	vadd.s32 v9, v17;
	v19 =	vmul.f32 v19, v35;
	v20 =	vmul.f32 v43, v36  }
0x99: {  	v45 =	vadd.s32 v10, v18  }
0x9a: {  	v19 =	vadd.f32 v20, v19;
	_ =	sdelay $0x1  }
0x9b: {  	[tilespmem:$0x1A030] =	vst v19  }
0x9c: {  	v19 =	vld.idx.msk [tilespmem:v44+s13+$0x0], $0xffff  }
0x9d: {  	v46 =	vld.idx.msk [tilespmem:v45+s13+$0x0], $0xffff;
	_ =	sdelay $0x4  }
0x9e: {  	v47 =	vadd.s32 v11, v17;
	v19 =	vmul.f32 v19, v35;
	v20 =	vmul.f32 v46, v36  }
0x9f: {  	v48 =	vadd.s32 v12, v18  }
0xa0: {  	v19 =	vadd.f32 v20, v19;
	_ =	sdelay $0x1  }
0xa1: {  	[tilespmem:$0x1A040] =	vst v19  }
0xa2: {  	v19 =	vld.idx.msk [tilespmem:v47+s13+$0x0], $0xffff  }
0xa3: {  	v49 =	vld.idx.msk [tilespmem:v48+s13+$0x0], $0xffff;
	_ =	sdelay $0x4  }
0xa4: {  	v50 =	vadd.s32 v13, v17;
	v19 =	vmul.f32 v19, v35;
	v20 =	vmul.f32 v49, v36  }
0xa5: {  	v51 =	vadd.s32 v14, v18  }
0xa6: {  	v19 =	vadd.f32 v20, v19;
	_ =	sdelay $0x1  }
0xa7: {  	[tilespmem:$0x1A050] =	vst v19  }
0xa8: {  	v19 =	vld.idx.msk [tilespmem:v50+s13+$0x0], $0xffff  }
0xa9: {  	v52 =	vld.idx.msk [tilespmem:v51+s13+$0x0], $0xffff;
	_ =	sdelay $0x4  }
0xaa: {  	v17 =	vadd.s32 v15, v17;
	v19 =	vmul.f32 v19, v35;
	v20 =	vmul.f32 v52, v36  }
0xab: {  	v18 =	vadd.s32 v16, v18  }
0xac: {  	v19 =	vadd.f32 v20, v19;
	_ =	sdelay $0x1  }
0xad: {  	[tilespmem:$0x1A060] =	vst v19  }
0xae: {  	v17 =	vld.idx.msk [tilespmem:v17+s13+$0x0], $0xffff  }
0xaf: {  	v18 =	vld.idx.msk [tilespmem:v18+s13+$0x0], $0xffff;
	_ =	sdelay $0x4  }
0xb0: {  	v17 =	vmul.f32 v17, v35;
	v18 =	vmul.f32 v18, v36;
	_ =	sdelay $0x1  }
0xb1: {  	v17 =	vadd.f32 v18, v17;
	_ =	sdelay $0x1  }
0xb2: {  	[tilespmem:$0x1A070] =	vst v17  }
0xb3: {  	[tilespmem:s13], [sflag:$0x1] =	stream.indirect.gather [hbm4b:s1+s11], $0x80, s25, s11, $0xb8;
	[tilespmem:$0x1A080] =	vst v63  }
0xb4: {  	_ = 	snop  }
0xb5: {  	[tilespmem:s15], [sflag:$0x1] =	stream.indirect.gather [hbm4b:s1+s11], $0x80, s26, s11, $0xb8;
	[tilespmem:$0x1A080] =	vst v63  }
0xb6: {  	_ = 	snop  }
0xb7: {  	[hbm4b:s4+s3] =	stream.linear.scatter [tilespmem:s28], [sflag:$0x4], $0x80, $0x38;
	[tilespmem:$0x1A080] =	vst v63  }
0xb8: {  	_ =	swait.ge [sflag:s10], $0x80  }
0xb9: {  	[sflag:s10] =	ssyncset.done $0x0  }
0xba: {  	[sflag:s10] =	ssyncadd.s32 $0xFFFFFF80  }
0xbb: {  	_ =	swait.ge [sflag:s29], $0x4000  }
0xbc: {  	[sflag:s29] =	ssyncset.done $0x0  }
0xbd: {  	[sflag:s29] =	ssyncadd.s32 $0xFFFFC000  }
0xbe: {  	_ =	swait.ge [sflag:s29], $0x4000  }
0xbf: {  	[sflag:s29] =	ssyncset.done $0x0  }
0xc0: {  	[sflag:s29] =	ssyncadd.s32 $0xFFFFC000  }
0xc1: {  	v17 =	vld [tilespmem:$0x900]  }
0xc2: {  	v18 =	vld [tilespmem:$0x980];
	_ =	sdelay $0x3  }
0xc3: {  	v19 =	vadd.s32 v0, v17  }
0xc4: {  	v53 =	vadd.s32 v2, v18;
	_ =	sdelay $0x1  }
0xc5: {  	v54 =	vld [tilespmem:$0x1100]  }
0xc6: {  	v55 =	vld [tilespmem:$0x1180]  }
0xc7: {  	v19 =	vld.idx.msk [tilespmem:v19+s17+$0x0], $0xffff  }
0xc8: {  	v20 =	vld.idx.msk [tilespmem:v53+s17+$0x0], $0xffff;
	_ =	sdelay $0x4  }
0xc9: {  	v56 =	vadd.s32 v3, v17;
	v19 =	vmul.f32 v19, v54;
	v20 =	vmul.f32 v20, v55  }
0xca: {  	v57 =	vadd.s32 v4, v18  }
0xcb: {  	v19 =	vadd.f32 v20, v19;
	_ =	sdelay $0x1  }
0xcc: {  	[tilespmem:$0x1A000] =	vst v19  }
0xcd: {  	v19 =	vld.idx.msk [tilespmem:v56+s17+$0x0], $0xffff  }
0xce: {  	v58 =	vld.idx.msk [tilespmem:v57+s17+$0x0], $0xffff;
	_ =	sdelay $0x4  }
0xcf: {  	v59 =	vadd.s32 v5, v17;
	v19 =	vmul.f32 v19, v54;
	v20 =	vmul.f32 v58, v55  }
0xd0: {  	v60 =	vadd.s32 v6, v18  }
0xd1: {  	v19 =	vadd.f32 v20, v19;
	_ =	sdelay $0x1  }
0xd2: {  	[tilespmem:$0x1A010] =	vst v19  }
0xd3: {  	v19 =	vld.idx.msk [tilespmem:v59+s17+$0x0], $0xffff  }
0xd4: {  	v61 =	vld.idx.msk [tilespmem:v60+s17+$0x0], $0xffff;
	_ =	sdelay $0x4  }
0xd5: {  	v62 =	vadd.s32 v7, v17;
	v19 =	vmul.f32 v19, v54;
	v20 =	vmul.f32 v61, v55  }
0xd6: {  	v63 =	vadd.s32 v8, v18  }
0xd7: {  	v19 =	vadd.f32 v20, v19;
	_ =	sdelay $0x1  }
0xd8: {  	[tilespmem:$0x1A020] =	vst v19  }
0xd9: {  	v19 =	vld.idx.msk [tilespmem:v62+s17+$0x0], $0xffff  }
0xda: {  	v28 =	vld.idx.msk [tilespmem:v63+s17+$0x0], $0xffff;
	_ =	sdelay $0x4  }
0xdb: {  	v29 =	vadd.s32 v9, v17;
	v19 =	vmul.f32 v19, v54;
	v20 =	vmul.f32 v28, v55  }
0xdc: {  	v30 =	vadd.s32 v10, v18  }
0xdd: {  	v19 =	vadd.f32 v20, v19;
	_ =	sdelay $0x1  }
0xde: {  	[tilespmem:$0x1A030] =	vst v19  }
0xdf: {  	v19 =	vld.idx.msk [tilespmem:v29+s17+$0x0], $0xffff  }
0xe0: {  	v31 =	vld.idx.msk [tilespmem:v30+s17+$0x0], $0xffff;
	_ =	sdelay $0x4  }
0xe1: {  	v32 =	vadd.s32 v11, v17;
	v19 =	vmul.f32 v19, v54;
	v20 =	vmul.f32 v31, v55  }
0xe2: {  	v33 =	vadd.s32 v12, v18  }
0xe3: {  	v19 =	vadd.f32 v20, v19;
	_ =	sdelay $0x1  }
0xe4: {  	[tilespmem:$0x1A040] =	vst v19  }
0xe5: {  	v19 =	vld.idx.msk [tilespmem:v32+s17+$0x0], $0xffff  }
0xe6: {  	v34 =	vld.idx.msk [tilespmem:v33+s17+$0x0], $0xffff;
	_ =	sdelay $0x4  }
0xe7: {  	v35 =	vadd.s32 v13, v17;
	v19 =	vmul.f32 v19, v54;
	v20 =	vmul.f32 v34, v55  }
0xe8: {  	v36 =	vadd.s32 v14, v18  }
0xe9: {  	v19 =	vadd.f32 v20, v19;
	_ =	sdelay $0x1  }
0xea: {  	[tilespmem:$0x1A050] =	vst v19  }
0xeb: {  	v19 =	vld.idx.msk [tilespmem:v35+s17+$0x0], $0xffff  }
0xec: {  	v37 =	vld.idx.msk [tilespmem:v36+s17+$0x0], $0xffff;
	_ =	sdelay $0x4  }
0xed: {  	v17 =	vadd.s32 v15, v17;
	v19 =	vmul.f32 v19, v54;
	v20 =	vmul.f32 v37, v55  }
0xee: {  	v18 =	vadd.s32 v16, v18  }
0xef: {  	v19 =	vadd.f32 v20, v19;
	_ =	sdelay $0x1  }
0xf0: {  	[tilespmem:$0x1A060] =	vst v19  }
0xf1: {  	v17 =	vld.idx.msk [tilespmem:v17+s17+$0x0], $0xffff  }
0xf2: {  	v18 =	vld.idx.msk [tilespmem:v18+s17+$0x0], $0xffff;
	_ =	sdelay $0x4  }
0xf3: {  	v17 =	vmul.f32 v17, v54;
	v18 =	vmul.f32 v18, v55;
	_ =	sdelay $0x1  }
0xf4: {  	v17 =	vadd.f32 v18, v17;
	_ =	sdelay $0x1  }
0xf5: {  	[tilespmem:$0x1A070] =	vst v17  }
0xf6: {  	[tilespmem:s17], [sflag:$0x2] =	stream.indirect.gather [hbm4b:s1+s11], $0x80, s30, s11, $0xb8;
	[tilespmem:$0x1A080] =	vst v63  }
0xf7: {  	_ = 	snop  }
0xf8: {  	[tilespmem:s19], [sflag:$0x2] =	stream.indirect.gather [hbm4b:s1+s11], $0x80, s31, s11, $0xb8;
	[tilespmem:$0x1A080] =	vst v63  }
0xf9: {  	_ = 	snop  }
0xfa: {  	[hbm4b:s5+s3] =	stream.linear.scatter [tilespmem:s28], [sflag:$0x4], $0x80, $0x38;
	[tilespmem:$0x1A080] =	vst v63  }
0xfb: {  	_ =	swait.ge [sflag:s10], $0x80  }
0xfc: {  	[sflag:s10] =	ssyncset.done $0x0  }
0xfd: {  	[sflag:s10] =	ssyncadd.s32 $0xFFFFFF80  }
0xfe: {  	_ =	swait.ge [sflag:s2], $0x4000  }
0xff: {  	[sflag:s2] =	ssyncset.done $0x0  }
0x100: {  	[sflag:s2] =	ssyncadd.s32 $0xFFFFC000  }
0x101: {  	_ =	swait.ge [sflag:s2], $0x4000  }
0x102: {  	[sflag:s2] =	ssyncset.done $0x0  }
0x103: {  	[sflag:s2] =	ssyncadd.s32 $0xFFFFC000  }
0x104: {  	v17 =	vld [tilespmem:$0xA00]  }
0x105: {  	v18 =	vld [tilespmem:$0xA80];
	_ =	sdelay $0x3  }
0x106: {  	v19 =	vadd.s32 v0, v17  }
0x107: {  	v38 =	vadd.s32 v2, v18;
	_ =	sdelay $0x1  }
0x108: {  	v39 =	vld [tilespmem:$0x1200]  }
0x109: {  	v40 =	vld [tilespmem:$0x1280]  }
0x10a: {  	v19 =	vld.idx.msk [tilespmem:v19+s21+$0x0], $0xffff  }
0x10b: {  	v20 =	vld.idx.msk [tilespmem:v38+s21+$0x0], $0xffff;
	_ =	sdelay $0x4  }
0x10c: {  	v41 =	vadd.s32 v3, v17;
	v19 =	vmul.f32 v19, v39;
	v20 =	vmul.f32 v20, v40  }
0x10d: {  	v42 =	vadd.s32 v4, v18  }
0x10e: {  	v19 =	vadd.f32 v20, v19;
	_ =	sdelay $0x1  }
0x10f: {  	[tilespmem:$0x1A000] =	vst v19  }
0x110: {  	v19 =	vld.idx.msk [tilespmem:v41+s21+$0x0], $0xffff  }
0x111: {  	v43 =	vld.idx.msk [tilespmem:v42+s21+$0x0], $0xffff;
	_ =	sdelay $0x4  }
0x112: {  	v44 =	vadd.s32 v5, v17;
	v19 =	vmul.f32 v19, v39;
	v20 =	vmul.f32 v43, v40  }
0x113: {  	v45 =	vadd.s32 v6, v18  }
0x114: {  	v19 =	vadd.f32 v20, v19;
	_ =	sdelay $0x1  }
0x115: {  	[tilespmem:$0x1A010] =	vst v19  }
0x116: {  	v19 =	vld.idx.msk [tilespmem:v44+s21+$0x0], $0xffff  }
0x117: {  	v46 =	vld.idx.msk [tilespmem:v45+s21+$0x0], $0xffff;
	_ =	sdelay $0x4  }
0x118: {  	v47 =	vadd.s32 v7, v17;
	v19 =	vmul.f32 v19, v39;
	v20 =	vmul.f32 v46, v40  }
0x119: {  	v48 =	vadd.s32 v8, v18  }
0x11a: {  	v19 =	vadd.f32 v20, v19;
	_ =	sdelay $0x1  }
0x11b: {  	[tilespmem:$0x1A020] =	vst v19  }
0x11c: {  	v19 =	vld.idx.msk [tilespmem:v47+s21+$0x0], $0xffff  }
0x11d: {  	v49 =	vld.idx.msk [tilespmem:v48+s21+$0x0], $0xffff;
	_ =	sdelay $0x4  }
0x11e: {  	v50 =	vadd.s32 v9, v17;
	v19 =	vmul.f32 v19, v39;
	v20 =	vmul.f32 v49, v40  }
0x11f: {  	v51 =	vadd.s32 v10, v18  }
0x120: {  	v19 =	vadd.f32 v20, v19;
	_ =	sdelay $0x1  }
0x121: {  	[tilespmem:$0x1A030] =	vst v19  }
0x122: {  	v19 =	vld.idx.msk [tilespmem:v50+s21+$0x0], $0xffff  }
0x123: {  	v52 =	vld.idx.msk [tilespmem:v51+s21+$0x0], $0xffff;
	_ =	sdelay $0x4  }
0x124: {  	v53 =	vadd.s32 v11, v17;
	v19 =	vmul.f32 v19, v39;
	v20 =	vmul.f32 v52, v40  }
0x125: {  	v54 =	vadd.s32 v12, v18  }
0x126: {  	v19 =	vadd.f32 v20, v19;
	_ =	sdelay $0x1  }
0x127: {  	[tilespmem:$0x1A040] =	vst v19  }
0x128: {  	v19 =	vld.idx.msk [tilespmem:v53+s21+$0x0], $0xffff  }
0x129: {  	v55 =	vld.idx.msk [tilespmem:v54+s21+$0x0], $0xffff;
	_ =	sdelay $0x4  }
0x12a: {  	v56 =	vadd.s32 v13, v17;
	v19 =	vmul.f32 v19, v39;
	v20 =	vmul.f32 v55, v40  }
0x12b: {  	v57 =	vadd.s32 v14, v18  }
0x12c: {  	v19 =	vadd.f32 v20, v19;
	_ =	sdelay $0x1  }
0x12d: {  	[tilespmem:$0x1A050] =	vst v19  }
0x12e: {  	v19 =	vld.idx.msk [tilespmem:v56+s21+$0x0], $0xffff  }
0x12f: {  	v58 =	vld.idx.msk [tilespmem:v57+s21+$0x0], $0xffff;
	_ =	sdelay $0x4  }
0x130: {  	v17 =	vadd.s32 v15, v17;
	v19 =	vmul.f32 v19, v39;
	v20 =	vmul.f32 v58, v40  }
0x131: {  	v18 =	vadd.s32 v16, v18  }
0x132: {  	v19 =	vadd.f32 v20, v19;
	_ =	sdelay $0x1  }
0x133: {  	[tilespmem:$0x1A060] =	vst v19  }
0x134: {  	v17 =	vld.idx.msk [tilespmem:v17+s21+$0x0], $0xffff  }
0x135: {  	v18 =	vld.idx.msk [tilespmem:v18+s21+$0x0], $0xffff;
	_ =	sdelay $0x4  }
0x136: {  	v17 =	vmul.f32 v17, v39;
	v18 =	vmul.f32 v18, v40;
	_ =	sdelay $0x1  }
0x137: {  	v17 =	vadd.f32 v18, v17;
	_ =	sdelay $0x1  }
0x138: {  	[tilespmem:$0x1A070] =	vst v17  }
0x139: {  	[hbm4b:s6+s3] =	stream.linear.scatter [tilespmem:s28], [sflag:$0x4], $0x80, $0x38;
	[tilespmem:$0x1A080] =	vst v63  }
0x13a: {  	_ =	swait.ge [sflag:s10], $0x80  }
0x13b: {  	[sflag:s10] =	ssyncset.done $0x0  }
0x13c: {  	[sflag:s10] =	ssyncadd.s32 $0xFFFFFF80  }
0x13d: {  	_ =	swait.ge [sflag:s24], $0x4000  }
0x13e: {  	[sflag:s24] =	ssyncset.done $0x0  }
0x13f: {  	[sflag:s24] =	ssyncadd.s32 $0xFFFFC000  }
0x140: {  	_ =	swait.ge [sflag:s24], $0x4000  }
0x141: {  	[sflag:s24] =	ssyncset.done $0x0  }
0x142: {  	[sflag:s24] =	ssyncadd.s32 $0xFFFFC000  }
0x143: {  	v17 =	vld [tilespmem:$0xB00]  }
0x144: {  	v18 =	vld [tilespmem:$0xB80];
	_ =	sdelay $0x3  }
0x145: {  	v19 =	vadd.s32 v0, v17  }
0x146: {  	v59 =	vadd.s32 v2, v18;
	_ =	sdelay $0x1  }
0x147: {  	v60 =	vld [tilespmem:$0x1300]  }
0x148: {  	v61 =	vld [tilespmem:$0x1380]  }
0x149: {  	v19 =	vld.idx.msk [tilespmem:v19+s13+$0x0], $0xffff  }
0x14a: {  	v20 =	vld.idx.msk [tilespmem:v59+s13+$0x0], $0xffff;
	_ =	sdelay $0x4  }
0x14b: {  	v62 =	vadd.s32 v3, v17;
	v19 =	vmul.f32 v19, v60;
	v20 =	vmul.f32 v20, v61  }
0x14c: {  	v63 =	vadd.s32 v4, v18  }
0x14d: {  	v19 =	vadd.f32 v20, v19;
	_ =	sdelay $0x1  }
0x14e: {  	[tilespmem:$0x1A000] =	vst v19  }
0x14f: {  	v19 =	vld.idx.msk [tilespmem:v62+s13+$0x0], $0xffff  }
0x150: {  	v27 =	vld.idx.msk [tilespmem:v63+s13+$0x0], $0xffff;
	_ =	sdelay $0x4  }
0x151: {  	v28 =	vadd.s32 v5, v17;
	v19 =	vmul.f32 v19, v60;
	v20 =	vmul.f32 v27, v61  }
0x152: {  	v29 =	vadd.s32 v6, v18  }
0x153: {  	v19 =	vadd.f32 v20, v19;
	_ =	sdelay $0x1  }
0x154: {  	[tilespmem:$0x1A010] =	vst v19  }
0x155: {  	v19 =	vld.idx.msk [tilespmem:v28+s13+$0x0], $0xffff  }
0x156: {  	v30 =	vld.idx.msk [tilespmem:v29+s13+$0x0], $0xffff;
	_ =	sdelay $0x4  }
0x157: {  	v31 =	vadd.s32 v7, v17;
	v19 =	vmul.f32 v19, v60;
	v20 =	vmul.f32 v30, v61  }
0x158: {  	v32 =	vadd.s32 v8, v18  }
0x159: {  	v19 =	vadd.f32 v20, v19;
	_ =	sdelay $0x1  }
0x15a: {  	[tilespmem:$0x1A020] =	vst v19  }
0x15b: {  	v19 =	vld.idx.msk [tilespmem:v31+s13+$0x0], $0xffff  }
0x15c: {  	v33 =	vld.idx.msk [tilespmem:v32+s13+$0x0], $0xffff;
	_ =	sdelay $0x4  }
0x15d: {  	v34 =	vadd.s32 v9, v17;
	v19 =	vmul.f32 v19, v60;
	v20 =	vmul.f32 v33, v61  }
0x15e: {  	v35 =	vadd.s32 v10, v18  }
0x15f: {  	v19 =	vadd.f32 v20, v19;
	_ =	sdelay $0x1  }
0x160: {  	[tilespmem:$0x1A030] =	vst v19  }
0x161: {  	v19 =	vld.idx.msk [tilespmem:v34+s13+$0x0], $0xffff  }
0x162: {  	v36 =	vld.idx.msk [tilespmem:v35+s13+$0x0], $0xffff;
	_ =	sdelay $0x4  }
0x163: {  	v37 =	vadd.s32 v11, v17;
	v19 =	vmul.f32 v19, v60;
	v20 =	vmul.f32 v36, v61  }
0x164: {  	v38 =	vadd.s32 v12, v18  }
0x165: {  	v19 =	vadd.f32 v20, v19;
	_ =	sdelay $0x1  }
0x166: {  	[tilespmem:$0x1A040] =	vst v19  }
0x167: {  	v19 =	vld.idx.msk [tilespmem:v37+s13+$0x0], $0xffff  }
0x168: {  	v39 =	vld.idx.msk [tilespmem:v38+s13+$0x0], $0xffff;
	_ =	sdelay $0x4  }
0x169: {  	v40 =	vadd.s32 v13, v17;
	v19 =	vmul.f32 v19, v60;
	v20 =	vmul.f32 v39, v61  }
0x16a: {  	v41 =	vadd.s32 v14, v18  }
0x16b: {  	v19 =	vadd.f32 v20, v19;
	_ =	sdelay $0x1  }
0x16c: {  	[tilespmem:$0x1A050] =	vst v19  }
0x16d: {  	v19 =	vld.idx.msk [tilespmem:v40+s13+$0x0], $0xffff  }
0x16e: {  	v42 =	vld.idx.msk [tilespmem:v41+s13+$0x0], $0xffff;
	_ =	sdelay $0x4  }
0x16f: {  	v17 =	vadd.s32 v15, v17;
	v19 =	vmul.f32 v19, v60;
	v20 =	vmul.f32 v42, v61  }
0x170: {  	v18 =	vadd.s32 v16, v18  }
0x171: {  	v19 =	vadd.f32 v20, v19;
	_ =	sdelay $0x1  }
0x172: {  	[tilespmem:$0x1A060] =	vst v19  }
0x173: {  	v17 =	vld.idx.msk [tilespmem:v17+s13+$0x0], $0xffff  }
0x174: {  	v18 =	vld.idx.msk [tilespmem:v18+s13+$0x0], $0xffff;
	_ =	sdelay $0x4  }
0x175: {  	v17 =	vmul.f32 v17, v60;
	v18 =	vmul.f32 v18, v61;
	_ =	sdelay $0x1  }
0x176: {  	v17 =	vadd.f32 v18, v17;
	_ =	sdelay $0x1  }
0x177: {  	[tilespmem:$0x1A070] =	vst v17  }
0x178: {  	[hbm4b:s7+s3] =	stream.linear.scatter [tilespmem:s28], [sflag:$0x4], $0x80, $0x38;
	[tilespmem:$0x1A080] =	vst v63  }
0x179: {  	_ =	swait.ge [sflag:s10], $0x80  }
0x17a: {  	[sflag:s10] =	ssyncset.done $0x0  }
0x17b: {  	[sflag:s10] =	ssyncadd.s32 $0xFFFFFF80  }
0x17c: {  	_ =	swait.ge [sflag:s29], $0x4000  }
0x17d: {  	[sflag:s29] =	ssyncset.done $0x0  }
0x17e: {  	[sflag:s29] =	ssyncadd.s32 $0xFFFFC000  }
0x17f: {  	_ =	swait.ge [sflag:s29], $0x4000  }
0x180: {  	[sflag:s29] =	ssyncset.done $0x0  }
0x181: {  	[sflag:s29] =	ssyncadd.s32 $0xFFFFC000  }
0x182: {  	v17 =	vld [tilespmem:$0xC00]  }
0x183: {  	v18 =	vld [tilespmem:$0xC80];
	_ =	sdelay $0x3  }
0x184: {  	v19 =	vadd.s32 v0, v17  }
0x185: {  	v43 =	vadd.s32 v2, v18;
	_ =	sdelay $0x1  }
0x186: {  	v44 =	vld [tilespmem:$0x1400]  }
0x187: {  	v45 =	vld [tilespmem:$0x1480]  }
0x188: {  	v19 =	vld.idx.msk [tilespmem:v19+s17+$0x0], $0xffff  }
0x189: {  	v20 =	vld.idx.msk [tilespmem:v43+s17+$0x0], $0xffff;
	_ =	sdelay $0x4  }
0x18a: {  	v46 =	vadd.s32 v3, v17;
	v19 =	vmul.f32 v19, v44;
	v20 =	vmul.f32 v20, v45  }
0x18b: {  	v47 =	vadd.s32 v4, v18  }
0x18c: {  	v19 =	vadd.f32 v20, v19;
	_ =	sdelay $0x1  }
0x18d: {  	[tilespmem:$0x1A000] =	vst v19  }
0x18e: {  	v19 =	vld.idx.msk [tilespmem:v46+s17+$0x0], $0xffff  }
0x18f: {  	v48 =	vld.idx.msk [tilespmem:v47+s17+$0x0], $0xffff;
	_ =	sdelay $0x4  }
0x190: {  	v49 =	vadd.s32 v5, v17;
	v19 =	vmul.f32 v19, v44;
	v20 =	vmul.f32 v48, v45  }
0x191: {  	v50 =	vadd.s32 v6, v18  }
0x192: {  	v19 =	vadd.f32 v20, v19;
	_ =	sdelay $0x1  }
0x193: {  	[tilespmem:$0x1A010] =	vst v19  }
0x194: {  	v19 =	vld.idx.msk [tilespmem:v49+s17+$0x0], $0xffff  }
0x195: {  	v51 =	vld.idx.msk [tilespmem:v50+s17+$0x0], $0xffff;
	_ =	sdelay $0x4  }
0x196: {  	v52 =	vadd.s32 v7, v17;
	v19 =	vmul.f32 v19, v44;
	v20 =	vmul.f32 v51, v45  }
0x197: {  	v53 =	vadd.s32 v8, v18  }
0x198: {  	v19 =	vadd.f32 v20, v19;
	_ =	sdelay $0x1  }
0x199: {  	[tilespmem:$0x1A020] =	vst v19  }
0x19a: {  	v19 =	vld.idx.msk [tilespmem:v52+s17+$0x0], $0xffff  }
0x19b: {  	v54 =	vld.idx.msk [tilespmem:v53+s17+$0x0], $0xffff;
	_ =	sdelay $0x4  }
0x19c: {  	v55 =	vadd.s32 v9, v17;
	v19 =	vmul.f32 v19, v44;
	v20 =	vmul.f32 v54, v45  }
0x19d: {  	v56 =	vadd.s32 v10, v18  }
0x19e: {  	v19 =	vadd.f32 v20, v19;
	_ =	sdelay $0x1  }
0x19f: {  	[tilespmem:$0x1A030] =	vst v19  }
0x1a0: {  	v19 =	vld.idx.msk [tilespmem:v55+s17+$0x0], $0xffff  }
0x1a1: {  	v57 =	vld.idx.msk [tilespmem:v56+s17+$0x0], $0xffff;
	_ =	sdelay $0x4  }
0x1a2: {  	v58 =	vadd.s32 v11, v17;
	v19 =	vmul.f32 v19, v44;
	v20 =	vmul.f32 v57, v45  }
0x1a3: {  	v59 =	vadd.s32 v12, v18  }
0x1a4: {  	v19 =	vadd.f32 v20, v19;
	_ =	sdelay $0x1  }
0x1a5: {  	[tilespmem:$0x1A040] =	vst v19  }
0x1a6: {  	v19 =	vld.idx.msk [tilespmem:v58+s17+$0x0], $0xffff  }
0x1a7: {  	v60 =	vld.idx.msk [tilespmem:v59+s17+$0x0], $0xffff;
	_ =	sdelay $0x4  }
0x1a8: {  	v61 =	vadd.s32 v13, v17;
	v19 =	vmul.f32 v19, v44;
	v20 =	vmul.f32 v60, v45  }
0x1a9: {  	v62 =	vadd.s32 v14, v18  }
0x1aa: {  	v19 =	vadd.f32 v20, v19;
	_ =	sdelay $0x1  }
0x1ab: {  	[tilespmem:$0x1A050] =	vst v19  }
0x1ac: {  	v19 =	vld.idx.msk [tilespmem:v61+s17+$0x0], $0xffff  }
0x1ad: {  	v63 =	vld.idx.msk [tilespmem:v62+s17+$0x0], $0xffff;
	_ =	sdelay $0x4  }
0x1ae: {  	v17 =	vadd.s32 v15, v17;
	v19 =	vmul.f32 v19, v44;
	v20 =	vmul.f32 v63, v45  }
0x1af: {  	v18 =	vadd.s32 v16, v18  }
0x1b0: {  	v19 =	vadd.f32 v20, v19;
	_ =	sdelay $0x1  }
0x1b1: {  	[tilespmem:$0x1A060] =	vst v19  }
0x1b2: {  	v17 =	vld.idx.msk [tilespmem:v17+s17+$0x0], $0xffff  }
0x1b3: {  	v18 =	vld.idx.msk [tilespmem:v18+s17+$0x0], $0xffff;
	_ =	sdelay $0x4  }
0x1b4: {  	v17 =	vmul.f32 v17, v44;
	v18 =	vmul.f32 v18, v45;
	_ =	sdelay $0x1  }
0x1b5: {  	v17 =	vadd.f32 v18, v17  }
0x1b6: {  	p0 =	sne.s32 s9, $0x1  }
.Ltmp0:
0x1b7: {  	[tilespmem:$0x1A070] =	vst v17;
	(pc) =	sbr.rel @p0 .LBB2_1-.Ltmp0, $4  }
0x1b8: {  	[hbm4b:s8+s3] =	stream.linear.scatter [tilespmem:s28], [sflag:$0x4], $0x80, $0x38;
	[tilespmem:$0x1A080] =	vst v63  }
0x1b9: {  	_ =	swait.ge [sflag:s10], $0x80  }
0x1ba: {  	[sflag:s10] =	ssyncset.done $0x0  }
0x1bb: {  	s9 =	sadd.s32 $0xFFFFFFFF, s9;
	[sflag:s10] =	ssyncadd.s32 $0xFFFFFF80  }
0x1bc: {  	_ =	sfence.sel $0x180000  }
0x1bd: {  	[bflag:$0x0] =	sbarrier.arrive $0xFFFF  }
0x1be: {  	_ =	strace $0x90000047  }
0x1bf: {  	s0 =	stileid.u32;
	[bflag:$0x2] =	sbarrier.arrive $0xFFFF  }
0x1c0: {  	p0 =	sne.s32 s0, $0x0;
	s0 =	rddreg [dreg:$0x3]  }
0x1c1: {  	s0 =	sadd.s32 @!p0 $0x100000, s0  }
0x1c2: {  	[sflag:s0] =	ssyncadd.tile.s32 @!p0 $0x1;
	_ =	shalt  }
.Lfunc_end2:
_tile_overlayer_lowered:
.L_overlay_start_2:
0x1c3: {  	(tag) =	ssettag $0x2  }
0x1c4: {  	s0 =	rddreg [dreg:$0x0];
	s2 =	stileid.u32  }
0x1c5: {  	s1 =	rddreg [dreg:$0x1];
	p0 =	sne.s32 s2, $0x0  }
0x1c6: {  	s3 =	rddreg [dreg:$0x2];
	[bflag:$0x3] =	sbarrier.arrive $0xFFFF;
	s2 =	simm.s32 @!p0 $0x1C04  }
0x1c7: {  	[timem:s3], [sflag:s2] =	dma.local @!p0 [hbm:s0], s1  }
0x1c8: {  	s0 =	simm.s32 @!p0 $0x4  }
0x1c9: {  	_ =	swait.ge @!p0 [sflag:s0], s1  }
0x1ca: {  	s1 =	ssub.s32 @!p0 $0x0, s1;
	[sflag:s0] =	ssyncset.done @!p0 $0x0  }
0x1cb: {  	[sflag:s0] =	ssyncadd.s32 @!p0 s1  }
0x1cc: {  	[bflag:$0x3] =	sbarrier.arrive $0xFFFF  }
0x1cd: {  	_ =	shalt  }

</sc_bundles>
